<compile_context>
chip_gen: v7x
topology: tpu7x:2x2x1
jax: 0.10.2.dev20260603
libtpu: 0.0.44.dev20260713+nightly
codegen_flags: <defaults>
</compile_context>

<pallas_src>
import functools

import jax
import jax.numpy as jnp
from jax import lax
from jax.experimental import pallas as pl
from jax.experimental.pallas import tpu as pltpu
from jax.experimental.pallas import tpu_sc as plsc

D_FEATURE = 64
NUM_WORKERS = 32
CHUNK = 128
NBUF = 8
AHEAD = 4


@functools.lru_cache(maxsize=None)
def _build(n_total: int, d: int):
    b_per_w = n_total // NUM_WORKERS
    n_chunks = b_per_w // CHUNK
    n_steady = (n_chunks - NBUF - AHEAD) // NBUF
    steady_end = NBUF + n_steady * NBUF
    assert n_chunks >= NBUF + AHEAD and AHEAD <= NBUF - AHEAD
    mesh = plsc.VectorSubcoreMesh(core_axis_name="c", subcore_axis_name="s")

    @functools.partial(
        pl.kernel,
        mesh=mesh,
        out_type=jax.ShapeDtypeStruct((n_total, d), jnp.float32),
        compiler_params=pltpu.CompilerParams(use_tc_tiling_on_sc=False),
        scratch_types=[
            pltpu.VMEM((n_chunks, CHUNK), jnp.int32),
            pltpu.VMEM((NBUF, CHUNK, d), jnp.float32),
        ]
        + [pltpu.SemaphoreType.DMA] * (2 * NBUF),
    )
    def emb(x_hbm, table_hbm, out_hbm, idx_v, rows_v, *sems):
        gsems, wsems = sems[:NBUF], sems[NBUF:]
        wid = lax.axis_index("s") * 2 + lax.axis_index("c")
        base = wid * b_per_w
        pltpu.sync_copy(x_hbm.at[wid], idx_v)

        def start_gather(j, b):
            pltpu.async_copy(table_hbm.at[idx_v.at[j]], rows_v.at[b], gsems[b])

        def wait_gather(b):
            pltpu.make_async_copy(
                out_hbm.at[pl.ds(base, CHUNK)], rows_v.at[b], gsems[b]
            ).wait()

        def start_writeback(j, b):
            pltpu.async_copy(
                rows_v.at[b], out_hbm.at[pl.ds(base + j * CHUNK, CHUNK)], wsems[b]
            )

        def wait_writeback(b):
            pltpu.make_async_copy(
                rows_v.at[b], out_hbm.at[pl.ds(base, CHUNK)], wsems[b]
            ).wait()

        def chunk_step(j, b, do_wait_wb, do_issue):
            wait_gather(b)
            start_writeback(j, b)
            if do_issue:
                bn = (b + AHEAD) % NBUF
                if do_wait_wb:
                    wait_writeback(bn)
                start_gather(j + AHEAD, bn)

        for j in range(AHEAD):
            start_gather(j, j)
        for j in range(NBUF):
            chunk_step(j, j, do_wait_wb=(j >= NBUF - AHEAD), do_issue=True)

        def outer(o, carry):
            for b in range(NBUF):
                chunk_step(o * NBUF + b, b, do_wait_wb=True, do_issue=True)
            return carry

        lax.fori_loop(1, 1 + n_steady, outer, 0)

        for j in range(steady_end, n_chunks):
            chunk_step(j, j % NBUF, do_wait_wb=True, do_issue=(j + AHEAD < n_chunks))
        for j in range(n_chunks - NBUF, n_chunks):
            wait_writeback(j % NBUF)

    return emb


def kernel(x, table):
    b, h = x.shape
    n_total = b * h
    d = table.shape[1]
    x_tiled = x.astype(jnp.int32).reshape(
        NUM_WORKERS, n_total // (NUM_WORKERS * CHUNK), CHUNK
    )
    out = _build(n_total, d)(x_tiled, table)
    return out.reshape(b, h, d)

# --- scband reference (transcript-rebuilt; emitter-appended) ---
"""Pipeline reference for scband-action-76622216561106 (READ-ONLY COPY).

The authoritative reference and input builder live on the scoring server;
editing this copy changes nothing except your own understanding.
"""

import jax, jax.numpy as jnp
import numpy as np

VOCAB = 100000
D_FEATURE = 64
BATCH = 4096
HIST = 50


def setup_inputs(seed: int = 0) -> dict:
    key = jax.random.key(seed)
    k_idx, k_tab = jax.random.split(key)
    x = jax.random.randint(k_idx, (BATCH, HIST), 0, VOCAB, dtype=jnp.int64 if jax.config.read('jax_enable_x64') else jnp.int32)
    table = jax.random.normal(k_tab, (VOCAB, D_FEATURE), dtype=jnp.float32)
    return {"x": x, "table": table}


def reference(x, table):
    # nn.Embedding forward: gather rows of the embedding table
    return jnp.take(table, x, axis=0)

if __name__ == "__main__":
    import jax
    _d = setup_inputs()
    print(jax.jit(kernel)(*tuple(_d.values())))

</pallas_src>

<mosaic_0001>
#map = affine_map<(d0, d1) -> (0, 0, 0)>
#map1 = affine_map<(d0, d1) -> (0, 0)>
module attributes {stable_mosaic.version = 14 : i64} {
  func.func @emb(%arg0: i32, %arg1: i32, %arg2: memref<32x50x128xi32, #tpu.memory_space<hbm>>, %arg3: memref<100000x64xf32, #tpu.memory_space<hbm>>, %arg4: memref<204800x64xf32, #tpu.memory_space<hbm>>, %arg5: memref<50x128xi32, #tpu.memory_space<vmem>>, %arg6: memref<8x128x64xf32, #tpu.memory_space<vmem>>, %arg7: memref<!tpu.dma_semaphore, #tpu.memory_space<semaphore_mem>>, %arg8: memref<!tpu.dma_semaphore, #tpu.memory_space<semaphore_mem>>, %arg9: memref<!tpu.dma_semaphore, #tpu.memory_space<semaphore_mem>>, %arg10: memref<!tpu.dma_semaphore, #tpu.memory_space<semaphore_mem>>, %arg11: memref<!tpu.dma_semaphore, #tpu.memory_space<semaphore_mem>>, %arg12: memref<!tpu.dma_semaphore, #tpu.memory_space<semaphore_mem>>, %arg13: memref<!tpu.dma_semaphore, #tpu.memory_space<semaphore_mem>>, %arg14: memref<!tpu.dma_semaphore, #tpu.memory_space<semaphore_mem>>, %arg15: memref<!tpu.dma_semaphore, #tpu.memory_space<semaphore_mem>>, %arg16: memref<!tpu.dma_semaphore, #tpu.memory_space<semaphore_mem>>, %arg17: memref<!tpu.dma_semaphore, #tpu.memory_space<semaphore_mem>>, %arg18: memref<!tpu.dma_semaphore, #tpu.memory_space<semaphore_mem>>, %arg19: memref<!tpu.dma_semaphore, #tpu.memory_space<semaphore_mem>>, %arg20: memref<!tpu.dma_semaphore, #tpu.memory_space<semaphore_mem>>, %arg21: memref<!tpu.dma_semaphore, #tpu.memory_space<semaphore_mem>>, %arg22: memref<!tpu.dma_semaphore, #tpu.memory_space<semaphore_mem>>) attributes {dimension_semantics = [#tpu.dimension_semantics<core_parallel>, #tpu.dimension_semantics<subcore_parallel>], iteration_bounds = array<i64: 2, 16>, scalar_prefetch = 0 : i64, scratch_operands = 18 : i64, tpu.core_type = #tpu.core_type<sc_vector_subcore>, window_params = [{transform_indices = #map}, {transform_indices = #map1}, {transform_indices = #map1}]} {
    %mul3A = arith.constant 2 : i32
    %mul3A_0 = arith.muli %arg1, %mul3A : i32
    %add3A = arith.addi %mul3A_0, %arg0 : i32
    %mul3A_1 = arith.constant 6400 : i32
    %mul3A_2 = arith.muli %add3A, %mul3A_1 : i32
    "tpu.region"() ({
      %run_scoped3A = tpu.sem_alloc : memref<!tpu.dma_semaphore, #tpu.memory_space<semaphore_mem>>
      %dma_start3A_960 = arith.constant 0 : i32
      %dma_start3A_961 = arith.constant 0 : i32
      %dma_start3A_962 = tpu.memref_slice %arg2[%add3A, %dma_start3A_960, %dma_start3A_961] : memref<32x50x128xi32, #tpu.memory_space<hbm>> -> memref<1x50x128xi32, #tpu.memory_space<hbm>>
      %dma_start3A_963 = tpu.memref_squeeze %dma_start3A_962 : memref<1x50x128xi32, #tpu.memory_space<hbm>> -> memref<50x128xi32, #tpu.memory_space<hbm>>
      %dma_start3A_964 = arith.constant 0 : i32
      %dma_start3A_965 = arith.constant 0 : i32
      %dma_start3A_966 = tpu.memref_slice %arg2[%add3A, %dma_start3A_964, %dma_start3A_965] : memref<32x50x128xi32, #tpu.memory_space<hbm>> -> memref<1x50x128xi32, #tpu.memory_space<hbm>>
      %dma_start3A_967 = tpu.memref_squeeze %dma_start3A_966 : memref<1x50x128xi32, #tpu.memory_space<hbm>> -> memref<50x128xi32, #tpu.memory_space<hbm>>
      tpu.enqueue_dma source(%dma_start3A_967 : memref<50x128xi32, #tpu.memory_space<hbm>>) target(%arg5 : memref<50x128xi32, #tpu.memory_space<vmem>>) target_semaphore(%run_scoped3A : memref<!tpu.dma_semaphore, #tpu.memory_space<semaphore_mem>>)
      %dma_wait3A_968 = arith.constant 0 : i32
      %dma_wait3A_969 = arith.constant 0 : i32
      %dma_wait3A_970 = tpu.memref_slice %arg2[%add3A, %dma_wait3A_968, %dma_wait3A_969] : memref<32x50x128xi32, #tpu.memory_space<hbm>> -> memref<1x50x128xi32, #tpu.memory_space<hbm>>
      %dma_wait3A_971 = tpu.memref_squeeze %dma_wait3A_970 : memref<1x50x128xi32, #tpu.memory_space<hbm>> -> memref<50x128xi32, #tpu.memory_space<hbm>>
      %dma_wait3A_972 = arith.constant 0 : i32
      %dma_wait3A_973 = arith.constant 0 : i32
      %dma_wait3A_974 = tpu.memref_slice %arg2[%add3A, %dma_wait3A_972, %dma_wait3A_973] : memref<32x50x128xi32, #tpu.memory_space<hbm>> -> memref<1x50x128xi32, #tpu.memory_space<hbm>>
      %dma_wait3A_975 = tpu.memref_squeeze %dma_wait3A_974 : memref<1x50x128xi32, #tpu.memory_space<hbm>> -> memref<50x128xi32, #tpu.memory_space<hbm>>
      tpu.wait_dma2 semaphore(%run_scoped3A : memref<!tpu.dma_semaphore, #tpu.memory_space<semaphore_mem>>) src(%dma_wait3A_975 : memref<50x128xi32, #tpu.memory_space<hbm>>) dst(%arg5 : memref<50x128xi32, #tpu.memory_space<vmem>>)
      tpu.yield
    }) : () -> ()
    %dma_start3A = arith.constant 0 : i32
    %dma_start3A_3 = arith.constant 0 : i32
    %dma_start3A_4 = arith.constant 0 : i32
    %dma_start3A_5 = arith.constant 0 : i32
    %dma_start3A_6 = tpu.memref_slice %arg6[%dma_start3A_3, %dma_start3A_4, %dma_start3A_5] : memref<8x128x64xf32, #tpu.memory_space<vmem>> -> memref<1x128x64xf32, #tpu.memory_space<vmem>>
    %dma_start3A_7 = tpu.memref_squeeze %dma_start3A_6 : memref<1x128x64xf32, #tpu.memory_space<vmem>> -> memref<128x64xf32, #tpu.memory_space<vmem>>
    %dma_start3A_8 = arith.constant 0 : i32
    %dma_start3A_9 = tpu.memref_slice %arg5[%dma_start3A, %dma_start3A_8] : memref<50x128xi32, #tpu.memory_space<vmem>> -> memref<1x128xi32, #tpu.memory_space<vmem>>
    %dma_start3A_10 = tpu.memref_squeeze %dma_start3A_9 : memref<1x128xi32, #tpu.memory_space<vmem>> -> memref<128xi32, #tpu.memory_space<vmem>>
    %dma_start3A_11 = arith.constant 0 : i32
    %dma_start3A_12 = arith.constant 0 : i32
    %dma_start3A_13 = tpu.memref_slice %arg3[%dma_start3A_11, %dma_start3A_12] : memref<100000x64xf32, #tpu.memory_space<hbm>> -> memref<100000x64xf32, #tpu.memory_space<hbm>>
    tpu.enqueue_indirect_dma source(%dma_start3A_13 : memref<100000x64xf32, #tpu.memory_space<hbm>>) target(%dma_start3A_7 : memref<128x64xf32, #tpu.memory_space<vmem>>) offsets(%dma_start3A_10 : memref<128xi32, #tpu.memory_space<vmem>>) semaphore(%arg7 : memref<!tpu.dma_semaphore, #tpu.memory_space<semaphore_mem>>)
    %dma_start3A_14 = arith.constant 1 : i32
    %dma_start3A_15 = arith.constant 1 : i32
    %dma_start3A_16 = arith.constant 0 : i32
    %dma_start3A_17 = arith.constant 0 : i32
    %dma_start3A_18 = tpu.memref_slice %arg6[%dma_start3A_15, %dma_start3A_16, %dma_start3A_17] : memref<8x128x64xf32, #tpu.memory_space<vmem>> -> memref<1x128x64xf32, #tpu.memory_space<vmem>>
    %dma_start3A_19 = tpu.memref_squeeze %dma_start3A_18 : memref<1x128x64xf32, #tpu.memory_space<vmem>> -> memref<128x64xf32, #tpu.memory_space<vmem>>
    %dma_start3A_20 = arith.constant 0 : i32
    %dma_start3A_21 = tpu.memref_slice %arg5[%dma_start3A_14, %dma_start3A_20] : memref<50x128xi32, #tpu.memory_space<vmem>> -> memref<1x128xi32, #tpu.memory_space<vmem>>
    %dma_start3A_22 = tpu.memref_squeeze %dma_start3A_21 : memref<1x128xi32, #tpu.memory_space<vmem>> -> memref<128xi32, #tpu.memory_space<vmem>>
    %dma_start3A_23 = arith.constant 0 : i32
    %dma_start3A_24 = arith.constant 0 : i32
    %dma_start3A_25 = tpu.memref_slice %arg3[%dma_start3A_23, %dma_start3A_24] : memref<100000x64xf32, #tpu.memory_space<hbm>> -> memref<100000x64xf32, #tpu.memory_space<hbm>>
    tpu.enqueue_indirect_dma source(%dma_start3A_25 : memref<100000x64xf32, #tpu.memory_space<hbm>>) target(%dma_start3A_19 : memref<128x64xf32, #tpu.memory_space<vmem>>) offsets(%dma_start3A_22 : memref<128xi32, #tpu.memory_space<vmem>>) semaphore(%arg8 : memref<!tpu.dma_semaphore, #tpu.memory_space<semaphore_mem>>)
    %dma_start3A_26 = arith.constant 2 : i32
    %dma_start3A_27 = arith.constant 2 : i32
    %dma_start3A_28 = arith.constant 0 : i32
    %dma_start3A_29 = arith.constant 0 : i32
    %dma_start3A_30 = tpu.memref_slice %arg6[%dma_start3A_27, %dma_start3A_28, %dma_start3A_29] : memref<8x128x64xf32, #tpu.memory_space<vmem>> -> memref<1x128x64xf32, #tpu.memory_space<vmem>>
    %dma_start3A_31 = tpu.memref_squeeze %dma_start3A_30 : memref<1x128x64xf32, #tpu.memory_space<vmem>> -> memref<128x64xf32, #tpu.memory_space<vmem>>
    %dma_start3A_32 = arith.constant 0 : i32
    %dma_start3A_33 = tpu.memref_slice %arg5[%dma_start3A_26, %dma_start3A_32] : memref<50x128xi32, #tpu.memory_space<vmem>> -> memref<1x128xi32, #tpu.memory_space<vmem>>
    %dma_start3A_34 = tpu.memref_squeeze %dma_start3A_33 : memref<1x128xi32, #tpu.memory_space<vmem>> -> memref<128xi32, #tpu.memory_space<vmem>>
    %dma_start3A_35 = arith.constant 0 : i32
    %dma_start3A_36 = arith.constant 0 : i32
    %dma_start3A_37 = tpu.memref_slice %arg3[%dma_start3A_35, %dma_start3A_36] : memref<100000x64xf32, #tpu.memory_space<hbm>> -> memref<100000x64xf32, #tpu.memory_space<hbm>>
    tpu.enqueue_indirect_dma source(%dma_start3A_37 : memref<100000x64xf32, #tpu.memory_space<hbm>>) target(%dma_start3A_31 : memref<128x64xf32, #tpu.memory_space<vmem>>) offsets(%dma_start3A_34 : memref<128xi32, #tpu.memory_space<vmem>>) semaphore(%arg9 : memref<!tpu.dma_semaphore, #tpu.memory_space<semaphore_mem>>)
    %dma_start3A_38 = arith.constant 3 : i32
    %dma_start3A_39 = arith.constant 3 : i32
    %dma_start3A_40 = arith.constant 0 : i32
    %dma_start3A_41 = arith.constant 0 : i32
    %dma_start3A_42 = tpu.memref_slice %arg6[%dma_start3A_39, %dma_start3A_40, %dma_start3A_41] : memref<8x128x64xf32, #tpu.memory_space<vmem>> -> memref<1x128x64xf32, #tpu.memory_space<vmem>>
    %dma_start3A_43 = tpu.memref_squeeze %dma_start3A_42 : memref<1x128x64xf32, #tpu.memory_space<vmem>> -> memref<128x64xf32, #tpu.memory_space<vmem>>
    %dma_start3A_44 = arith.constant 0 : i32
    %dma_start3A_45 = tpu.memref_slice %arg5[%dma_start3A_38, %dma_start3A_44] : memref<50x128xi32, #tpu.memory_space<vmem>> -> memref<1x128xi32, #tpu.memory_space<vmem>>
    %dma_start3A_46 = tpu.memref_squeeze %dma_start3A_45 : memref<1x128xi32, #tpu.memory_space<vmem>> -> memref<128xi32, #tpu.memory_space<vmem>>
    %dma_start3A_47 = arith.constant 0 : i32
    %dma_start3A_48 = arith.constant 0 : i32
    %dma_start3A_49 = tpu.memref_slice %arg3[%dma_start3A_47, %dma_start3A_48] : memref<100000x64xf32, #tpu.memory_space<hbm>> -> memref<100000x64xf32, #tpu.memory_space<hbm>>
    tpu.enqueue_indirect_dma source(%dma_start3A_49 : memref<100000x64xf32, #tpu.memory_space<hbm>>) target(%dma_start3A_43 : memref<128x64xf32, #tpu.memory_space<vmem>>) offsets(%dma_start3A_46 : memref<128xi32, #tpu.memory_space<vmem>>) semaphore(%arg10 : memref<!tpu.dma_semaphore, #tpu.memory_space<semaphore_mem>>)
    %dma_wait3A = arith.constant 0 : i32
    %dma_wait3A_50 = arith.constant 0 : i32
    %dma_wait3A_51 = arith.constant 0 : i32
    %dma_wait3A_52 = tpu.memref_slice %arg6[%dma_wait3A, %dma_wait3A_50, %dma_wait3A_51] : memref<8x128x64xf32, #tpu.memory_space<vmem>> -> memref<1x128x64xf32, #tpu.memory_space<vmem>>
    %dma_wait3A_53 = tpu.memref_squeeze %dma_wait3A_52 : memref<1x128x64xf32, #tpu.memory_space<vmem>> -> memref<128x64xf32, #tpu.memory_space<vmem>>
    %dma_wait3A_54 = arith.constant 0 : i32
    %dma_wait3A_55 = tpu.memref_slice %arg4[%mul3A_2, %dma_wait3A_54] : memref<204800x64xf32, #tpu.memory_space<hbm>> -> memref<128x64xf32, #tpu.memory_space<hbm>>
    %dma_wait3A_56 = arith.constant 0 : i32
    %dma_wait3A_57 = arith.constant 0 : i32
    %dma_wait3A_58 = tpu.memref_slice %arg6[%dma_wait3A, %dma_wait3A_56, %dma_wait3A_57] : memref<8x128x64xf32, #tpu.memory_space<vmem>> -> memref<1x128x64xf32, #tpu.memory_space<vmem>>
    %dma_wait3A_59 = tpu.memref_squeeze %dma_wait3A_58 : memref<1x128x64xf32, #tpu.memory_space<vmem>> -> memref<128x64xf32, #tpu.memory_space<vmem>>
    %dma_wait3A_60 = arith.constant 0 : i32
    %dma_wait3A_61 = tpu.memref_slice %arg4[%mul3A_2, %dma_wait3A_60] : memref<204800x64xf32, #tpu.memory_space<hbm>> -> memref<128x64xf32, #tpu.memory_space<hbm>>
    tpu.wait_dma2 semaphore(%arg7 : memref<!tpu.dma_semaphore, #tpu.memory_space<semaphore_mem>>) src(%dma_wait3A_61 : memref<128x64xf32, #tpu.memory_space<hbm>>) dst(%dma_wait3A_59 : memref<128x64xf32, #tpu.memory_space<vmem>>)
    %add3A_62 = arith.constant 0 : i32
    %add3A_63 = arith.addi %mul3A_2, %add3A_62 : i32
    %dma_start3A_64 = arith.constant 0 : i32
    %dma_start3A_65 = arith.constant 0 : i32
    %dma_start3A_66 = arith.constant 0 : i32
    %dma_start3A_67 = tpu.memref_slice %arg6[%dma_start3A_64, %dma_start3A_65, %dma_start3A_66] : memref<8x128x64xf32, #tpu.memory_space<vmem>> -> memref<1x128x64xf32, #tpu.memory_space<vmem>>
    %dma_start3A_68 = tpu.memref_squeeze %dma_start3A_67 : memref<1x128x64xf32, #tpu.memory_space<vmem>> -> memref<128x64xf32, #tpu.memory_space<vmem>>
    %dma_start3A_69 = arith.constant 0 : i32
    %dma_start3A_70 = tpu.memref_slice %arg4[%add3A_63, %dma_start3A_69] : memref<204800x64xf32, #tpu.memory_space<hbm>> -> memref<128x64xf32, #tpu.memory_space<hbm>>
    %dma_start3A_71 = arith.constant 0 : i32
    %dma_start3A_72 = tpu.memref_slice %arg4[%add3A_63, %dma_start3A_71] : memref<204800x64xf32, #tpu.memory_space<hbm>> -> memref<128x64xf32, #tpu.memory_space<hbm>>
    %dma_start3A_73 = arith.constant 0 : i32
    %dma_start3A_74 = arith.constant 0 : i32
    %dma_start3A_75 = tpu.memref_slice %arg6[%dma_start3A_64, %dma_start3A_73, %dma_start3A_74] : memref<8x128x64xf32, #tpu.memory_space<vmem>> -> memref<1x128x64xf32, #tpu.memory_space<vmem>>
    %dma_start3A_76 = tpu.memref_squeeze %dma_start3A_75 : memref<1x128x64xf32, #tpu.memory_space<vmem>> -> memref<128x64xf32, #tpu.memory_space<vmem>>
    tpu.enqueue_dma source(%dma_start3A_76 : memref<128x64xf32, #tpu.memory_space<vmem>>) target(%dma_start3A_72 : memref<128x64xf32, #tpu.memory_space<hbm>>) target_semaphore(%arg15 : memref<!tpu.dma_semaphore, #tpu.memory_space<semaphore_mem>>)
    %dma_start3A_77 = arith.constant 4 : i32
    %dma_start3A_78 = arith.constant 4 : i32
    %dma_start3A_79 = arith.constant 0 : i32
    %dma_start3A_80 = arith.constant 0 : i32
    %dma_start3A_81 = tpu.memref_slice %arg6[%dma_start3A_78, %dma_start3A_79, %dma_start3A_80] : memref<8x128x64xf32, #tpu.memory_space<vmem>> -> memref<1x128x64xf32, #tpu.memory_space<vmem>>
    %dma_start3A_82 = tpu.memref_squeeze %dma_start3A_81 : memref<1x128x64xf32, #tpu.memory_space<vmem>> -> memref<128x64xf32, #tpu.memory_space<vmem>>
    %dma_start3A_83 = arith.constant 0 : i32
    %dma_start3A_84 = tpu.memref_slice %arg5[%dma_start3A_77, %dma_start3A_83] : memref<50x128xi32, #tpu.memory_space<vmem>> -> memref<1x128xi32, #tpu.memory_space<vmem>>
    %dma_start3A_85 = tpu.memref_squeeze %dma_start3A_84 : memref<1x128xi32, #tpu.memory_space<vmem>> -> memref<128xi32, #tpu.memory_space<vmem>>
    %dma_start3A_86 = arith.constant 0 : i32
    %dma_start3A_87 = arith.constant 0 : i32
    %dma_start3A_88 = tpu.memref_slice %arg3[%dma_start3A_86, %dma_start3A_87] : memref<100000x64xf32, #tpu.memory_space<hbm>> -> memref<100000x64xf32, #tpu.memory_space<hbm>>
    tpu.enqueue_indirect_dma source(%dma_start3A_88 : memref<100000x64xf32, #tpu.memory_space<hbm>>) target(%dma_start3A_82 : memref<128x64xf32, #tpu.memory_space<vmem>>) offsets(%dma_start3A_85 : memref<128xi32, #tpu.memory_space<vmem>>) semaphore(%arg11 : memref<!tpu.dma_semaphore, #tpu.memory_space<semaphore_mem>>)
    %dma_wait3A_89 = arith.constant 1 : i32
    %dma_wait3A_90 = arith.constant 0 : i32
    %dma_wait3A_91 = arith.constant 0 : i32
    %dma_wait3A_92 = tpu.memref_slice %arg6[%dma_wait3A_89, %dma_wait3A_90, %dma_wait3A_91] : memref<8x128x64xf32, #tpu.memory_space<vmem>> -> memref<1x128x64xf32, #tpu.memory_space<vmem>>
    %dma_wait3A_93 = tpu.memref_squeeze %dma_wait3A_92 : memref<1x128x64xf32, #tpu.memory_space<vmem>> -> memref<128x64xf32, #tpu.memory_space<vmem>>
    %dma_wait3A_94 = arith.constant 0 : i32
    %dma_wait3A_95 = tpu.memref_slice %arg4[%mul3A_2, %dma_wait3A_94] : memref<204800x64xf32, #tpu.memory_space<hbm>> -> memref<128x64xf32, #tpu.memory_space<hbm>>
    %dma_wait3A_96 = arith.constant 0 : i32
    %dma_wait3A_97 = arith.constant 0 : i32
    %dma_wait3A_98 = tpu.memref_slice %arg6[%dma_wait3A_89, %dma_wait3A_96, %dma_wait3A_97] : memref<8x128x64xf32, #tpu.memory_space<vmem>> -> memref<1x128x64xf32, #tpu.memory_space<vmem>>
    %dma_wait3A_99 = tpu.memref_squeeze %dma_wait3A_98 : memref<1x128x64xf32, #tpu.memory_space<vmem>> -> memref<128x64xf32, #tpu.memory_space<vmem>>
    %dma_wait3A_100 = arith.constant 0 : i32
    %dma_wait3A_101 = tpu.memref_slice %arg4[%mul3A_2, %dma_wait3A_100] : memref<204800x64xf32, #tpu.memory_space<hbm>> -> memref<128x64xf32, #tpu.memory_space<hbm>>
    tpu.wait_dma2 semaphore(%arg8 : memref<!tpu.dma_semaphore, #tpu.memory_space<semaphore_mem>>) src(%dma_wait3A_101 : memref<128x64xf32, #tpu.memory_space<hbm>>) dst(%dma_wait3A_99 : memref<128x64xf32, #tpu.memory_space<vmem>>)
    %add3A_102 = arith.constant 128 : i32
    %add3A_103 = arith.addi %mul3A_2, %add3A_102 : i32
    %dma_start3A_104 = arith.constant 1 : i32
    %dma_start3A_105 = arith.constant 0 : i32
    %dma_start3A_106 = arith.constant 0 : i32
    %dma_start3A_107 = tpu.memref_slice %arg6[%dma_start3A_104, %dma_start3A_105, %dma_start3A_106] : memref<8x128x64xf32, #tpu.memory_space<vmem>> -> memref<1x128x64xf32, #tpu.memory_space<vmem>>
    %dma_start3A_108 = tpu.memref_squeeze %dma_start3A_107 : memref<1x128x64xf32, #tpu.memory_space<vmem>> -> memref<128x64xf32, #tpu.memory_space<vmem>>
    %dma_start3A_109 = arith.constant 0 : i32
    %dma_start3A_110 = tpu.memref_slice %arg4[%add3A_103, %dma_start3A_109] : memref<204800x64xf32, #tpu.memory_space<hbm>> -> memref<128x64xf32, #tpu.memory_space<hbm>>
    %dma_start3A_111 = arith.constant 0 : i32
    %dma_start3A_112 = tpu.memref_slice %arg4[%add3A_103, %dma_start3A_111] : memref<204800x64xf32, #tpu.memory_space<hbm>> -> memref<128x64xf32, #tpu.memory_space<hbm>>
    %dma_start3A_113 = arith.constant 0 : i32
    %dma_start3A_114 = arith.constant 0 : i32
    %dma_start3A_115 = tpu.memref_slice %arg6[%dma_start3A_104, %dma_start3A_113, %dma_start3A_114] : memref<8x128x64xf32, #tpu.memory_space<vmem>> -> memref<1x128x64xf32, #tpu.memory_space<vmem>>
    %dma_start3A_116 = tpu.memref_squeeze %dma_start3A_115 : memref<1x128x64xf32, #tpu.memory_space<vmem>> -> memref<128x64xf32, #tpu.memory_space<vmem>>
    tpu.enqueue_dma source(%dma_start3A_116 : memref<128x64xf32, #tpu.memory_space<vmem>>) target(%dma_start3A_112 : memref<128x64xf32, #tpu.memory_space<hbm>>) target_semaphore(%arg16 : memref<!tpu.dma_semaphore, #tpu.memory_space<semaphore_mem>>)
    %dma_start3A_117 = arith.constant 5 : i32
    %dma_start3A_118 = arith.constant 5 : i32
    %dma_start3A_119 = arith.constant 0 : i32
    %dma_start3A_120 = arith.constant 0 : i32
    %dma_start3A_121 = tpu.memref_slice %arg6[%dma_start3A_118, %dma_start3A_119, %dma_start3A_120] : memref<8x128x64xf32, #tpu.memory_space<vmem>> -> memref<1x128x64xf32, #tpu.memory_space<vmem>>
    %dma_start3A_122 = tpu.memref_squeeze %dma_start3A_121 : memref<1x128x64xf32, #tpu.memory_space<vmem>> -> memref<128x64xf32, #tpu.memory_space<vmem>>
    %dma_start3A_123 = arith.constant 0 : i32
    %dma_start3A_124 = tpu.memref_slice %arg5[%dma_start3A_117, %dma_start3A_123] : memref<50x128xi32, #tpu.memory_space<vmem>> -> memref<1x128xi32, #tpu.memory_space<vmem>>
    %dma_start3A_125 = tpu.memref_squeeze %dma_start3A_124 : memref<1x128xi32, #tpu.memory_space<vmem>> -> memref<128xi32, #tpu.memory_space<vmem>>
    %dma_start3A_126 = arith.constant 0 : i32
    %dma_start3A_127 = arith.constant 0 : i32
    %dma_start3A_128 = tpu.memref_slice %arg3[%dma_start3A_126, %dma_start3A_127] : memref<100000x64xf32, #tpu.memory_space<hbm>> -> memref<100000x64xf32, #tpu.memory_space<hbm>>
    tpu.enqueue_indirect_dma source(%dma_start3A_128 : memref<100000x64xf32, #tpu.memory_space<hbm>>) target(%dma_start3A_122 : memref<128x64xf32, #tpu.memory_space<vmem>>) offsets(%dma_start3A_125 : memref<128xi32, #tpu.memory_space<vmem>>) semaphore(%arg12 : memref<!tpu.dma_semaphore, #tpu.memory_space<semaphore_mem>>)
    %dma_wait3A_129 = arith.constant 2 : i32
    %dma_wait3A_130 = arith.constant 0 : i32
    %dma_wait3A_131 = arith.constant 0 : i32
    %dma_wait3A_132 = tpu.memref_slice %arg6[%dma_wait3A_129, %dma_wait3A_130, %dma_wait3A_131] : memref<8x128x64xf32, #tpu.memory_space<vmem>> -> memref<1x128x64xf32, #tpu.memory_space<vmem>>
    %dma_wait3A_133 = tpu.memref_squeeze %dma_wait3A_132 : memref<1x128x64xf32, #tpu.memory_space<vmem>> -> memref<128x64xf32, #tpu.memory_space<vmem>>
    %dma_wait3A_134 = arith.constant 0 : i32
    %dma_wait3A_135 = tpu.memref_slice %arg4[%mul3A_2, %dma_wait3A_134] : memref<204800x64xf32, #tpu.memory_space<hbm>> -> memref<128x64xf32, #tpu.memory_space<hbm>>
    %dma_wait3A_136 = arith.constant 0 : i32
    %dma_wait3A_137 = arith.constant 0 : i32
    %dma_wait3A_138 = tpu.memref_slice %arg6[%dma_wait3A_129, %dma_wait3A_136, %dma_wait3A_137] : memref<8x128x64xf32, #tpu.memory_space<vmem>> -> memref<1x128x64xf32, #tpu.memory_space<vmem>>
    %dma_wait3A_139 = tpu.memref_squeeze %dma_wait3A_138 : memref<1x128x64xf32, #tpu.memory_space<vmem>> -> memref<128x64xf32, #tpu.memory_space<vmem>>
    %dma_wait3A_140 = arith.constant 0 : i32
    %dma_wait3A_141 = tpu.memref_slice %arg4[%mul3A_2, %dma_wait3A_140] : memref<204800x64xf32, #tpu.memory_space<hbm>> -> memref<128x64xf32, #tpu.memory_space<hbm>>
    tpu.wait_dma2 semaphore(%arg9 : memref<!tpu.dma_semaphore, #tpu.memory_space<semaphore_mem>>) src(%dma_wait3A_141 : memref<128x64xf32, #tpu.memory_space<hbm>>) dst(%dma_wait3A_139 : memref<128x64xf32, #tpu.memory_space<vmem>>)
    %add3A_142 = arith.constant 256 : i32
    %add3A_143 = arith.addi %mul3A_2, %add3A_142 : i32
    %dma_start3A_144 = arith.constant 2 : i32
    %dma_start3A_145 = arith.constant 0 : i32
    %dma_start3A_146 = arith.constant 0 : i32
    %dma_start3A_147 = tpu.memref_slice %arg6[%dma_start3A_144, %dma_start3A_145, %dma_start3A_146] : memref<8x128x64xf32, #tpu.memory_space<vmem>> -> memref<1x128x64xf32, #tpu.memory_space<vmem>>
    %dma_start3A_148 = tpu.memref_squeeze %dma_start3A_147 : memref<1x128x64xf32, #tpu.memory_space<vmem>> -> memref<128x64xf32, #tpu.memory_space<vmem>>
    %dma_start3A_149 = arith.constant 0 : i32
    %dma_start3A_150 = tpu.memref_slice %arg4[%add3A_143, %dma_start3A_149] : memref<204800x64xf32, #tpu.memory_space<hbm>> -> memref<128x64xf32, #tpu.memory_space<hbm>>
    %dma_start3A_151 = arith.constant 0 : i32
    %dma_start3A_152 = tpu.memref_slice %arg4[%add3A_143, %dma_start3A_151] : memref<204800x64xf32, #tpu.memory_space<hbm>> -> memref<128x64xf32, #tpu.memory_space<hbm>>
    %dma_start3A_153 = arith.constant 0 : i32
    %dma_start3A_154 = arith.constant 0 : i32
    %dma_start3A_155 = tpu.memref_slice %arg6[%dma_start3A_144, %dma_start3A_153, %dma_start3A_154] : memref<8x128x64xf32, #tpu.memory_space<vmem>> -> memref<1x128x64xf32, #tpu.memory_space<vmem>>
    %dma_start3A_156 = tpu.memref_squeeze %dma_start3A_155 : memref<1x128x64xf32, #tpu.memory_space<vmem>> -> memref<128x64xf32, #tpu.memory_space<vmem>>
    tpu.enqueue_dma source(%dma_start3A_156 : memref<128x64xf32, #tpu.memory_space<vmem>>) target(%dma_start3A_152 : memref<128x64xf32, #tpu.memory_space<hbm>>) target_semaphore(%arg17 : memref<!tpu.dma_semaphore, #tpu.memory_space<semaphore_mem>>)
    %dma_start3A_157 = arith.constant 6 : i32
    %dma_start3A_158 = arith.constant 6 : i32
    %dma_start3A_159 = arith.constant 0 : i32
    %dma_start3A_160 = arith.constant 0 : i32
    %dma_start3A_161 = tpu.memref_slice %arg6[%dma_start3A_158, %dma_start3A_159, %dma_start3A_160] : memref<8x128x64xf32, #tpu.memory_space<vmem>> -> memref<1x128x64xf32, #tpu.memory_space<vmem>>
    %dma_start3A_162 = tpu.memref_squeeze %dma_start3A_161 : memref<1x128x64xf32, #tpu.memory_space<vmem>> -> memref<128x64xf32, #tpu.memory_space<vmem>>
    %dma_start3A_163 = arith.constant 0 : i32
    %dma_start3A_164 = tpu.memref_slice %arg5[%dma_start3A_157, %dma_start3A_163] : memref<50x128xi32, #tpu.memory_space<vmem>> -> memref<1x128xi32, #tpu.memory_space<vmem>>
    %dma_start3A_165 = tpu.memref_squeeze %dma_start3A_164 : memref<1x128xi32, #tpu.memory_space<vmem>> -> memref<128xi32, #tpu.memory_space<vmem>>
    %dma_start3A_166 = arith.constant 0 : i32
    %dma_start3A_167 = arith.constant 0 : i32
    %dma_start3A_168 = tpu.memref_slice %arg3[%dma_start3A_166, %dma_start3A_167] : memref<100000x64xf32, #tpu.memory_space<hbm>> -> memref<100000x64xf32, #tpu.memory_space<hbm>>
    tpu.enqueue_indirect_dma source(%dma_start3A_168 : memref<100000x64xf32, #tpu.memory_space<hbm>>) target(%dma_start3A_162 : memref<128x64xf32, #tpu.memory_space<vmem>>) offsets(%dma_start3A_165 : memref<128xi32, #tpu.memory_space<vmem>>) semaphore(%arg13 : memref<!tpu.dma_semaphore, #tpu.memory_space<semaphore_mem>>)
    %dma_wait3A_169 = arith.constant 3 : i32
    %dma_wait3A_170 = arith.constant 0 : i32
    %dma_wait3A_171 = arith.constant 0 : i32
    %dma_wait3A_172 = tpu.memref_slice %arg6[%dma_wait3A_169, %dma_wait3A_170, %dma_wait3A_171] : memref<8x128x64xf32, #tpu.memory_space<vmem>> -> memref<1x128x64xf32, #tpu.memory_space<vmem>>
    %dma_wait3A_173 = tpu.memref_squeeze %dma_wait3A_172 : memref<1x128x64xf32, #tpu.memory_space<vmem>> -> memref<128x64xf32, #tpu.memory_space<vmem>>
    %dma_wait3A_174 = arith.constant 0 : i32
    %dma_wait3A_175 = tpu.memref_slice %arg4[%mul3A_2, %dma_wait3A_174] : memref<204800x64xf32, #tpu.memory_space<hbm>> -> memref<128x64xf32, #tpu.memory_space<hbm>>
    %dma_wait3A_176 = arith.constant 0 : i32
    %dma_wait3A_177 = arith.constant 0 : i32
    %dma_wait3A_178 = tpu.memref_slice %arg6[%dma_wait3A_169, %dma_wait3A_176, %dma_wait3A_177] : memref<8x128x64xf32, #tpu.memory_space<vmem>> -> memref<1x128x64xf32, #tpu.memory_space<vmem>>
    %dma_wait3A_179 = tpu.memref_squeeze %dma_wait3A_178 : memref<1x128x64xf32, #tpu.memory_space<vmem>> -> memref<128x64xf32, #tpu.memory_space<vmem>>
    %dma_wait3A_180 = arith.constant 0 : i32
    %dma_wait3A_181 = tpu.memref_slice %arg4[%mul3A_2, %dma_wait3A_180] : memref<204800x64xf32, #tpu.memory_space<hbm>> -> memref<128x64xf32, #tpu.memory_space<hbm>>
    tpu.wait_dma2 semaphore(%arg10 : memref<!tpu.dma_semaphore, #tpu.memory_space<semaphore_mem>>) src(%dma_wait3A_181 : memref<128x64xf32, #tpu.memory_space<hbm>>) dst(%dma_wait3A_179 : memref<128x64xf32, #tpu.memory_space<vmem>>)
    %add3A_182 = arith.constant 384 : i32
    %add3A_183 = arith.addi %mul3A_2, %add3A_182 : i32
    %dma_start3A_184 = arith.constant 3 : i32
    %dma_start3A_185 = arith.constant 0 : i32
    %dma_start3A_186 = arith.constant 0 : i32
    %dma_start3A_187 = tpu.memref_slice %arg6[%dma_start3A_184, %dma_start3A_185, %dma_start3A_186] : memref<8x128x64xf32, #tpu.memory_space<vmem>> -> memref<1x128x64xf32, #tpu.memory_space<vmem>>
    %dma_start3A_188 = tpu.memref_squeeze %dma_start3A_187 : memref<1x128x64xf32, #tpu.memory_space<vmem>> -> memref<128x64xf32, #tpu.memory_space<vmem>>
    %dma_start3A_189 = arith.constant 0 : i32
    %dma_start3A_190 = tpu.memref_slice %arg4[%add3A_183, %dma_start3A_189] : memref<204800x64xf32, #tpu.memory_space<hbm>> -> memref<128x64xf32, #tpu.memory_space<hbm>>
    %dma_start3A_191 = arith.constant 0 : i32
    %dma_start3A_192 = tpu.memref_slice %arg4[%add3A_183, %dma_start3A_191] : memref<204800x64xf32, #tpu.memory_space<hbm>> -> memref<128x64xf32, #tpu.memory_space<hbm>>
    %dma_start3A_193 = arith.constant 0 : i32
    %dma_start3A_194 = arith.constant 0 : i32
    %dma_start3A_195 = tpu.memref_slice %arg6[%dma_start3A_184, %dma_start3A_193, %dma_start3A_194] : memref<8x128x64xf32, #tpu.memory_space<vmem>> -> memref<1x128x64xf32, #tpu.memory_space<vmem>>
    %dma_start3A_196 = tpu.memref_squeeze %dma_start3A_195 : memref<1x128x64xf32, #tpu.memory_space<vmem>> -> memref<128x64xf32, #tpu.memory_space<vmem>>
    tpu.enqueue_dma source(%dma_start3A_196 : memref<128x64xf32, #tpu.memory_space<vmem>>) target(%dma_start3A_192 : memref<128x64xf32, #tpu.memory_space<hbm>>) target_semaphore(%arg18 : memref<!tpu.dma_semaphore, #tpu.memory_space<semaphore_mem>>)
    %dma_start3A_197 = arith.constant 7 : i32
    %dma_start3A_198 = arith.constant 7 : i32
    %dma_start3A_199 = arith.constant 0 : i32
    %dma_start3A_200 = arith.constant 0 : i32
    %dma_start3A_201 = tpu.memref_slice %arg6[%dma_start3A_198, %dma_start3A_199, %dma_start3A_200] : memref<8x128x64xf32, #tpu.memory_space<vmem>> -> memref<1x128x64xf32, #tpu.memory_space<vmem>>
    %dma_start3A_202 = tpu.memref_squeeze %dma_start3A_201 : memref<1x128x64xf32, #tpu.memory_space<vmem>> -> memref<128x64xf32, #tpu.memory_space<vmem>>
    %dma_start3A_203 = arith.constant 0 : i32
    %dma_start3A_204 = tpu.memref_slice %arg5[%dma_start3A_197, %dma_start3A_203] : memref<50x128xi32, #tpu.memory_space<vmem>> -> memref<1x128xi32, #tpu.memory_space<vmem>>
    %dma_start3A_205 = tpu.memref_squeeze %dma_start3A_204 : memref<1x128xi32, #tpu.memory_space<vmem>> -> memref<128xi32, #tpu.memory_space<vmem>>
    %dma_start3A_206 = arith.constant 0 : i32
    %dma_start3A_207 = arith.constant 0 : i32
    %dma_start3A_208 = tpu.memref_slice %arg3[%dma_start3A_206, %dma_start3A_207] : memref<100000x64xf32, #tpu.memory_space<hbm>> -> memref<100000x64xf32, #tpu.memory_space<hbm>>
    tpu.enqueue_indirect_dma source(%dma_start3A_208 : memref<100000x64xf32, #tpu.memory_space<hbm>>) target(%dma_start3A_202 : memref<128x64xf32, #tpu.memory_space<vmem>>) offsets(%dma_start3A_205 : memref<128xi32, #tpu.memory_space<vmem>>) semaphore(%arg14 : memref<!tpu.dma_semaphore, #tpu.memory_space<semaphore_mem>>)
    %dma_wait3A_209 = arith.constant 4 : i32
    %dma_wait3A_210 = arith.constant 0 : i32
    %dma_wait3A_211 = arith.constant 0 : i32
    %dma_wait3A_212 = tpu.memref_slice %arg6[%dma_wait3A_209, %dma_wait3A_210, %dma_wait3A_211] : memref<8x128x64xf32, #tpu.memory_space<vmem>> -> memref<1x128x64xf32, #tpu.memory_space<vmem>>
    %dma_wait3A_213 = tpu.memref_squeeze %dma_wait3A_212 : memref<1x128x64xf32, #tpu.memory_space<vmem>> -> memref<128x64xf32, #tpu.memory_space<vmem>>
    %dma_wait3A_214 = arith.constant 0 : i32
    %dma_wait3A_215 = tpu.memref_slice %arg4[%mul3A_2, %dma_wait3A_214] : memref<204800x64xf32, #tpu.memory_space<hbm>> -> memref<128x64xf32, #tpu.memory_space<hbm>>
    %dma_wait3A_216 = arith.constant 0 : i32
    %dma_wait3A_217 = arith.constant 0 : i32
    %dma_wait3A_218 = tpu.memref_slice %arg6[%dma_wait3A_209, %dma_wait3A_216, %dma_wait3A_217] : memref<8x128x64xf32, #tpu.memory_space<vmem>> -> memref<1x128x64xf32, #tpu.memory_space<vmem>>
    %dma_wait3A_219 = tpu.memref_squeeze %dma_wait3A_218 : memref<1x128x64xf32, #tpu.memory_space<vmem>> -> memref<128x64xf32, #tpu.memory_space<vmem>>
    %dma_wait3A_220 = arith.constant 0 : i32
    %dma_wait3A_221 = tpu.memref_slice %arg4[%mul3A_2, %dma_wait3A_220] : memref<204800x64xf32, #tpu.memory_space<hbm>> -> memref<128x64xf32, #tpu.memory_space<hbm>>
    tpu.wait_dma2 semaphore(%arg11 : memref<!tpu.dma_semaphore, #tpu.memory_space<semaphore_mem>>) src(%dma_wait3A_221 : memref<128x64xf32, #tpu.memory_space<hbm>>) dst(%dma_wait3A_219 : memref<128x64xf32, #tpu.memory_space<vmem>>)
    %add3A_222 = arith.constant 512 : i32
    %add3A_223 = arith.addi %mul3A_2, %add3A_222 : i32
    %dma_start3A_224 = arith.constant 4 : i32
    %dma_start3A_225 = arith.constant 0 : i32
    %dma_start3A_226 = arith.constant 0 : i32
    %dma_start3A_227 = tpu.memref_slice %arg6[%dma_start3A_224, %dma_start3A_225, %dma_start3A_226] : memref<8x128x64xf32, #tpu.memory_space<vmem>> -> memref<1x128x64xf32, #tpu.memory_space<vmem>>
    %dma_start3A_228 = tpu.memref_squeeze %dma_start3A_227 : memref<1x128x64xf32, #tpu.memory_space<vmem>> -> memref<128x64xf32, #tpu.memory_space<vmem>>
    %dma_start3A_229 = arith.constant 0 : i32
    %dma_start3A_230 = tpu.memref_slice %arg4[%add3A_223, %dma_start3A_229] : memref<204800x64xf32, #tpu.memory_space<hbm>> -> memref<128x64xf32, #tpu.memory_space<hbm>>
    %dma_start3A_231 = arith.constant 0 : i32
    %dma_start3A_232 = tpu.memref_slice %arg4[%add3A_223, %dma_start3A_231] : memref<204800x64xf32, #tpu.memory_space<hbm>> -> memref<128x64xf32, #tpu.memory_space<hbm>>
    %dma_start3A_233 = arith.constant 0 : i32
    %dma_start3A_234 = arith.constant 0 : i32
    %dma_start3A_235 = tpu.memref_slice %arg6[%dma_start3A_224, %dma_start3A_233, %dma_start3A_234] : memref<8x128x64xf32, #tpu.memory_space<vmem>> -> memref<1x128x64xf32, #tpu.memory_space<vmem>>
    %dma_start3A_236 = tpu.memref_squeeze %dma_start3A_235 : memref<1x128x64xf32, #tpu.memory_space<vmem>> -> memref<128x64xf32, #tpu.memory_space<vmem>>
    tpu.enqueue_dma source(%dma_start3A_236 : memref<128x64xf32, #tpu.memory_space<vmem>>) target(%dma_start3A_232 : memref<128x64xf32, #tpu.memory_space<hbm>>) target_semaphore(%arg19 : memref<!tpu.dma_semaphore, #tpu.memory_space<semaphore_mem>>)
    %dma_wait3A_237 = arith.constant 0 : i32
    %dma_wait3A_238 = arith.constant 0 : i32
    %dma_wait3A_239 = arith.constant 0 : i32
    %dma_wait3A_240 = tpu.memref_slice %arg6[%dma_wait3A_237, %dma_wait3A_238, %dma_wait3A_239] : memref<8x128x64xf32, #tpu.memory_space<vmem>> -> memref<1x128x64xf32, #tpu.memory_space<vmem>>
    %dma_wait3A_241 = tpu.memref_squeeze %dma_wait3A_240 : memref<1x128x64xf32, #tpu.memory_space<vmem>> -> memref<128x64xf32, #tpu.memory_space<vmem>>
    %dma_wait3A_242 = arith.constant 0 : i32
    %dma_wait3A_243 = tpu.memref_slice %arg4[%mul3A_2, %dma_wait3A_242] : memref<204800x64xf32, #tpu.memory_space<hbm>> -> memref<128x64xf32, #tpu.memory_space<hbm>>
    %dma_wait3A_244 = arith.constant 0 : i32
    %dma_wait3A_245 = tpu.memref_slice %arg4[%mul3A_2, %dma_wait3A_244] : memref<204800x64xf32, #tpu.memory_space<hbm>> -> memref<128x64xf32, #tpu.memory_space<hbm>>
    %dma_wait3A_246 = arith.constant 0 : i32
    %dma_wait3A_247 = arith.constant 0 : i32
    %dma_wait3A_248 = tpu.memref_slice %arg6[%dma_wait3A_237, %dma_wait3A_246, %dma_wait3A_247] : memref<8x128x64xf32, #tpu.memory_space<vmem>> -> memref<1x128x64xf32, #tpu.memory_space<vmem>>
    %dma_wait3A_249 = tpu.memref_squeeze %dma_wait3A_248 : memref<1x128x64xf32, #tpu.memory_space<vmem>> -> memref<128x64xf32, #tpu.memory_space<vmem>>
    tpu.wait_dma2 semaphore(%arg15 : memref<!tpu.dma_semaphore, #tpu.memory_space<semaphore_mem>>) src(%dma_wait3A_249 : memref<128x64xf32, #tpu.memory_space<vmem>>) dst(%dma_wait3A_245 : memref<128x64xf32, #tpu.memory_space<hbm>>)
    %dma_start3A_250 = arith.constant 8 : i32
    %dma_start3A_251 = arith.constant 0 : i32
    %dma_start3A_252 = arith.constant 0 : i32
    %dma_start3A_253 = arith.constant 0 : i32
    %dma_start3A_254 = tpu.memref_slice %arg6[%dma_start3A_251, %dma_start3A_252, %dma_start3A_253] : memref<8x128x64xf32, #tpu.memory_space<vmem>> -> memref<1x128x64xf32, #tpu.memory_space<vmem>>
    %dma_start3A_255 = tpu.memref_squeeze %dma_start3A_254 : memref<1x128x64xf32, #tpu.memory_space<vmem>> -> memref<128x64xf32, #tpu.memory_space<vmem>>
    %dma_start3A_256 = arith.constant 0 : i32
    %dma_start3A_257 = tpu.memref_slice %arg5[%dma_start3A_250, %dma_start3A_256] : memref<50x128xi32, #tpu.memory_space<vmem>> -> memref<1x128xi32, #tpu.memory_space<vmem>>
    %dma_start3A_258 = tpu.memref_squeeze %dma_start3A_257 : memref<1x128xi32, #tpu.memory_space<vmem>> -> memref<128xi32, #tpu.memory_space<vmem>>
    %dma_start3A_259 = arith.constant 0 : i32
    %dma_start3A_260 = arith.constant 0 : i32
    %dma_start3A_261 = tpu.memref_slice %arg3[%dma_start3A_259, %dma_start3A_260] : memref<100000x64xf32, #tpu.memory_space<hbm>> -> memref<100000x64xf32, #tpu.memory_space<hbm>>
    tpu.enqueue_indirect_dma source(%dma_start3A_261 : memref<100000x64xf32, #tpu.memory_space<hbm>>) target(%dma_start3A_255 : memref<128x64xf32, #tpu.memory_space<vmem>>) offsets(%dma_start3A_258 : memref<128xi32, #tpu.memory_space<vmem>>) semaphore(%arg7 : memref<!tpu.dma_semaphore, #tpu.memory_space<semaphore_mem>>)
    %dma_wait3A_262 = arith.constant 5 : i32
    %dma_wait3A_263 = arith.constant 0 : i32
    %dma_wait3A_264 = arith.constant 0 : i32
    %dma_wait3A_265 = tpu.memref_slice %arg6[%dma_wait3A_262, %dma_wait3A_263, %dma_wait3A_264] : memref<8x128x64xf32, #tpu.memory_space<vmem>> -> memref<1x128x64xf32, #tpu.memory_space<vmem>>
    %dma_wait3A_266 = tpu.memref_squeeze %dma_wait3A_265 : memref<1x128x64xf32, #tpu.memory_space<vmem>> -> memref<128x64xf32, #tpu.memory_space<vmem>>
    %dma_wait3A_267 = arith.constant 0 : i32
    %dma_wait3A_268 = tpu.memref_slice %arg4[%mul3A_2, %dma_wait3A_267] : memref<204800x64xf32, #tpu.memory_space<hbm>> -> memref<128x64xf32, #tpu.memory_space<hbm>>
    %dma_wait3A_269 = arith.constant 0 : i32
    %dma_wait3A_270 = arith.constant 0 : i32
    %dma_wait3A_271 = tpu.memref_slice %arg6[%dma_wait3A_262, %dma_wait3A_269, %dma_wait3A_270] : memref<8x128x64xf32, #tpu.memory_space<vmem>> -> memref<1x128x64xf32, #tpu.memory_space<vmem>>
    %dma_wait3A_272 = tpu.memref_squeeze %dma_wait3A_271 : memref<1x128x64xf32, #tpu.memory_space<vmem>> -> memref<128x64xf32, #tpu.memory_space<vmem>>
    %dma_wait3A_273 = arith.constant 0 : i32
    %dma_wait3A_274 = tpu.memref_slice %arg4[%mul3A_2, %dma_wait3A_273] : memref<204800x64xf32, #tpu.memory_space<hbm>> -> memref<128x64xf32, #tpu.memory_space<hbm>>
    tpu.wait_dma2 semaphore(%arg12 : memref<!tpu.dma_semaphore, #tpu.memory_space<semaphore_mem>>) src(%dma_wait3A_274 : memref<128x64xf32, #tpu.memory_space<hbm>>) dst(%dma_wait3A_272 : memref<128x64xf32, #tpu.memory_space<vmem>>)
    %add3A_275 = arith.constant 640 : i32
    %add3A_276 = arith.addi %mul3A_2, %add3A_275 : i32
    %dma_start3A_277 = arith.constant 5 : i32
    %dma_start3A_278 = arith.constant 0 : i32
    %dma_start3A_279 = arith.constant 0 : i32
    %dma_start3A_280 = tpu.memref_slice %arg6[%dma_start3A_277, %dma_start3A_278, %dma_start3A_279] : memref<8x128x64xf32, #tpu.memory_space<vmem>> -> memref<1x128x64xf32, #tpu.memory_space<vmem>>
    %dma_start3A_281 = tpu.memref_squeeze %dma_start3A_280 : memref<1x128x64xf32, #tpu.memory_space<vmem>> -> memref<128x64xf32, #tpu.memory_space<vmem>>
    %dma_start3A_282 = arith.constant 0 : i32
    %dma_start3A_283 = tpu.memref_slice %arg4[%add3A_276, %dma_start3A_282] : memref<204800x64xf32, #tpu.memory_space<hbm>> -> memref<128x64xf32, #tpu.memory_space<hbm>>
    %dma_start3A_284 = arith.constant 0 : i32
    %dma_start3A_285 = tpu.memref_slice %arg4[%add3A_276, %dma_start3A_284] : memref<204800x64xf32, #tpu.memory_space<hbm>> -> memref<128x64xf32, #tpu.memory_space<hbm>>
    %dma_start3A_286 = arith.constant 0 : i32
    %dma_start3A_287 = arith.constant 0 : i32
    %dma_start3A_288 = tpu.memref_slice %arg6[%dma_start3A_277, %dma_start3A_286, %dma_start3A_287] : memref<8x128x64xf32, #tpu.memory_space<vmem>> -> memref<1x128x64xf32, #tpu.memory_space<vmem>>
    %dma_start3A_289 = tpu.memref_squeeze %dma_start3A_288 : memref<1x128x64xf32, #tpu.memory_space<vmem>> -> memref<128x64xf32, #tpu.memory_space<vmem>>
    tpu.enqueue_dma source(%dma_start3A_289 : memref<128x64xf32, #tpu.memory_space<vmem>>) target(%dma_start3A_285 : memref<128x64xf32, #tpu.memory_space<hbm>>) target_semaphore(%arg20 : memref<!tpu.dma_semaphore, #tpu.memory_space<semaphore_mem>>)
    %dma_wait3A_290 = arith.constant 1 : i32
    %dma_wait3A_291 = arith.constant 0 : i32
    %dma_wait3A_292 = arith.constant 0 : i32
    %dma_wait3A_293 = tpu.memref_slice %arg6[%dma_wait3A_290, %dma_wait3A_291, %dma_wait3A_292] : memref<8x128x64xf32, #tpu.memory_space<vmem>> -> memref<1x128x64xf32, #tpu.memory_space<vmem>>
    %dma_wait3A_294 = tpu.memref_squeeze %dma_wait3A_293 : memref<1x128x64xf32, #tpu.memory_space<vmem>> -> memref<128x64xf32, #tpu.memory_space<vmem>>
    %dma_wait3A_295 = arith.constant 0 : i32
    %dma_wait3A_296 = tpu.memref_slice %arg4[%mul3A_2, %dma_wait3A_295] : memref<204800x64xf32, #tpu.memory_space<hbm>> -> memref<128x64xf32, #tpu.memory_space<hbm>>
    %dma_wait3A_297 = arith.constant 0 : i32
    %dma_wait3A_298 = tpu.memref_slice %arg4[%mul3A_2, %dma_wait3A_297] : memref<204800x64xf32, #tpu.memory_space<hbm>> -> memref<128x64xf32, #tpu.memory_space<hbm>>
    %dma_wait3A_299 = arith.constant 0 : i32
    %dma_wait3A_300 = arith.constant 0 : i32
    %dma_wait3A_301 = tpu.memref_slice %arg6[%dma_wait3A_290, %dma_wait3A_299, %dma_wait3A_300] : memref<8x128x64xf32, #tpu.memory_space<vmem>> -> memref<1x128x64xf32, #tpu.memory_space<vmem>>
    %dma_wait3A_302 = tpu.memref_squeeze %dma_wait3A_301 : memref<1x128x64xf32, #tpu.memory_space<vmem>> -> memref<128x64xf32, #tpu.memory_space<vmem>>
    tpu.wait_dma2 semaphore(%arg16 : memref<!tpu.dma_semaphore, #tpu.memory_space<semaphore_mem>>) src(%dma_wait3A_302 : memref<128x64xf32, #tpu.memory_space<vmem>>) dst(%dma_wait3A_298 : memref<128x64xf32, #tpu.memory_space<hbm>>)
    %dma_start3A_303 = arith.constant 9 : i32
    %dma_start3A_304 = arith.constant 1 : i32
    %dma_start3A_305 = arith.constant 0 : i32
    %dma_start3A_306 = arith.constant 0 : i32
    %dma_start3A_307 = tpu.memref_slice %arg6[%dma_start3A_304, %dma_start3A_305, %dma_start3A_306] : memref<8x128x64xf32, #tpu.memory_space<vmem>> -> memref<1x128x64xf32, #tpu.memory_space<vmem>>
    %dma_start3A_308 = tpu.memref_squeeze %dma_start3A_307 : memref<1x128x64xf32, #tpu.memory_space<vmem>> -> memref<128x64xf32, #tpu.memory_space<vmem>>
    %dma_start3A_309 = arith.constant 0 : i32
    %dma_start3A_310 = tpu.memref_slice %arg5[%dma_start3A_303, %dma_start3A_309] : memref<50x128xi32, #tpu.memory_space<vmem>> -> memref<1x128xi32, #tpu.memory_space<vmem>>
    %dma_start3A_311 = tpu.memref_squeeze %dma_start3A_310 : memref<1x128xi32, #tpu.memory_space<vmem>> -> memref<128xi32, #tpu.memory_space<vmem>>
    %dma_start3A_312 = arith.constant 0 : i32
    %dma_start3A_313 = arith.constant 0 : i32
    %dma_start3A_314 = tpu.memref_slice %arg3[%dma_start3A_312, %dma_start3A_313] : memref<100000x64xf32, #tpu.memory_space<hbm>> -> memref<100000x64xf32, #tpu.memory_space<hbm>>
    tpu.enqueue_indirect_dma source(%dma_start3A_314 : memref<100000x64xf32, #tpu.memory_space<hbm>>) target(%dma_start3A_308 : memref<128x64xf32, #tpu.memory_space<vmem>>) offsets(%dma_start3A_311 : memref<128xi32, #tpu.memory_space<vmem>>) semaphore(%arg8 : memref<!tpu.dma_semaphore, #tpu.memory_space<semaphore_mem>>)
    %dma_wait3A_315 = arith.constant 6 : i32
    %dma_wait3A_316 = arith.constant 0 : i32
    %dma_wait3A_317 = arith.constant 0 : i32
    %dma_wait3A_318 = tpu.memref_slice %arg6[%dma_wait3A_315, %dma_wait3A_316, %dma_wait3A_317] : memref<8x128x64xf32, #tpu.memory_space<vmem>> -> memref<1x128x64xf32, #tpu.memory_space<vmem>>
    %dma_wait3A_319 = tpu.memref_squeeze %dma_wait3A_318 : memref<1x128x64xf32, #tpu.memory_space<vmem>> -> memref<128x64xf32, #tpu.memory_space<vmem>>
    %dma_wait3A_320 = arith.constant 0 : i32
    %dma_wait3A_321 = tpu.memref_slice %arg4[%mul3A_2, %dma_wait3A_320] : memref<204800x64xf32, #tpu.memory_space<hbm>> -> memref<128x64xf32, #tpu.memory_space<hbm>>
    %dma_wait3A_322 = arith.constant 0 : i32
    %dma_wait3A_323 = arith.constant 0 : i32
    %dma_wait3A_324 = tpu.memref_slice %arg6[%dma_wait3A_315, %dma_wait3A_322, %dma_wait3A_323] : memref<8x128x64xf32, #tpu.memory_space<vmem>> -> memref<1x128x64xf32, #tpu.memory_space<vmem>>
    %dma_wait3A_325 = tpu.memref_squeeze %dma_wait3A_324 : memref<1x128x64xf32, #tpu.memory_space<vmem>> -> memref<128x64xf32, #tpu.memory_space<vmem>>
    %dma_wait3A_326 = arith.constant 0 : i32
    %dma_wait3A_327 = tpu.memref_slice %arg4[%mul3A_2, %dma_wait3A_326] : memref<204800x64xf32, #tpu.memory_space<hbm>> -> memref<128x64xf32, #tpu.memory_space<hbm>>
    tpu.wait_dma2 semaphore(%arg13 : memref<!tpu.dma_semaphore, #tpu.memory_space<semaphore_mem>>) src(%dma_wait3A_327 : memref<128x64xf32, #tpu.memory_space<hbm>>) dst(%dma_wait3A_325 : memref<128x64xf32, #tpu.memory_space<vmem>>)
    %add3A_328 = arith.constant 768 : i32
    %add3A_329 = arith.addi %mul3A_2, %add3A_328 : i32
    %dma_start3A_330 = arith.constant 6 : i32
    %dma_start3A_331 = arith.constant 0 : i32
    %dma_start3A_332 = arith.constant 0 : i32
    %dma_start3A_333 = tpu.memref_slice %arg6[%dma_start3A_330, %dma_start3A_331, %dma_start3A_332] : memref<8x128x64xf32, #tpu.memory_space<vmem>> -> memref<1x128x64xf32, #tpu.memory_space<vmem>>
    %dma_start3A_334 = tpu.memref_squeeze %dma_start3A_333 : memref<1x128x64xf32, #tpu.memory_space<vmem>> -> memref<128x64xf32, #tpu.memory_space<vmem>>
    %dma_start3A_335 = arith.constant 0 : i32
    %dma_start3A_336 = tpu.memref_slice %arg4[%add3A_329, %dma_start3A_335] : memref<204800x64xf32, #tpu.memory_space<hbm>> -> memref<128x64xf32, #tpu.memory_space<hbm>>
    %dma_start3A_337 = arith.constant 0 : i32
    %dma_start3A_338 = tpu.memref_slice %arg4[%add3A_329, %dma_start3A_337] : memref<204800x64xf32, #tpu.memory_space<hbm>> -> memref<128x64xf32, #tpu.memory_space<hbm>>
    %dma_start3A_339 = arith.constant 0 : i32
    %dma_start3A_340 = arith.constant 0 : i32
    %dma_start3A_341 = tpu.memref_slice %arg6[%dma_start3A_330, %dma_start3A_339, %dma_start3A_340] : memref<8x128x64xf32, #tpu.memory_space<vmem>> -> memref<1x128x64xf32, #tpu.memory_space<vmem>>
    %dma_start3A_342 = tpu.memref_squeeze %dma_start3A_341 : memref<1x128x64xf32, #tpu.memory_space<vmem>> -> memref<128x64xf32, #tpu.memory_space<vmem>>
    tpu.enqueue_dma source(%dma_start3A_342 : memref<128x64xf32, #tpu.memory_space<vmem>>) target(%dma_start3A_338 : memref<128x64xf32, #tpu.memory_space<hbm>>) target_semaphore(%arg21 : memref<!tpu.dma_semaphore, #tpu.memory_space<semaphore_mem>>)
    %dma_wait3A_343 = arith.constant 2 : i32
    %dma_wait3A_344 = arith.constant 0 : i32
    %dma_wait3A_345 = arith.constant 0 : i32
    %dma_wait3A_346 = tpu.memref_slice %arg6[%dma_wait3A_343, %dma_wait3A_344, %dma_wait3A_345] : memref<8x128x64xf32, #tpu.memory_space<vmem>> -> memref<1x128x64xf32, #tpu.memory_space<vmem>>
    %dma_wait3A_347 = tpu.memref_squeeze %dma_wait3A_346 : memref<1x128x64xf32, #tpu.memory_space<vmem>> -> memref<128x64xf32, #tpu.memory_space<vmem>>
    %dma_wait3A_348 = arith.constant 0 : i32
    %dma_wait3A_349 = tpu.memref_slice %arg4[%mul3A_2, %dma_wait3A_348] : memref<204800x64xf32, #tpu.memory_space<hbm>> -> memref<128x64xf32, #tpu.memory_space<hbm>>
    %dma_wait3A_350 = arith.constant 0 : i32
    %dma_wait3A_351 = tpu.memref_slice %arg4[%mul3A_2, %dma_wait3A_350] : memref<204800x64xf32, #tpu.memory_space<hbm>> -> memref<128x64xf32, #tpu.memory_space<hbm>>
    %dma_wait3A_352 = arith.constant 0 : i32
    %dma_wait3A_353 = arith.constant 0 : i32
    %dma_wait3A_354 = tpu.memref_slice %arg6[%dma_wait3A_343, %dma_wait3A_352, %dma_wait3A_353] : memref<8x128x64xf32, #tpu.memory_space<vmem>> -> memref<1x128x64xf32, #tpu.memory_space<vmem>>
    %dma_wait3A_355 = tpu.memref_squeeze %dma_wait3A_354 : memref<1x128x64xf32, #tpu.memory_space<vmem>> -> memref<128x64xf32, #tpu.memory_space<vmem>>
    tpu.wait_dma2 semaphore(%arg17 : memref<!tpu.dma_semaphore, #tpu.memory_space<semaphore_mem>>) src(%dma_wait3A_355 : memref<128x64xf32, #tpu.memory_space<vmem>>) dst(%dma_wait3A_351 : memref<128x64xf32, #tpu.memory_space<hbm>>)
    %dma_start3A_356 = arith.constant 10 : i32
    %dma_start3A_357 = arith.constant 2 : i32
    %dma_start3A_358 = arith.constant 0 : i32
    %dma_start3A_359 = arith.constant 0 : i32
    %dma_start3A_360 = tpu.memref_slice %arg6[%dma_start3A_357, %dma_start3A_358, %dma_start3A_359] : memref<8x128x64xf32, #tpu.memory_space<vmem>> -> memref<1x128x64xf32, #tpu.memory_space<vmem>>
    %dma_start3A_361 = tpu.memref_squeeze %dma_start3A_360 : memref<1x128x64xf32, #tpu.memory_space<vmem>> -> memref<128x64xf32, #tpu.memory_space<vmem>>
    %dma_start3A_362 = arith.constant 0 : i32
    %dma_start3A_363 = tpu.memref_slice %arg5[%dma_start3A_356, %dma_start3A_362] : memref<50x128xi32, #tpu.memory_space<vmem>> -> memref<1x128xi32, #tpu.memory_space<vmem>>
    %dma_start3A_364 = tpu.memref_squeeze %dma_start3A_363 : memref<1x128xi32, #tpu.memory_space<vmem>> -> memref<128xi32, #tpu.memory_space<vmem>>
    %dma_start3A_365 = arith.constant 0 : i32
    %dma_start3A_366 = arith.constant 0 : i32
    %dma_start3A_367 = tpu.memref_slice %arg3[%dma_start3A_365, %dma_start3A_366] : memref<100000x64xf32, #tpu.memory_space<hbm>> -> memref<100000x64xf32, #tpu.memory_space<hbm>>
    tpu.enqueue_indirect_dma source(%dma_start3A_367 : memref<100000x64xf32, #tpu.memory_space<hbm>>) target(%dma_start3A_361 : memref<128x64xf32, #tpu.memory_space<vmem>>) offsets(%dma_start3A_364 : memref<128xi32, #tpu.memory_space<vmem>>) semaphore(%arg9 : memref<!tpu.dma_semaphore, #tpu.memory_space<semaphore_mem>>)
    %dma_wait3A_368 = arith.constant 7 : i32
    %dma_wait3A_369 = arith.constant 0 : i32
    %dma_wait3A_370 = arith.constant 0 : i32
    %dma_wait3A_371 = tpu.memref_slice %arg6[%dma_wait3A_368, %dma_wait3A_369, %dma_wait3A_370] : memref<8x128x64xf32, #tpu.memory_space<vmem>> -> memref<1x128x64xf32, #tpu.memory_space<vmem>>
    %dma_wait3A_372 = tpu.memref_squeeze %dma_wait3A_371 : memref<1x128x64xf32, #tpu.memory_space<vmem>> -> memref<128x64xf32, #tpu.memory_space<vmem>>
    %dma_wait3A_373 = arith.constant 0 : i32
    %dma_wait3A_374 = tpu.memref_slice %arg4[%mul3A_2, %dma_wait3A_373] : memref<204800x64xf32, #tpu.memory_space<hbm>> -> memref<128x64xf32, #tpu.memory_space<hbm>>
    %dma_wait3A_375 = arith.constant 0 : i32
    %dma_wait3A_376 = arith.constant 0 : i32
    %dma_wait3A_377 = tpu.memref_slice %arg6[%dma_wait3A_368, %dma_wait3A_375, %dma_wait3A_376] : memref<8x128x64xf32, #tpu.memory_space<vmem>> -> memref<1x128x64xf32, #tpu.memory_space<vmem>>
    %dma_wait3A_378 = tpu.memref_squeeze %dma_wait3A_377 : memref<1x128x64xf32, #tpu.memory_space<vmem>> -> memref<128x64xf32, #tpu.memory_space<vmem>>
    %dma_wait3A_379 = arith.constant 0 : i32
    %dma_wait3A_380 = tpu.memref_slice %arg4[%mul3A_2, %dma_wait3A_379] : memref<204800x64xf32, #tpu.memory_space<hbm>> -> memref<128x64xf32, #tpu.memory_space<hbm>>
    tpu.wait_dma2 semaphore(%arg14 : memref<!tpu.dma_semaphore, #tpu.memory_space<semaphore_mem>>) src(%dma_wait3A_380 : memref<128x64xf32, #tpu.memory_space<hbm>>) dst(%dma_wait3A_378 : memref<128x64xf32, #tpu.memory_space<vmem>>)
    %add3A_381 = arith.constant 896 : i32
    %add3A_382 = arith.addi %mul3A_2, %add3A_381 : i32
    %dma_start3A_383 = arith.constant 7 : i32
    %dma_start3A_384 = arith.constant 0 : i32
    %dma_start3A_385 = arith.constant 0 : i32
    %dma_start3A_386 = tpu.memref_slice %arg6[%dma_start3A_383, %dma_start3A_384, %dma_start3A_385] : memref<8x128x64xf32, #tpu.memory_space<vmem>> -> memref<1x128x64xf32, #tpu.memory_space<vmem>>
    %dma_start3A_387 = tpu.memref_squeeze %dma_start3A_386 : memref<1x128x64xf32, #tpu.memory_space<vmem>> -> memref<128x64xf32, #tpu.memory_space<vmem>>
    %dma_start3A_388 = arith.constant 0 : i32
    %dma_start3A_389 = tpu.memref_slice %arg4[%add3A_382, %dma_start3A_388] : memref<204800x64xf32, #tpu.memory_space<hbm>> -> memref<128x64xf32, #tpu.memory_space<hbm>>
    %dma_start3A_390 = arith.constant 0 : i32
    %dma_start3A_391 = tpu.memref_slice %arg4[%add3A_382, %dma_start3A_390] : memref<204800x64xf32, #tpu.memory_space<hbm>> -> memref<128x64xf32, #tpu.memory_space<hbm>>
    %dma_start3A_392 = arith.constant 0 : i32
    %dma_start3A_393 = arith.constant 0 : i32
    %dma_start3A_394 = tpu.memref_slice %arg6[%dma_start3A_383, %dma_start3A_392, %dma_start3A_393] : memref<8x128x64xf32, #tpu.memory_space<vmem>> -> memref<1x128x64xf32, #tpu.memory_space<vmem>>
    %dma_start3A_395 = tpu.memref_squeeze %dma_start3A_394 : memref<1x128x64xf32, #tpu.memory_space<vmem>> -> memref<128x64xf32, #tpu.memory_space<vmem>>
    tpu.enqueue_dma source(%dma_start3A_395 : memref<128x64xf32, #tpu.memory_space<vmem>>) target(%dma_start3A_391 : memref<128x64xf32, #tpu.memory_space<hbm>>) target_semaphore(%arg22 : memref<!tpu.dma_semaphore, #tpu.memory_space<semaphore_mem>>)
    %dma_wait3A_396 = arith.constant 3 : i32
    %dma_wait3A_397 = arith.constant 0 : i32
    %dma_wait3A_398 = arith.constant 0 : i32
    %dma_wait3A_399 = tpu.memref_slice %arg6[%dma_wait3A_396, %dma_wait3A_397, %dma_wait3A_398] : memref<8x128x64xf32, #tpu.memory_space<vmem>> -> memref<1x128x64xf32, #tpu.memory_space<vmem>>
    %dma_wait3A_400 = tpu.memref_squeeze %dma_wait3A_399 : memref<1x128x64xf32, #tpu.memory_space<vmem>> -> memref<128x64xf32, #tpu.memory_space<vmem>>
    %dma_wait3A_401 = arith.constant 0 : i32
    %dma_wait3A_402 = tpu.memref_slice %arg4[%mul3A_2, %dma_wait3A_401] : memref<204800x64xf32, #tpu.memory_space<hbm>> -> memref<128x64xf32, #tpu.memory_space<hbm>>
    %dma_wait3A_403 = arith.constant 0 : i32
    %dma_wait3A_404 = tpu.memref_slice %arg4[%mul3A_2, %dma_wait3A_403] : memref<204800x64xf32, #tpu.memory_space<hbm>> -> memref<128x64xf32, #tpu.memory_space<hbm>>
    %dma_wait3A_405 = arith.constant 0 : i32
    %dma_wait3A_406 = arith.constant 0 : i32
    %dma_wait3A_407 = tpu.memref_slice %arg6[%dma_wait3A_396, %dma_wait3A_405, %dma_wait3A_406] : memref<8x128x64xf32, #tpu.memory_space<vmem>> -> memref<1x128x64xf32, #tpu.memory_space<vmem>>
    %dma_wait3A_408 = tpu.memref_squeeze %dma_wait3A_407 : memref<1x128x64xf32, #tpu.memory_space<vmem>> -> memref<128x64xf32, #tpu.memory_space<vmem>>
    tpu.wait_dma2 semaphore(%arg18 : memref<!tpu.dma_semaphore, #tpu.memory_space<semaphore_mem>>) src(%dma_wait3A_408 : memref<128x64xf32, #tpu.memory_space<vmem>>) dst(%dma_wait3A_404 : memref<128x64xf32, #tpu.memory_space<hbm>>)
    %dma_start3A_409 = arith.constant 11 : i32
    %dma_start3A_410 = arith.constant 3 : i32
    %dma_start3A_411 = arith.constant 0 : i32
    %dma_start3A_412 = arith.constant 0 : i32
    %dma_start3A_413 = tpu.memref_slice %arg6[%dma_start3A_410, %dma_start3A_411, %dma_start3A_412] : memref<8x128x64xf32, #tpu.memory_space<vmem>> -> memref<1x128x64xf32, #tpu.memory_space<vmem>>
    %dma_start3A_414 = tpu.memref_squeeze %dma_start3A_413 : memref<1x128x64xf32, #tpu.memory_space<vmem>> -> memref<128x64xf32, #tpu.memory_space<vmem>>
    %dma_start3A_415 = arith.constant 0 : i32
    %dma_start3A_416 = tpu.memref_slice %arg5[%dma_start3A_409, %dma_start3A_415] : memref<50x128xi32, #tpu.memory_space<vmem>> -> memref<1x128xi32, #tpu.memory_space<vmem>>
    %dma_start3A_417 = tpu.memref_squeeze %dma_start3A_416 : memref<1x128xi32, #tpu.memory_space<vmem>> -> memref<128xi32, #tpu.memory_space<vmem>>
    %dma_start3A_418 = arith.constant 0 : i32
    %dma_start3A_419 = arith.constant 0 : i32
    %dma_start3A_420 = tpu.memref_slice %arg3[%dma_start3A_418, %dma_start3A_419] : memref<100000x64xf32, #tpu.memory_space<hbm>> -> memref<100000x64xf32, #tpu.memory_space<hbm>>
    tpu.enqueue_indirect_dma source(%dma_start3A_420 : memref<100000x64xf32, #tpu.memory_space<hbm>>) target(%dma_start3A_414 : memref<128x64xf32, #tpu.memory_space<vmem>>) offsets(%dma_start3A_417 : memref<128xi32, #tpu.memory_space<vmem>>) semaphore(%arg10 : memref<!tpu.dma_semaphore, #tpu.memory_space<semaphore_mem>>)
    %scan3A = arith.constant 0 : i32
    %scan3A_421 = arith.constant 1 : i32
    %scan3A_422 = arith.constant 4 : i32
    %scan3A_423 = arith.addi %scan3A_421, %scan3A_422 : i32
    %scan3A_424 = arith.constant 1 : i32
    scf.for %scan3A_960 = %scan3A_421 to %scan3A_423 step %scan3A_424  : i32 {
      %mul3A_961 = arith.constant 8 : i32
      %mul3A_962 = arith.muli %scan3A_960, %mul3A_961 : i32
      %add3A_963 = arith.constant 0 : i32
      %add3A_964 = arith.addi %mul3A_962, %add3A_963 : i32
      %dma_wait3A_965 = arith.constant 0 : i32
      %dma_wait3A_966 = arith.constant 0 : i32
      %dma_wait3A_967 = arith.constant 0 : i32
      %dma_wait3A_968 = tpu.memref_slice %arg6[%dma_wait3A_965, %dma_wait3A_966, %dma_wait3A_967] : memref<8x128x64xf32, #tpu.memory_space<vmem>> -> memref<1x128x64xf32, #tpu.memory_space<vmem>>
      %dma_wait3A_969 = tpu.memref_squeeze %dma_wait3A_968 : memref<1x128x64xf32, #tpu.memory_space<vmem>> -> memref<128x64xf32, #tpu.memory_space<vmem>>
      %dma_wait3A_970 = arith.constant 0 : i32
      %dma_wait3A_971 = tpu.memref_slice %arg4[%mul3A_2, %dma_wait3A_970] : memref<204800x64xf32, #tpu.memory_space<hbm>> -> memref<128x64xf32, #tpu.memory_space<hbm>>
      %dma_wait3A_972 = arith.constant 0 : i32
      %dma_wait3A_973 = arith.constant 0 : i32
      %dma_wait3A_974 = tpu.memref_slice %arg6[%dma_wait3A_965, %dma_wait3A_972, %dma_wait3A_973] : memref<8x128x64xf32, #tpu.memory_space<vmem>> -> memref<1x128x64xf32, #tpu.memory_space<vmem>>
      %dma_wait3A_975 = tpu.memref_squeeze %dma_wait3A_974 : memref<1x128x64xf32, #tpu.memory_space<vmem>> -> memref<128x64xf32, #tpu.memory_space<vmem>>
      %dma_wait3A_976 = arith.constant 0 : i32
      %dma_wait3A_977 = tpu.memref_slice %arg4[%mul3A_2, %dma_wait3A_976] : memref<204800x64xf32, #tpu.memory_space<hbm>> -> memref<128x64xf32, #tpu.memory_space<hbm>>
      tpu.wait_dma2 semaphore(%arg7 : memref<!tpu.dma_semaphore, #tpu.memory_space<semaphore_mem>>) src(%dma_wait3A_977 : memref<128x64xf32, #tpu.memory_space<hbm>>) dst(%dma_wait3A_975 : memref<128x64xf32, #tpu.memory_space<vmem>>)
      %mul3A_978 = arith.constant 128 : i32
      %mul3A_979 = arith.muli %add3A_964, %mul3A_978 : i32
      %add3A_980 = arith.addi %mul3A_2, %mul3A_979 : i32
      %dma_start3A_981 = arith.constant 0 : i32
      %dma_start3A_982 = arith.constant 0 : i32
      %dma_start3A_983 = arith.constant 0 : i32
      %dma_start3A_984 = tpu.memref_slice %arg6[%dma_start3A_981, %dma_start3A_982, %dma_start3A_983] : memref<8x128x64xf32, #tpu.memory_space<vmem>> -> memref<1x128x64xf32, #tpu.memory_space<vmem>>
      %dma_start3A_985 = tpu.memref_squeeze %dma_start3A_984 : memref<1x128x64xf32, #tpu.memory_space<vmem>> -> memref<128x64xf32, #tpu.memory_space<vmem>>
      %dma_start3A_986 = arith.constant 0 : i32
      %dma_start3A_987 = tpu.memref_slice %arg4[%add3A_980, %dma_start3A_986] : memref<204800x64xf32, #tpu.memory_space<hbm>> -> memref<128x64xf32, #tpu.memory_space<hbm>>
      %dma_start3A_988 = arith.constant 0 : i32
      %dma_start3A_989 = tpu.memref_slice %arg4[%add3A_980, %dma_start3A_988] : memref<204800x64xf32, #tpu.memory_space<hbm>> -> memref<128x64xf32, #tpu.memory_space<hbm>>
      %dma_start3A_990 = arith.constant 0 : i32
      %dma_start3A_991 = arith.constant 0 : i32
      %dma_start3A_992 = tpu.memref_slice %arg6[%dma_start3A_981, %dma_start3A_990, %dma_start3A_991] : memref<8x128x64xf32, #tpu.memory_space<vmem>> -> memref<1x128x64xf32, #tpu.memory_space<vmem>>
      %dma_start3A_993 = tpu.memref_squeeze %dma_start3A_992 : memref<1x128x64xf32, #tpu.memory_space<vmem>> -> memref<128x64xf32, #tpu.memory_space<vmem>>
      tpu.enqueue_dma source(%dma_start3A_993 : memref<128x64xf32, #tpu.memory_space<vmem>>) target(%dma_start3A_989 : memref<128x64xf32, #tpu.memory_space<hbm>>) target_semaphore(%arg15 : memref<!tpu.dma_semaphore, #tpu.memory_space<semaphore_mem>>)
      %dma_wait3A_994 = arith.constant 4 : i32
      %dma_wait3A_995 = arith.constant 0 : i32
      %dma_wait3A_996 = arith.constant 0 : i32
      %dma_wait3A_997 = tpu.memref_slice %arg6[%dma_wait3A_994, %dma_wait3A_995, %dma_wait3A_996] : memref<8x128x64xf32, #tpu.memory_space<vmem>> -> memref<1x128x64xf32, #tpu.memory_space<vmem>>
      %dma_wait3A_998 = tpu.memref_squeeze %dma_wait3A_997 : memref<1x128x64xf32, #tpu.memory_space<vmem>> -> memref<128x64xf32, #tpu.memory_space<vmem>>
      %dma_wait3A_999 = arith.constant 0 : i32
      %dma_wait3A_1000 = tpu.memref_slice %arg4[%mul3A_2, %dma_wait3A_999] : memref<204800x64xf32, #tpu.memory_space<hbm>> -> memref<128x64xf32, #tpu.memory_space<hbm>>
      %dma_wait3A_1001 = arith.constant 0 : i32
      %dma_wait3A_1002 = tpu.memref_slice %arg4[%mul3A_2, %dma_wait3A_1001] : memref<204800x64xf32, #tpu.memory_space<hbm>> -> memref<128x64xf32, #tpu.memory_space<hbm>>
      %dma_wait3A_1003 = arith.constant 0 : i32
      %dma_wait3A_1004 = arith.constant 0 : i32
      %dma_wait3A_1005 = tpu.memref_slice %arg6[%dma_wait3A_994, %dma_wait3A_1003, %dma_wait3A_1004] : memref<8x128x64xf32, #tpu.memory_space<vmem>> -> memref<1x128x64xf32, #tpu.memory_space<vmem>>
      %dma_wait3A_1006 = tpu.memref_squeeze %dma_wait3A_1005 : memref<1x128x64xf32, #tpu.memory_space<vmem>> -> memref<128x64xf32, #tpu.memory_space<vmem>>
      tpu.wait_dma2 semaphore(%arg19 : memref<!tpu.dma_semaphore, #tpu.memory_space<semaphore_mem>>) src(%dma_wait3A_1006 : memref<128x64xf32, #tpu.memory_space<vmem>>) dst(%dma_wait3A_1002 : memref<128x64xf32, #tpu.memory_space<hbm>>)
      %add3A_1007 = arith.constant 4 : i32
      %add3A_1008 = arith.addi %add3A_964, %add3A_1007 : i32
      %dma_start3A_1009 = arith.constant 4 : i32
      %dma_start3A_1010 = arith.constant 0 : i32
      %dma_start3A_1011 = arith.constant 0 : i32
      %dma_start3A_1012 = tpu.memref_slice %arg6[%dma_start3A_1009, %dma_start3A_1010, %dma_start3A_1011] : memref<8x128x64xf32, #tpu.memory_space<vmem>> -> memref<1x128x64xf32, #tpu.memory_space<vmem>>
      %dma_start3A_1013 = tpu.memref_squeeze %dma_start3A_1012 : memref<1x128x64xf32, #tpu.memory_space<vmem>> -> memref<128x64xf32, #tpu.memory_space<vmem>>
      %dma_start3A_1014 = arith.constant 0 : i32
      %dma_start3A_1015 = tpu.memref_slice %arg5[%add3A_1008, %dma_start3A_1014] : memref<50x128xi32, #tpu.memory_space<vmem>> -> memref<1x128xi32, #tpu.memory_space<vmem>>
      %dma_start3A_1016 = tpu.memref_squeeze %dma_start3A_1015 : memref<1x128xi32, #tpu.memory_space<vmem>> -> memref<128xi32, #tpu.memory_space<vmem>>
      %dma_start3A_1017 = arith.constant 0 : i32
      %dma_start3A_1018 = arith.constant 0 : i32
      %dma_start3A_1019 = tpu.memref_slice %arg3[%dma_start3A_1017, %dma_start3A_1018] : memref<100000x64xf32, #tpu.memory_space<hbm>> -> memref<100000x64xf32, #tpu.memory_space<hbm>>
      tpu.enqueue_indirect_dma source(%dma_start3A_1019 : memref<100000x64xf32, #tpu.memory_space<hbm>>) target(%dma_start3A_1013 : memref<128x64xf32, #tpu.memory_space<vmem>>) offsets(%dma_start3A_1016 : memref<128xi32, #tpu.memory_space<vmem>>) semaphore(%arg11 : memref<!tpu.dma_semaphore, #tpu.memory_space<semaphore_mem>>)
      %mul3A_1020 = arith.constant 8 : i32
      %mul3A_1021 = arith.muli %scan3A_960, %mul3A_1020 : i32
      %add3A_1022 = arith.constant 1 : i32
      %add3A_1023 = arith.addi %mul3A_1021, %add3A_1022 : i32
      %dma_wait3A_1024 = arith.constant 1 : i32
      %dma_wait3A_1025 = arith.constant 0 : i32
      %dma_wait3A_1026 = arith.constant 0 : i32
      %dma_wait3A_1027 = tpu.memref_slice %arg6[%dma_wait3A_1024, %dma_wait3A_1025, %dma_wait3A_1026] : memref<8x128x64xf32, #tpu.memory_space<vmem>> -> memref<1x128x64xf32, #tpu.memory_space<vmem>>
      %dma_wait3A_1028 = tpu.memref_squeeze %dma_wait3A_1027 : memref<1x128x64xf32, #tpu.memory_space<vmem>> -> memref<128x64xf32, #tpu.memory_space<vmem>>
      %dma_wait3A_1029 = arith.constant 0 : i32
      %dma_wait3A_1030 = tpu.memref_slice %arg4[%mul3A_2, %dma_wait3A_1029] : memref<204800x64xf32, #tpu.memory_space<hbm>> -> memref<128x64xf32, #tpu.memory_space<hbm>>
      %dma_wait3A_1031 = arith.constant 0 : i32
      %dma_wait3A_1032 = arith.constant 0 : i32
      %dma_wait3A_1033 = tpu.memref_slice %arg6[%dma_wait3A_1024, %dma_wait3A_1031, %dma_wait3A_1032] : memref<8x128x64xf32, #tpu.memory_space<vmem>> -> memref<1x128x64xf32, #tpu.memory_space<vmem>>
      %dma_wait3A_1034 = tpu.memref_squeeze %dma_wait3A_1033 : memref<1x128x64xf32, #tpu.memory_space<vmem>> -> memref<128x64xf32, #tpu.memory_space<vmem>>
      %dma_wait3A_1035 = arith.constant 0 : i32
      %dma_wait3A_1036 = tpu.memref_slice %arg4[%mul3A_2, %dma_wait3A_1035] : memref<204800x64xf32, #tpu.memory_space<hbm>> -> memref<128x64xf32, #tpu.memory_space<hbm>>
      tpu.wait_dma2 semaphore(%arg8 : memref<!tpu.dma_semaphore, #tpu.memory_space<semaphore_mem>>) src(%dma_wait3A_1036 : memref<128x64xf32, #tpu.memory_space<hbm>>) dst(%dma_wait3A_1034 : memref<128x64xf32, #tpu.memory_space<vmem>>)
      %mul3A_1037 = arith.constant 128 : i32
      %mul3A_1038 = arith.muli %add3A_1023, %mul3A_1037 : i32
      %add3A_1039 = arith.addi %mul3A_2, %mul3A_1038 : i32
      %dma_start3A_1040 = arith.constant 1 : i32
      %dma_start3A_1041 = arith.constant 0 : i32
      %dma_start3A_1042 = arith.constant 0 : i32
      %dma_start3A_1043 = tpu.memref_slice %arg6[%dma_start3A_1040, %dma_start3A_1041, %dma_start3A_1042] : memref<8x128x64xf32, #tpu.memory_space<vmem>> -> memref<1x128x64xf32, #tpu.memory_space<vmem>>
      %dma_start3A_1044 = tpu.memref_squeeze %dma_start3A_1043 : memref<1x128x64xf32, #tpu.memory_space<vmem>> -> memref<128x64xf32, #tpu.memory_space<vmem>>
      %dma_start3A_1045 = arith.constant 0 : i32
      %dma_start3A_1046 = tpu.memref_slice %arg4[%add3A_1039, %dma_start3A_1045] : memref<204800x64xf32, #tpu.memory_space<hbm>> -> memref<128x64xf32, #tpu.memory_space<hbm>>
      %dma_start3A_1047 = arith.constant 0 : i32
      %dma_start3A_1048 = tpu.memref_slice %arg4[%add3A_1039, %dma_start3A_1047] : memref<204800x64xf32, #tpu.memory_space<hbm>> -> memref<128x64xf32, #tpu.memory_space<hbm>>
      %dma_start3A_1049 = arith.constant 0 : i32
      %dma_start3A_1050 = arith.constant 0 : i32
      %dma_start3A_1051 = tpu.memref_slice %arg6[%dma_start3A_1040, %dma_start3A_1049, %dma_start3A_1050] : memref<8x128x64xf32, #tpu.memory_space<vmem>> -> memref<1x128x64xf32, #tpu.memory_space<vmem>>
      %dma_start3A_1052 = tpu.memref_squeeze %dma_start3A_1051 : memref<1x128x64xf32, #tpu.memory_space<vmem>> -> memref<128x64xf32, #tpu.memory_space<vmem>>
      tpu.enqueue_dma source(%dma_start3A_1052 : memref<128x64xf32, #tpu.memory_space<vmem>>) target(%dma_start3A_1048 : memref<128x64xf32, #tpu.memory_space<hbm>>) target_semaphore(%arg16 : memref<!tpu.dma_semaphore, #tpu.memory_space<semaphore_mem>>)
      %dma_wait3A_1053 = arith.constant 5 : i32
      %dma_wait3A_1054 = arith.constant 0 : i32
      %dma_wait3A_1055 = arith.constant 0 : i32
      %dma_wait3A_1056 = tpu.memref_slice %arg6[%dma_wait3A_1053, %dma_wait3A_1054, %dma_wait3A_1055] : memref<8x128x64xf32, #tpu.memory_space<vmem>> -> memref<1x128x64xf32, #tpu.memory_space<vmem>>
      %dma_wait3A_1057 = tpu.memref_squeeze %dma_wait3A_1056 : memref<1x128x64xf32, #tpu.memory_space<vmem>> -> memref<128x64xf32, #tpu.memory_space<vmem>>
      %dma_wait3A_1058 = arith.constant 0 : i32
      %dma_wait3A_1059 = tpu.memref_slice %arg4[%mul3A_2, %dma_wait3A_1058] : memref<204800x64xf32, #tpu.memory_space<hbm>> -> memref<128x64xf32, #tpu.memory_space<hbm>>
      %dma_wait3A_1060 = arith.constant 0 : i32
      %dma_wait3A_1061 = tpu.memref_slice %arg4[%mul3A_2, %dma_wait3A_1060] : memref<204800x64xf32, #tpu.memory_space<hbm>> -> memref<128x64xf32, #tpu.memory_space<hbm>>
      %dma_wait3A_1062 = arith.constant 0 : i32
      %dma_wait3A_1063 = arith.constant 0 : i32
      %dma_wait3A_1064 = tpu.memref_slice %arg6[%dma_wait3A_1053, %dma_wait3A_1062, %dma_wait3A_1063] : memref<8x128x64xf32, #tpu.memory_space<vmem>> -> memref<1x128x64xf32, #tpu.memory_space<vmem>>
      %dma_wait3A_1065 = tpu.memref_squeeze %dma_wait3A_1064 : memref<1x128x64xf32, #tpu.memory_space<vmem>> -> memref<128x64xf32, #tpu.memory_space<vmem>>
      tpu.wait_dma2 semaphore(%arg20 : memref<!tpu.dma_semaphore, #tpu.memory_space<semaphore_mem>>) src(%dma_wait3A_1065 : memref<128x64xf32, #tpu.memory_space<vmem>>) dst(%dma_wait3A_1061 : memref<128x64xf32, #tpu.memory_space<hbm>>)
      %add3A_1066 = arith.constant 4 : i32
      %add3A_1067 = arith.addi %add3A_1023, %add3A_1066 : i32
      %dma_start3A_1068 = arith.constant 5 : i32
      %dma_start3A_1069 = arith.constant 0 : i32
      %dma_start3A_1070 = arith.constant 0 : i32
      %dma_start3A_1071 = tpu.memref_slice %arg6[%dma_start3A_1068, %dma_start3A_1069, %dma_start3A_1070] : memref<8x128x64xf32, #tpu.memory_space<vmem>> -> memref<1x128x64xf32, #tpu.memory_space<vmem>>
      %dma_start3A_1072 = tpu.memref_squeeze %dma_start3A_1071 : memref<1x128x64xf32, #tpu.memory_space<vmem>> -> memref<128x64xf32, #tpu.memory_space<vmem>>
      %dma_start3A_1073 = arith.constant 0 : i32
      %dma_start3A_1074 = tpu.memref_slice %arg5[%add3A_1067, %dma_start3A_1073] : memref<50x128xi32, #tpu.memory_space<vmem>> -> memref<1x128xi32, #tpu.memory_space<vmem>>
      %dma_start3A_1075 = tpu.memref_squeeze %dma_start3A_1074 : memref<1x128xi32, #tpu.memory_space<vmem>> -> memref<128xi32, #tpu.memory_space<vmem>>
      %dma_start3A_1076 = arith.constant 0 : i32
      %dma_start3A_1077 = arith.constant 0 : i32
      %dma_start3A_1078 = tpu.memref_slice %arg3[%dma_start3A_1076, %dma_start3A_1077] : memref<100000x64xf32, #tpu.memory_space<hbm>> -> memref<100000x64xf32, #tpu.memory_space<hbm>>
      tpu.enqueue_indirect_dma source(%dma_start3A_1078 : memref<100000x64xf32, #tpu.memory_space<hbm>>) target(%dma_start3A_1072 : memref<128x64xf32, #tpu.memory_space<vmem>>) offsets(%dma_start3A_1075 : memref<128xi32, #tpu.memory_space<vmem>>) semaphore(%arg12 : memref<!tpu.dma_semaphore, #tpu.memory_space<semaphore_mem>>)
      %mul3A_1079 = arith.constant 8 : i32
      %mul3A_1080 = arith.muli %scan3A_960, %mul3A_1079 : i32
      %add3A_1081 = arith.constant 2 : i32
      %add3A_1082 = arith.addi %mul3A_1080, %add3A_1081 : i32
      %dma_wait3A_1083 = arith.constant 2 : i32
      %dma_wait3A_1084 = arith.constant 0 : i32
      %dma_wait3A_1085 = arith.constant 0 : i32
      %dma_wait3A_1086 = tpu.memref_slice %arg6[%dma_wait3A_1083, %dma_wait3A_1084, %dma_wait3A_1085] : memref<8x128x64xf32, #tpu.memory_space<vmem>> -> memref<1x128x64xf32, #tpu.memory_space<vmem>>
      %dma_wait3A_1087 = tpu.memref_squeeze %dma_wait3A_1086 : memref<1x128x64xf32, #tpu.memory_space<vmem>> -> memref<128x64xf32, #tpu.memory_space<vmem>>
      %dma_wait3A_1088 = arith.constant 0 : i32
      %dma_wait3A_1089 = tpu.memref_slice %arg4[%mul3A_2, %dma_wait3A_1088] : memref<204800x64xf32, #tpu.memory_space<hbm>> -> memref<128x64xf32, #tpu.memory_space<hbm>>
      %dma_wait3A_1090 = arith.constant 0 : i32
      %dma_wait3A_1091 = arith.constant 0 : i32
      %dma_wait3A_1092 = tpu.memref_slice %arg6[%dma_wait3A_1083, %dma_wait3A_1090, %dma_wait3A_1091] : memref<8x128x64xf32, #tpu.memory_space<vmem>> -> memref<1x128x64xf32, #tpu.memory_space<vmem>>
      %dma_wait3A_1093 = tpu.memref_squeeze %dma_wait3A_1092 : memref<1x128x64xf32, #tpu.memory_space<vmem>> -> memref<128x64xf32, #tpu.memory_space<vmem>>
      %dma_wait3A_1094 = arith.constant 0 : i32
      %dma_wait3A_1095 = tpu.memref_slice %arg4[%mul3A_2, %dma_wait3A_1094] : memref<204800x64xf32, #tpu.memory_space<hbm>> -> memref<128x64xf32, #tpu.memory_space<hbm>>
      tpu.wait_dma2 semaphore(%arg9 : memref<!tpu.dma_semaphore, #tpu.memory_space<semaphore_mem>>) src(%dma_wait3A_1095 : memref<128x64xf32, #tpu.memory_space<hbm>>) dst(%dma_wait3A_1093 : memref<128x64xf32, #tpu.memory_space<vmem>>)
      %mul3A_1096 = arith.constant 128 : i32
      %mul3A_1097 = arith.muli %add3A_1082, %mul3A_1096 : i32
      %add3A_1098 = arith.addi %mul3A_2, %mul3A_1097 : i32
      %dma_start3A_1099 = arith.constant 2 : i32
      %dma_start3A_1100 = arith.constant 0 : i32
      %dma_start3A_1101 = arith.constant 0 : i32
      %dma_start3A_1102 = tpu.memref_slice %arg6[%dma_start3A_1099, %dma_start3A_1100, %dma_start3A_1101] : memref<8x128x64xf32, #tpu.memory_space<vmem>> -> memref<1x128x64xf32, #tpu.memory_space<vmem>>
      %dma_start3A_1103 = tpu.memref_squeeze %dma_start3A_1102 : memref<1x128x64xf32, #tpu.memory_space<vmem>> -> memref<128x64xf32, #tpu.memory_space<vmem>>
      %dma_start3A_1104 = arith.constant 0 : i32
      %dma_start3A_1105 = tpu.memref_slice %arg4[%add3A_1098, %dma_start3A_1104] : memref<204800x64xf32, #tpu.memory_space<hbm>> -> memref<128x64xf32, #tpu.memory_space<hbm>>
      %dma_start3A_1106 = arith.constant 0 : i32
      %dma_start3A_1107 = tpu.memref_slice %arg4[%add3A_1098, %dma_start3A_1106] : memref<204800x64xf32, #tpu.memory_space<hbm>> -> memref<128x64xf32, #tpu.memory_space<hbm>>
      %dma_start3A_1108 = arith.constant 0 : i32
      %dma_start3A_1109 = arith.constant 0 : i32
      %dma_start3A_1110 = tpu.memref_slice %arg6[%dma_start3A_1099, %dma_start3A_1108, %dma_start3A_1109] : memref<8x128x64xf32, #tpu.memory_space<vmem>> -> memref<1x128x64xf32, #tpu.memory_space<vmem>>
      %dma_start3A_1111 = tpu.memref_squeeze %dma_start3A_1110 : memref<1x128x64xf32, #tpu.memory_space<vmem>> -> memref<128x64xf32, #tpu.memory_space<vmem>>
      tpu.enqueue_dma source(%dma_start3A_1111 : memref<128x64xf32, #tpu.memory_space<vmem>>) target(%dma_start3A_1107 : memref<128x64xf32, #tpu.memory_space<hbm>>) target_semaphore(%arg17 : memref<!tpu.dma_semaphore, #tpu.memory_space<semaphore_mem>>)
      %dma_wait3A_1112 = arith.constant 6 : i32
      %dma_wait3A_1113 = arith.constant 0 : i32
      %dma_wait3A_1114 = arith.constant 0 : i32
      %dma_wait3A_1115 = tpu.memref_slice %arg6[%dma_wait3A_1112, %dma_wait3A_1113, %dma_wait3A_1114] : memref<8x128x64xf32, #tpu.memory_space<vmem>> -> memref<1x128x64xf32, #tpu.memory_space<vmem>>
      %dma_wait3A_1116 = tpu.memref_squeeze %dma_wait3A_1115 : memref<1x128x64xf32, #tpu.memory_space<vmem>> -> memref<128x64xf32, #tpu.memory_space<vmem>>
      %dma_wait3A_1117 = arith.constant 0 : i32
      %dma_wait3A_1118 = tpu.memref_slice %arg4[%mul3A_2, %dma_wait3A_1117] : memref<204800x64xf32, #tpu.memory_space<hbm>> -> memref<128x64xf32, #tpu.memory_space<hbm>>
      %dma_wait3A_1119 = arith.constant 0 : i32
      %dma_wait3A_1120 = tpu.memref_slice %arg4[%mul3A_2, %dma_wait3A_1119] : memref<204800x64xf32, #tpu.memory_space<hbm>> -> memref<128x64xf32, #tpu.memory_space<hbm>>
      %dma_wait3A_1121 = arith.constant 0 : i32
      %dma_wait3A_1122 = arith.constant 0 : i32
      %dma_wait3A_1123 = tpu.memref_slice %arg6[%dma_wait3A_1112, %dma_wait3A_1121, %dma_wait3A_1122] : memref<8x128x64xf32, #tpu.memory_space<vmem>> -> memref<1x128x64xf32, #tpu.memory_space<vmem>>
      %dma_wait3A_1124 = tpu.memref_squeeze %dma_wait3A_1123 : memref<1x128x64xf32, #tpu.memory_space<vmem>> -> memref<128x64xf32, #tpu.memory_space<vmem>>
      tpu.wait_dma2 semaphore(%arg21 : memref<!tpu.dma_semaphore, #tpu.memory_space<semaphore_mem>>) src(%dma_wait3A_1124 : memref<128x64xf32, #tpu.memory_space<vmem>>) dst(%dma_wait3A_1120 : memref<128x64xf32, #tpu.memory_space<hbm>>)
      %add3A_1125 = arith.constant 4 : i32
      %add3A_1126 = arith.addi %add3A_1082, %add3A_1125 : i32
      %dma_start3A_1127 = arith.constant 6 : i32
      %dma_start3A_1128 = arith.constant 0 : i32
      %dma_start3A_1129 = arith.constant 0 : i32
      %dma_start3A_1130 = tpu.memref_slice %arg6[%dma_start3A_1127, %dma_start3A_1128, %dma_start3A_1129] : memref<8x128x64xf32, #tpu.memory_space<vmem>> -> memref<1x128x64xf32, #tpu.memory_space<vmem>>
      %dma_start3A_1131 = tpu.memref_squeeze %dma_start3A_1130 : memref<1x128x64xf32, #tpu.memory_space<vmem>> -> memref<128x64xf32, #tpu.memory_space<vmem>>
      %dma_start3A_1132 = arith.constant 0 : i32
      %dma_start3A_1133 = tpu.memref_slice %arg5[%add3A_1126, %dma_start3A_1132] : memref<50x128xi32, #tpu.memory_space<vmem>> -> memref<1x128xi32, #tpu.memory_space<vmem>>
      %dma_start3A_1134 = tpu.memref_squeeze %dma_start3A_1133 : memref<1x128xi32, #tpu.memory_space<vmem>> -> memref<128xi32, #tpu.memory_space<vmem>>
      %dma_start3A_1135 = arith.constant 0 : i32
      %dma_start3A_1136 = arith.constant 0 : i32
      %dma_start3A_1137 = tpu.memref_slice %arg3[%dma_start3A_1135, %dma_start3A_1136] : memref<100000x64xf32, #tpu.memory_space<hbm>> -> memref<100000x64xf32, #tpu.memory_space<hbm>>
      tpu.enqueue_indirect_dma source(%dma_start3A_1137 : memref<100000x64xf32, #tpu.memory_space<hbm>>) target(%dma_start3A_1131 : memref<128x64xf32, #tpu.memory_space<vmem>>) offsets(%dma_start3A_1134 : memref<128xi32, #tpu.memory_space<vmem>>) semaphore(%arg13 : memref<!tpu.dma_semaphore, #tpu.memory_space<semaphore_mem>>)
      %mul3A_1138 = arith.constant 8 : i32
      %mul3A_1139 = arith.muli %scan3A_960, %mul3A_1138 : i32
      %add3A_1140 = arith.constant 3 : i32
      %add3A_1141 = arith.addi %mul3A_1139, %add3A_1140 : i32
      %dma_wait3A_1142 = arith.constant 3 : i32
      %dma_wait3A_1143 = arith.constant 0 : i32
      %dma_wait3A_1144 = arith.constant 0 : i32
      %dma_wait3A_1145 = tpu.memref_slice %arg6[%dma_wait3A_1142, %dma_wait3A_1143, %dma_wait3A_1144] : memref<8x128x64xf32, #tpu.memory_space<vmem>> -> memref<1x128x64xf32, #tpu.memory_space<vmem>>
      %dma_wait3A_1146 = tpu.memref_squeeze %dma_wait3A_1145 : memref<1x128x64xf32, #tpu.memory_space<vmem>> -> memref<128x64xf32, #tpu.memory_space<vmem>>
      %dma_wait3A_1147 = arith.constant 0 : i32
      %dma_wait3A_1148 = tpu.memref_slice %arg4[%mul3A_2, %dma_wait3A_1147] : memref<204800x64xf32, #tpu.memory_space<hbm>> -> memref<128x64xf32, #tpu.memory_space<hbm>>
      %dma_wait3A_1149 = arith.constant 0 : i32
      %dma_wait3A_1150 = arith.constant 0 : i32
      %dma_wait3A_1151 = tpu.memref_slice %arg6[%dma_wait3A_1142, %dma_wait3A_1149, %dma_wait3A_1150] : memref<8x128x64xf32, #tpu.memory_space<vmem>> -> memref<1x128x64xf32, #tpu.memory_space<vmem>>
      %dma_wait3A_1152 = tpu.memref_squeeze %dma_wait3A_1151 : memref<1x128x64xf32, #tpu.memory_space<vmem>> -> memref<128x64xf32, #tpu.memory_space<vmem>>
      %dma_wait3A_1153 = arith.constant 0 : i32
      %dma_wait3A_1154 = tpu.memref_slice %arg4[%mul3A_2, %dma_wait3A_1153] : memref<204800x64xf32, #tpu.memory_space<hbm>> -> memref<128x64xf32, #tpu.memory_space<hbm>>
      tpu.wait_dma2 semaphore(%arg10 : memref<!tpu.dma_semaphore, #tpu.memory_space<semaphore_mem>>) src(%dma_wait3A_1154 : memref<128x64xf32, #tpu.memory_space<hbm>>) dst(%dma_wait3A_1152 : memref<128x64xf32, #tpu.memory_space<vmem>>)
      %mul3A_1155 = arith.constant 128 : i32
      %mul3A_1156 = arith.muli %add3A_1141, %mul3A_1155 : i32
      %add3A_1157 = arith.addi %mul3A_2, %mul3A_1156 : i32
      %dma_start3A_1158 = arith.constant 3 : i32
      %dma_start3A_1159 = arith.constant 0 : i32
      %dma_start3A_1160 = arith.constant 0 : i32
      %dma_start3A_1161 = tpu.memref_slice %arg6[%dma_start3A_1158, %dma_start3A_1159, %dma_start3A_1160] : memref<8x128x64xf32, #tpu.memory_space<vmem>> -> memref<1x128x64xf32, #tpu.memory_space<vmem>>
      %dma_start3A_1162 = tpu.memref_squeeze %dma_start3A_1161 : memref<1x128x64xf32, #tpu.memory_space<vmem>> -> memref<128x64xf32, #tpu.memory_space<vmem>>
      %dma_start3A_1163 = arith.constant 0 : i32
      %dma_start3A_1164 = tpu.memref_slice %arg4[%add3A_1157, %dma_start3A_1163] : memref<204800x64xf32, #tpu.memory_space<hbm>> -> memref<128x64xf32, #tpu.memory_space<hbm>>
      %dma_start3A_1165 = arith.constant 0 : i32
      %dma_start3A_1166 = tpu.memref_slice %arg4[%add3A_1157, %dma_start3A_1165] : memref<204800x64xf32, #tpu.memory_space<hbm>> -> memref<128x64xf32, #tpu.memory_space<hbm>>
      %dma_start3A_1167 = arith.constant 0 : i32
      %dma_start3A_1168 = arith.constant 0 : i32
      %dma_start3A_1169 = tpu.memref_slice %arg6[%dma_start3A_1158, %dma_start3A_1167, %dma_start3A_1168] : memref<8x128x64xf32, #tpu.memory_space<vmem>> -> memref<1x128x64xf32, #tpu.memory_space<vmem>>
      %dma_start3A_1170 = tpu.memref_squeeze %dma_start3A_1169 : memref<1x128x64xf32, #tpu.memory_space<vmem>> -> memref<128x64xf32, #tpu.memory_space<vmem>>
      tpu.enqueue_dma source(%dma_start3A_1170 : memref<128x64xf32, #tpu.memory_space<vmem>>) target(%dma_start3A_1166 : memref<128x64xf32, #tpu.memory_space<hbm>>) target_semaphore(%arg18 : memref<!tpu.dma_semaphore, #tpu.memory_space<semaphore_mem>>)
      %dma_wait3A_1171 = arith.constant 7 : i32
      %dma_wait3A_1172 = arith.constant 0 : i32
      %dma_wait3A_1173 = arith.constant 0 : i32
      %dma_wait3A_1174 = tpu.memref_slice %arg6[%dma_wait3A_1171, %dma_wait3A_1172, %dma_wait3A_1173] : memref<8x128x64xf32, #tpu.memory_space<vmem>> -> memref<1x128x64xf32, #tpu.memory_space<vmem>>
      %dma_wait3A_1175 = tpu.memref_squeeze %dma_wait3A_1174 : memref<1x128x64xf32, #tpu.memory_space<vmem>> -> memref<128x64xf32, #tpu.memory_space<vmem>>
      %dma_wait3A_1176 = arith.constant 0 : i32
      %dma_wait3A_1177 = tpu.memref_slice %arg4[%mul3A_2, %dma_wait3A_1176] : memref<204800x64xf32, #tpu.memory_space<hbm>> -> memref<128x64xf32, #tpu.memory_space<hbm>>
      %dma_wait3A_1178 = arith.constant 0 : i32
      %dma_wait3A_1179 = tpu.memref_slice %arg4[%mul3A_2, %dma_wait3A_1178] : memref<204800x64xf32, #tpu.memory_space<hbm>> -> memref<128x64xf32, #tpu.memory_space<hbm>>
      %dma_wait3A_1180 = arith.constant 0 : i32
      %dma_wait3A_1181 = arith.constant 0 : i32
      %dma_wait3A_1182 = tpu.memref_slice %arg6[%dma_wait3A_1171, %dma_wait3A_1180, %dma_wait3A_1181] : memref<8x128x64xf32, #tpu.memory_space<vmem>> -> memref<1x128x64xf32, #tpu.memory_space<vmem>>
      %dma_wait3A_1183 = tpu.memref_squeeze %dma_wait3A_1182 : memref<1x128x64xf32, #tpu.memory_space<vmem>> -> memref<128x64xf32, #tpu.memory_space<vmem>>
      tpu.wait_dma2 semaphore(%arg22 : memref<!tpu.dma_semaphore, #tpu.memory_space<semaphore_mem>>) src(%dma_wait3A_1183 : memref<128x64xf32, #tpu.memory_space<vmem>>) dst(%dma_wait3A_1179 : memref<128x64xf32, #tpu.memory_space<hbm>>)
      %add3A_1184 = arith.constant 4 : i32
      %add3A_1185 = arith.addi %add3A_1141, %add3A_1184 : i32
      %dma_start3A_1186 = arith.constant 7 : i32
      %dma_start3A_1187 = arith.constant 0 : i32
      %dma_start3A_1188 = arith.constant 0 : i32
      %dma_start3A_1189 = tpu.memref_slice %arg6[%dma_start3A_1186, %dma_start3A_1187, %dma_start3A_1188] : memref<8x128x64xf32, #tpu.memory_space<vmem>> -> memref<1x128x64xf32, #tpu.memory_space<vmem>>
      %dma_start3A_1190 = tpu.memref_squeeze %dma_start3A_1189 : memref<1x128x64xf32, #tpu.memory_space<vmem>> -> memref<128x64xf32, #tpu.memory_space<vmem>>
      %dma_start3A_1191 = arith.constant 0 : i32
      %dma_start3A_1192 = tpu.memref_slice %arg5[%add3A_1185, %dma_start3A_1191] : memref<50x128xi32, #tpu.memory_space<vmem>> -> memref<1x128xi32, #tpu.memory_space<vmem>>
      %dma_start3A_1193 = tpu.memref_squeeze %dma_start3A_1192 : memref<1x128xi32, #tpu.memory_space<vmem>> -> memref<128xi32, #tpu.memory_space<vmem>>
      %dma_start3A_1194 = arith.constant 0 : i32
      %dma_start3A_1195 = arith.constant 0 : i32
      %dma_start3A_1196 = tpu.memref_slice %arg3[%dma_start3A_1194, %dma_start3A_1195] : memref<100000x64xf32, #tpu.memory_space<hbm>> -> memref<100000x64xf32, #tpu.memory_space<hbm>>
      tpu.enqueue_indirect_dma source(%dma_start3A_1196 : memref<100000x64xf32, #tpu.memory_space<hbm>>) target(%dma_start3A_1190 : memref<128x64xf32, #tpu.memory_space<vmem>>) offsets(%dma_start3A_1193 : memref<128xi32, #tpu.memory_space<vmem>>) semaphore(%arg14 : memref<!tpu.dma_semaphore, #tpu.memory_space<semaphore_mem>>)
      %mul3A_1197 = arith.constant 8 : i32
      %mul3A_1198 = arith.muli %scan3A_960, %mul3A_1197 : i32
      %add3A_1199 = arith.constant 4 : i32
      %add3A_1200 = arith.addi %mul3A_1198, %add3A_1199 : i32
      %dma_wait3A_1201 = arith.constant 4 : i32
      %dma_wait3A_1202 = arith.constant 0 : i32
      %dma_wait3A_1203 = arith.constant 0 : i32
      %dma_wait3A_1204 = tpu.memref_slice %arg6[%dma_wait3A_1201, %dma_wait3A_1202, %dma_wait3A_1203] : memref<8x128x64xf32, #tpu.memory_space<vmem>> -> memref<1x128x64xf32, #tpu.memory_space<vmem>>
      %dma_wait3A_1205 = tpu.memref_squeeze %dma_wait3A_1204 : memref<1x128x64xf32, #tpu.memory_space<vmem>> -> memref<128x64xf32, #tpu.memory_space<vmem>>
      %dma_wait3A_1206 = arith.constant 0 : i32
      %dma_wait3A_1207 = tpu.memref_slice %arg4[%mul3A_2, %dma_wait3A_1206] : memref<204800x64xf32, #tpu.memory_space<hbm>> -> memref<128x64xf32, #tpu.memory_space<hbm>>
      %dma_wait3A_1208 = arith.constant 0 : i32
      %dma_wait3A_1209 = arith.constant 0 : i32
      %dma_wait3A_1210 = tpu.memref_slice %arg6[%dma_wait3A_1201, %dma_wait3A_1208, %dma_wait3A_1209] : memref<8x128x64xf32, #tpu.memory_space<vmem>> -> memref<1x128x64xf32, #tpu.memory_space<vmem>>
      %dma_wait3A_1211 = tpu.memref_squeeze %dma_wait3A_1210 : memref<1x128x64xf32, #tpu.memory_space<vmem>> -> memref<128x64xf32, #tpu.memory_space<vmem>>
      %dma_wait3A_1212 = arith.constant 0 : i32
      %dma_wait3A_1213 = tpu.memref_slice %arg4[%mul3A_2, %dma_wait3A_1212] : memref<204800x64xf32, #tpu.memory_space<hbm>> -> memref<128x64xf32, #tpu.memory_space<hbm>>
      tpu.wait_dma2 semaphore(%arg11 : memref<!tpu.dma_semaphore, #tpu.memory_space<semaphore_mem>>) src(%dma_wait3A_1213 : memref<128x64xf32, #tpu.memory_space<hbm>>) dst(%dma_wait3A_1211 : memref<128x64xf32, #tpu.memory_space<vmem>>)
      %mul3A_1214 = arith.constant 128 : i32
      %mul3A_1215 = arith.muli %add3A_1200, %mul3A_1214 : i32
      %add3A_1216 = arith.addi %mul3A_2, %mul3A_1215 : i32
      %dma_start3A_1217 = arith.constant 4 : i32
      %dma_start3A_1218 = arith.constant 0 : i32
      %dma_start3A_1219 = arith.constant 0 : i32
      %dma_start3A_1220 = tpu.memref_slice %arg6[%dma_start3A_1217, %dma_start3A_1218, %dma_start3A_1219] : memref<8x128x64xf32, #tpu.memory_space<vmem>> -> memref<1x128x64xf32, #tpu.memory_space<vmem>>
      %dma_start3A_1221 = tpu.memref_squeeze %dma_start3A_1220 : memref<1x128x64xf32, #tpu.memory_space<vmem>> -> memref<128x64xf32, #tpu.memory_space<vmem>>
      %dma_start3A_1222 = arith.constant 0 : i32
      %dma_start3A_1223 = tpu.memref_slice %arg4[%add3A_1216, %dma_start3A_1222] : memref<204800x64xf32, #tpu.memory_space<hbm>> -> memref<128x64xf32, #tpu.memory_space<hbm>>
      %dma_start3A_1224 = arith.constant 0 : i32
      %dma_start3A_1225 = tpu.memref_slice %arg4[%add3A_1216, %dma_start3A_1224] : memref<204800x64xf32, #tpu.memory_space<hbm>> -> memref<128x64xf32, #tpu.memory_space<hbm>>
      %dma_start3A_1226 = arith.constant 0 : i32
      %dma_start3A_1227 = arith.constant 0 : i32
      %dma_start3A_1228 = tpu.memref_slice %arg6[%dma_start3A_1217, %dma_start3A_1226, %dma_start3A_1227] : memref<8x128x64xf32, #tpu.memory_space<vmem>> -> memref<1x128x64xf32, #tpu.memory_space<vmem>>
      %dma_start3A_1229 = tpu.memref_squeeze %dma_start3A_1228 : memref<1x128x64xf32, #tpu.memory_space<vmem>> -> memref<128x64xf32, #tpu.memory_space<vmem>>
      tpu.enqueue_dma source(%dma_start3A_1229 : memref<128x64xf32, #tpu.memory_space<vmem>>) target(%dma_start3A_1225 : memref<128x64xf32, #tpu.memory_space<hbm>>) target_semaphore(%arg19 : memref<!tpu.dma_semaphore, #tpu.memory_space<semaphore_mem>>)
      %dma_wait3A_1230 = arith.constant 0 : i32
      %dma_wait3A_1231 = arith.constant 0 : i32
      %dma_wait3A_1232 = arith.constant 0 : i32
      %dma_wait3A_1233 = tpu.memref_slice %arg6[%dma_wait3A_1230, %dma_wait3A_1231, %dma_wait3A_1232] : memref<8x128x64xf32, #tpu.memory_space<vmem>> -> memref<1x128x64xf32, #tpu.memory_space<vmem>>
      %dma_wait3A_1234 = tpu.memref_squeeze %dma_wait3A_1233 : memref<1x128x64xf32, #tpu.memory_space<vmem>> -> memref<128x64xf32, #tpu.memory_space<vmem>>
      %dma_wait3A_1235 = arith.constant 0 : i32
      %dma_wait3A_1236 = tpu.memref_slice %arg4[%mul3A_2, %dma_wait3A_1235] : memref<204800x64xf32, #tpu.memory_space<hbm>> -> memref<128x64xf32, #tpu.memory_space<hbm>>
      %dma_wait3A_1237 = arith.constant 0 : i32
      %dma_wait3A_1238 = tpu.memref_slice %arg4[%mul3A_2, %dma_wait3A_1237] : memref<204800x64xf32, #tpu.memory_space<hbm>> -> memref<128x64xf32, #tpu.memory_space<hbm>>
      %dma_wait3A_1239 = arith.constant 0 : i32
      %dma_wait3A_1240 = arith.constant 0 : i32
      %dma_wait3A_1241 = tpu.memref_slice %arg6[%dma_wait3A_1230, %dma_wait3A_1239, %dma_wait3A_1240] : memref<8x128x64xf32, #tpu.memory_space<vmem>> -> memref<1x128x64xf32, #tpu.memory_space<vmem>>
      %dma_wait3A_1242 = tpu.memref_squeeze %dma_wait3A_1241 : memref<1x128x64xf32, #tpu.memory_space<vmem>> -> memref<128x64xf32, #tpu.memory_space<vmem>>
      tpu.wait_dma2 semaphore(%arg15 : memref<!tpu.dma_semaphore, #tpu.memory_space<semaphore_mem>>) src(%dma_wait3A_1242 : memref<128x64xf32, #tpu.memory_space<vmem>>) dst(%dma_wait3A_1238 : memref<128x64xf32, #tpu.memory_space<hbm>>)
      %add3A_1243 = arith.constant 4 : i32
      %add3A_1244 = arith.addi %add3A_1200, %add3A_1243 : i32
      %dma_start3A_1245 = arith.constant 0 : i32
      %dma_start3A_1246 = arith.constant 0 : i32
      %dma_start3A_1247 = arith.constant 0 : i32
      %dma_start3A_1248 = tpu.memref_slice %arg6[%dma_start3A_1245, %dma_start3A_1246, %dma_start3A_1247] : memref<8x128x64xf32, #tpu.memory_space<vmem>> -> memref<1x128x64xf32, #tpu.memory_space<vmem>>
      %dma_start3A_1249 = tpu.memref_squeeze %dma_start3A_1248 : memref<1x128x64xf32, #tpu.memory_space<vmem>> -> memref<128x64xf32, #tpu.memory_space<vmem>>
      %dma_start3A_1250 = arith.constant 0 : i32
      %dma_start3A_1251 = tpu.memref_slice %arg5[%add3A_1244, %dma_start3A_1250] : memref<50x128xi32, #tpu.memory_space<vmem>> -> memref<1x128xi32, #tpu.memory_space<vmem>>
      %dma_start3A_1252 = tpu.memref_squeeze %dma_start3A_1251 : memref<1x128xi32, #tpu.memory_space<vmem>> -> memref<128xi32, #tpu.memory_space<vmem>>
      %dma_start3A_1253 = arith.constant 0 : i32
      %dma_start3A_1254 = arith.constant 0 : i32
      %dma_start3A_1255 = tpu.memref_slice %arg3[%dma_start3A_1253, %dma_start3A_1254] : memref<100000x64xf32, #tpu.memory_space<hbm>> -> memref<100000x64xf32, #tpu.memory_space<hbm>>
      tpu.enqueue_indirect_dma source(%dma_start3A_1255 : memref<100000x64xf32, #tpu.memory_space<hbm>>) target(%dma_start3A_1249 : memref<128x64xf32, #tpu.memory_space<vmem>>) offsets(%dma_start3A_1252 : memref<128xi32, #tpu.memory_space<vmem>>) semaphore(%arg7 : memref<!tpu.dma_semaphore, #tpu.memory_space<semaphore_mem>>)
      %mul3A_1256 = arith.constant 8 : i32
      %mul3A_1257 = arith.muli %scan3A_960, %mul3A_1256 : i32
      %add3A_1258 = arith.constant 5 : i32
      %add3A_1259 = arith.addi %mul3A_1257, %add3A_1258 : i32
      %dma_wait3A_1260 = arith.constant 5 : i32
      %dma_wait3A_1261 = arith.constant 0 : i32
      %dma_wait3A_1262 = arith.constant 0 : i32
      %dma_wait3A_1263 = tpu.memref_slice %arg6[%dma_wait3A_1260, %dma_wait3A_1261, %dma_wait3A_1262] : memref<8x128x64xf32, #tpu.memory_space<vmem>> -> memref<1x128x64xf32, #tpu.memory_space<vmem>>
      %dma_wait3A_1264 = tpu.memref_squeeze %dma_wait3A_1263 : memref<1x128x64xf32, #tpu.memory_space<vmem>> -> memref<128x64xf32, #tpu.memory_space<vmem>>
      %dma_wait3A_1265 = arith.constant 0 : i32
      %dma_wait3A_1266 = tpu.memref_slice %arg4[%mul3A_2, %dma_wait3A_1265] : memref<204800x64xf32, #tpu.memory_space<hbm>> -> memref<128x64xf32, #tpu.memory_space<hbm>>
      %dma_wait3A_1267 = arith.constant 0 : i32
      %dma_wait3A_1268 = arith.constant 0 : i32
      %dma_wait3A_1269 = tpu.memref_slice %arg6[%dma_wait3A_1260, %dma_wait3A_1267, %dma_wait3A_1268] : memref<8x128x64xf32, #tpu.memory_space<vmem>> -> memref<1x128x64xf32, #tpu.memory_space<vmem>>
      %dma_wait3A_1270 = tpu.memref_squeeze %dma_wait3A_1269 : memref<1x128x64xf32, #tpu.memory_space<vmem>> -> memref<128x64xf32, #tpu.memory_space<vmem>>
      %dma_wait3A_1271 = arith.constant 0 : i32
      %dma_wait3A_1272 = tpu.memref_slice %arg4[%mul3A_2, %dma_wait3A_1271] : memref<204800x64xf32, #tpu.memory_space<hbm>> -> memref<128x64xf32, #tpu.memory_space<hbm>>
      tpu.wait_dma2 semaphore(%arg12 : memref<!tpu.dma_semaphore, #tpu.memory_space<semaphore_mem>>) src(%dma_wait3A_1272 : memref<128x64xf32, #tpu.memory_space<hbm>>) dst(%dma_wait3A_1270 : memref<128x64xf32, #tpu.memory_space<vmem>>)
      %mul3A_1273 = arith.constant 128 : i32
      %mul3A_1274 = arith.muli %add3A_1259, %mul3A_1273 : i32
      %add3A_1275 = arith.addi %mul3A_2, %mul3A_1274 : i32
      %dma_start3A_1276 = arith.constant 5 : i32
      %dma_start3A_1277 = arith.constant 0 : i32
      %dma_start3A_1278 = arith.constant 0 : i32
      %dma_start3A_1279 = tpu.memref_slice %arg6[%dma_start3A_1276, %dma_start3A_1277, %dma_start3A_1278] : memref<8x128x64xf32, #tpu.memory_space<vmem>> -> memref<1x128x64xf32, #tpu.memory_space<vmem>>
      %dma_start3A_1280 = tpu.memref_squeeze %dma_start3A_1279 : memref<1x128x64xf32, #tpu.memory_space<vmem>> -> memref<128x64xf32, #tpu.memory_space<vmem>>
      %dma_start3A_1281 = arith.constant 0 : i32
      %dma_start3A_1282 = tpu.memref_slice %arg4[%add3A_1275, %dma_start3A_1281] : memref<204800x64xf32, #tpu.memory_space<hbm>> -> memref<128x64xf32, #tpu.memory_space<hbm>>
      %dma_start3A_1283 = arith.constant 0 : i32
      %dma_start3A_1284 = tpu.memref_slice %arg4[%add3A_1275, %dma_start3A_1283] : memref<204800x64xf32, #tpu.memory_space<hbm>> -> memref<128x64xf32, #tpu.memory_space<hbm>>
      %dma_start3A_1285 = arith.constant 0 : i32
      %dma_start3A_1286 = arith.constant 0 : i32
      %dma_start3A_1287 = tpu.memref_slice %arg6[%dma_start3A_1276, %dma_start3A_1285, %dma_start3A_1286] : memref<8x128x64xf32, #tpu.memory_space<vmem>> -> memref<1x128x64xf32, #tpu.memory_space<vmem>>
      %dma_start3A_1288 = tpu.memref_squeeze %dma_start3A_1287 : memref<1x128x64xf32, #tpu.memory_space<vmem>> -> memref<128x64xf32, #tpu.memory_space<vmem>>
      tpu.enqueue_dma source(%dma_start3A_1288 : memref<128x64xf32, #tpu.memory_space<vmem>>) target(%dma_start3A_1284 : memref<128x64xf32, #tpu.memory_space<hbm>>) target_semaphore(%arg20 : memref<!tpu.dma_semaphore, #tpu.memory_space<semaphore_mem>>)
      %dma_wait3A_1289 = arith.constant 1 : i32
      %dma_wait3A_1290 = arith.constant 0 : i32
      %dma_wait3A_1291 = arith.constant 0 : i32
      %dma_wait3A_1292 = tpu.memref_slice %arg6[%dma_wait3A_1289, %dma_wait3A_1290, %dma_wait3A_1291] : memref<8x128x64xf32, #tpu.memory_space<vmem>> -> memref<1x128x64xf32, #tpu.memory_space<vmem>>
      %dma_wait3A_1293 = tpu.memref_squeeze %dma_wait3A_1292 : memref<1x128x64xf32, #tpu.memory_space<vmem>> -> memref<128x64xf32, #tpu.memory_space<vmem>>
      %dma_wait3A_1294 = arith.constant 0 : i32
      %dma_wait3A_1295 = tpu.memref_slice %arg4[%mul3A_2, %dma_wait3A_1294] : memref<204800x64xf32, #tpu.memory_space<hbm>> -> memref<128x64xf32, #tpu.memory_space<hbm>>
      %dma_wait3A_1296 = arith.constant 0 : i32
      %dma_wait3A_1297 = tpu.memref_slice %arg4[%mul3A_2, %dma_wait3A_1296] : memref<204800x64xf32, #tpu.memory_space<hbm>> -> memref<128x64xf32, #tpu.memory_space<hbm>>
      %dma_wait3A_1298 = arith.constant 0 : i32
      %dma_wait3A_1299 = arith.constant 0 : i32
      %dma_wait3A_1300 = tpu.memref_slice %arg6[%dma_wait3A_1289, %dma_wait3A_1298, %dma_wait3A_1299] : memref<8x128x64xf32, #tpu.memory_space<vmem>> -> memref<1x128x64xf32, #tpu.memory_space<vmem>>
      %dma_wait3A_1301 = tpu.memref_squeeze %dma_wait3A_1300 : memref<1x128x64xf32, #tpu.memory_space<vmem>> -> memref<128x64xf32, #tpu.memory_space<vmem>>
      tpu.wait_dma2 semaphore(%arg16 : memref<!tpu.dma_semaphore, #tpu.memory_space<semaphore_mem>>) src(%dma_wait3A_1301 : memref<128x64xf32, #tpu.memory_space<vmem>>) dst(%dma_wait3A_1297 : memref<128x64xf32, #tpu.memory_space<hbm>>)
      %add3A_1302 = arith.constant 4 : i32
      %add3A_1303 = arith.addi %add3A_1259, %add3A_1302 : i32
      %dma_start3A_1304 = arith.constant 1 : i32
      %dma_start3A_1305 = arith.constant 0 : i32
      %dma_start3A_1306 = arith.constant 0 : i32
      %dma_start3A_1307 = tpu.memref_slice %arg6[%dma_start3A_1304, %dma_start3A_1305, %dma_start3A_1306] : memref<8x128x64xf32, #tpu.memory_space<vmem>> -> memref<1x128x64xf32, #tpu.memory_space<vmem>>
      %dma_start3A_1308 = tpu.memref_squeeze %dma_start3A_1307 : memref<1x128x64xf32, #tpu.memory_space<vmem>> -> memref<128x64xf32, #tpu.memory_space<vmem>>
      %dma_start3A_1309 = arith.constant 0 : i32
      %dma_start3A_1310 = tpu.memref_slice %arg5[%add3A_1303, %dma_start3A_1309] : memref<50x128xi32, #tpu.memory_space<vmem>> -> memref<1x128xi32, #tpu.memory_space<vmem>>
      %dma_start3A_1311 = tpu.memref_squeeze %dma_start3A_1310 : memref<1x128xi32, #tpu.memory_space<vmem>> -> memref<128xi32, #tpu.memory_space<vmem>>
      %dma_start3A_1312 = arith.constant 0 : i32
      %dma_start3A_1313 = arith.constant 0 : i32
      %dma_start3A_1314 = tpu.memref_slice %arg3[%dma_start3A_1312, %dma_start3A_1313] : memref<100000x64xf32, #tpu.memory_space<hbm>> -> memref<100000x64xf32, #tpu.memory_space<hbm>>
      tpu.enqueue_indirect_dma source(%dma_start3A_1314 : memref<100000x64xf32, #tpu.memory_space<hbm>>) target(%dma_start3A_1308 : memref<128x64xf32, #tpu.memory_space<vmem>>) offsets(%dma_start3A_1311 : memref<128xi32, #tpu.memory_space<vmem>>) semaphore(%arg8 : memref<!tpu.dma_semaphore, #tpu.memory_space<semaphore_mem>>)
      %mul3A_1315 = arith.constant 8 : i32
      %mul3A_1316 = arith.muli %scan3A_960, %mul3A_1315 : i32
      %add3A_1317 = arith.constant 6 : i32
      %add3A_1318 = arith.addi %mul3A_1316, %add3A_1317 : i32
      %dma_wait3A_1319 = arith.constant 6 : i32
      %dma_wait3A_1320 = arith.constant 0 : i32
      %dma_wait3A_1321 = arith.constant 0 : i32
      %dma_wait3A_1322 = tpu.memref_slice %arg6[%dma_wait3A_1319, %dma_wait3A_1320, %dma_wait3A_1321] : memref<8x128x64xf32, #tpu.memory_space<vmem>> -> memref<1x128x64xf32, #tpu.memory_space<vmem>>
      %dma_wait3A_1323 = tpu.memref_squeeze %dma_wait3A_1322 : memref<1x128x64xf32, #tpu.memory_space<vmem>> -> memref<128x64xf32, #tpu.memory_space<vmem>>
      %dma_wait3A_1324 = arith.constant 0 : i32
      %dma_wait3A_1325 = tpu.memref_slice %arg4[%mul3A_2, %dma_wait3A_1324] : memref<204800x64xf32, #tpu.memory_space<hbm>> -> memref<128x64xf32, #tpu.memory_space<hbm>>
      %dma_wait3A_1326 = arith.constant 0 : i32
      %dma_wait3A_1327 = arith.constant 0 : i32
      %dma_wait3A_1328 = tpu.memref_slice %arg6[%dma_wait3A_1319, %dma_wait3A_1326, %dma_wait3A_1327] : memref<8x128x64xf32, #tpu.memory_space<vmem>> -> memref<1x128x64xf32, #tpu.memory_space<vmem>>
      %dma_wait3A_1329 = tpu.memref_squeeze %dma_wait3A_1328 : memref<1x128x64xf32, #tpu.memory_space<vmem>> -> memref<128x64xf32, #tpu.memory_space<vmem>>
      %dma_wait3A_1330 = arith.constant 0 : i32
      %dma_wait3A_1331 = tpu.memref_slice %arg4[%mul3A_2, %dma_wait3A_1330] : memref<204800x64xf32, #tpu.memory_space<hbm>> -> memref<128x64xf32, #tpu.memory_space<hbm>>
      tpu.wait_dma2 semaphore(%arg13 : memref<!tpu.dma_semaphore, #tpu.memory_space<semaphore_mem>>) src(%dma_wait3A_1331 : memref<128x64xf32, #tpu.memory_space<hbm>>) dst(%dma_wait3A_1329 : memref<128x64xf32, #tpu.memory_space<vmem>>)
      %mul3A_1332 = arith.constant 128 : i32
      %mul3A_1333 = arith.muli %add3A_1318, %mul3A_1332 : i32
      %add3A_1334 = arith.addi %mul3A_2, %mul3A_1333 : i32
      %dma_start3A_1335 = arith.constant 6 : i32
      %dma_start3A_1336 = arith.constant 0 : i32
      %dma_start3A_1337 = arith.constant 0 : i32
      %dma_start3A_1338 = tpu.memref_slice %arg6[%dma_start3A_1335, %dma_start3A_1336, %dma_start3A_1337] : memref<8x128x64xf32, #tpu.memory_space<vmem>> -> memref<1x128x64xf32, #tpu.memory_space<vmem>>
      %dma_start3A_1339 = tpu.memref_squeeze %dma_start3A_1338 : memref<1x128x64xf32, #tpu.memory_space<vmem>> -> memref<128x64xf32, #tpu.memory_space<vmem>>
      %dma_start3A_1340 = arith.constant 0 : i32
      %dma_start3A_1341 = tpu.memref_slice %arg4[%add3A_1334, %dma_start3A_1340] : memref<204800x64xf32, #tpu.memory_space<hbm>> -> memref<128x64xf32, #tpu.memory_space<hbm>>
      %dma_start3A_1342 = arith.constant 0 : i32
      %dma_start3A_1343 = tpu.memref_slice %arg4[%add3A_1334, %dma_start3A_1342] : memref<204800x64xf32, #tpu.memory_space<hbm>> -> memref<128x64xf32, #tpu.memory_space<hbm>>
      %dma_start3A_1344 = arith.constant 0 : i32
      %dma_start3A_1345 = arith.constant 0 : i32
      %dma_start3A_1346 = tpu.memref_slice %arg6[%dma_start3A_1335, %dma_start3A_1344, %dma_start3A_1345] : memref<8x128x64xf32, #tpu.memory_space<vmem>> -> memref<1x128x64xf32, #tpu.memory_space<vmem>>
      %dma_start3A_1347 = tpu.memref_squeeze %dma_start3A_1346 : memref<1x128x64xf32, #tpu.memory_space<vmem>> -> memref<128x64xf32, #tpu.memory_space<vmem>>
      tpu.enqueue_dma source(%dma_start3A_1347 : memref<128x64xf32, #tpu.memory_space<vmem>>) target(%dma_start3A_1343 : memref<128x64xf32, #tpu.memory_space<hbm>>) target_semaphore(%arg21 : memref<!tpu.dma_semaphore, #tpu.memory_space<semaphore_mem>>)
      %dma_wait3A_1348 = arith.constant 2 : i32
      %dma_wait3A_1349 = arith.constant 0 : i32
      %dma_wait3A_1350 = arith.constant 0 : i32
      %dma_wait3A_1351 = tpu.memref_slice %arg6[%dma_wait3A_1348, %dma_wait3A_1349, %dma_wait3A_1350] : memref<8x128x64xf32, #tpu.memory_space<vmem>> -> memref<1x128x64xf32, #tpu.memory_space<vmem>>
      %dma_wait3A_1352 = tpu.memref_squeeze %dma_wait3A_1351 : memref<1x128x64xf32, #tpu.memory_space<vmem>> -> memref<128x64xf32, #tpu.memory_space<vmem>>
      %dma_wait3A_1353 = arith.constant 0 : i32
      %dma_wait3A_1354 = tpu.memref_slice %arg4[%mul3A_2, %dma_wait3A_1353] : memref<204800x64xf32, #tpu.memory_space<hbm>> -> memref<128x64xf32, #tpu.memory_space<hbm>>
      %dma_wait3A_1355 = arith.constant 0 : i32
      %dma_wait3A_1356 = tpu.memref_slice %arg4[%mul3A_2, %dma_wait3A_1355] : memref<204800x64xf32, #tpu.memory_space<hbm>> -> memref<128x64xf32, #tpu.memory_space<hbm>>
      %dma_wait3A_1357 = arith.constant 0 : i32
      %dma_wait3A_1358 = arith.constant 0 : i32
      %dma_wait3A_1359 = tpu.memref_slice %arg6[%dma_wait3A_1348, %dma_wait3A_1357, %dma_wait3A_1358] : memref<8x128x64xf32, #tpu.memory_space<vmem>> -> memref<1x128x64xf32, #tpu.memory_space<vmem>>
      %dma_wait3A_1360 = tpu.memref_squeeze %dma_wait3A_1359 : memref<1x128x64xf32, #tpu.memory_space<vmem>> -> memref<128x64xf32, #tpu.memory_space<vmem>>
      tpu.wait_dma2 semaphore(%arg17 : memref<!tpu.dma_semaphore, #tpu.memory_space<semaphore_mem>>) src(%dma_wait3A_1360 : memref<128x64xf32, #tpu.memory_space<vmem>>) dst(%dma_wait3A_1356 : memref<128x64xf32, #tpu.memory_space<hbm>>)
      %add3A_1361 = arith.constant 4 : i32
      %add3A_1362 = arith.addi %add3A_1318, %add3A_1361 : i32
      %dma_start3A_1363 = arith.constant 2 : i32
      %dma_start3A_1364 = arith.constant 0 : i32
      %dma_start3A_1365 = arith.constant 0 : i32
      %dma_start3A_1366 = tpu.memref_slice %arg6[%dma_start3A_1363, %dma_start3A_1364, %dma_start3A_1365] : memref<8x128x64xf32, #tpu.memory_space<vmem>> -> memref<1x128x64xf32, #tpu.memory_space<vmem>>
      %dma_start3A_1367 = tpu.memref_squeeze %dma_start3A_1366 : memref<1x128x64xf32, #tpu.memory_space<vmem>> -> memref<128x64xf32, #tpu.memory_space<vmem>>
      %dma_start3A_1368 = arith.constant 0 : i32
      %dma_start3A_1369 = tpu.memref_slice %arg5[%add3A_1362, %dma_start3A_1368] : memref<50x128xi32, #tpu.memory_space<vmem>> -> memref<1x128xi32, #tpu.memory_space<vmem>>
      %dma_start3A_1370 = tpu.memref_squeeze %dma_start3A_1369 : memref<1x128xi32, #tpu.memory_space<vmem>> -> memref<128xi32, #tpu.memory_space<vmem>>
      %dma_start3A_1371 = arith.constant 0 : i32
      %dma_start3A_1372 = arith.constant 0 : i32
      %dma_start3A_1373 = tpu.memref_slice %arg3[%dma_start3A_1371, %dma_start3A_1372] : memref<100000x64xf32, #tpu.memory_space<hbm>> -> memref<100000x64xf32, #tpu.memory_space<hbm>>
      tpu.enqueue_indirect_dma source(%dma_start3A_1373 : memref<100000x64xf32, #tpu.memory_space<hbm>>) target(%dma_start3A_1367 : memref<128x64xf32, #tpu.memory_space<vmem>>) offsets(%dma_start3A_1370 : memref<128xi32, #tpu.memory_space<vmem>>) semaphore(%arg9 : memref<!tpu.dma_semaphore, #tpu.memory_space<semaphore_mem>>)
      %mul3A_1374 = arith.constant 8 : i32
      %mul3A_1375 = arith.muli %scan3A_960, %mul3A_1374 : i32
      %add3A_1376 = arith.constant 7 : i32
      %add3A_1377 = arith.addi %mul3A_1375, %add3A_1376 : i32
      %dma_wait3A_1378 = arith.constant 7 : i32
      %dma_wait3A_1379 = arith.constant 0 : i32
      %dma_wait3A_1380 = arith.constant 0 : i32
      %dma_wait3A_1381 = tpu.memref_slice %arg6[%dma_wait3A_1378, %dma_wait3A_1379, %dma_wait3A_1380] : memref<8x128x64xf32, #tpu.memory_space<vmem>> -> memref<1x128x64xf32, #tpu.memory_space<vmem>>
      %dma_wait3A_1382 = tpu.memref_squeeze %dma_wait3A_1381 : memref<1x128x64xf32, #tpu.memory_space<vmem>> -> memref<128x64xf32, #tpu.memory_space<vmem>>
      %dma_wait3A_1383 = arith.constant 0 : i32
      %dma_wait3A_1384 = tpu.memref_slice %arg4[%mul3A_2, %dma_wait3A_1383] : memref<204800x64xf32, #tpu.memory_space<hbm>> -> memref<128x64xf32, #tpu.memory_space<hbm>>
      %dma_wait3A_1385 = arith.constant 0 : i32
      %dma_wait3A_1386 = arith.constant 0 : i32
      %dma_wait3A_1387 = tpu.memref_slice %arg6[%dma_wait3A_1378, %dma_wait3A_1385, %dma_wait3A_1386] : memref<8x128x64xf32, #tpu.memory_space<vmem>> -> memref<1x128x64xf32, #tpu.memory_space<vmem>>
      %dma_wait3A_1388 = tpu.memref_squeeze %dma_wait3A_1387 : memref<1x128x64xf32, #tpu.memory_space<vmem>> -> memref<128x64xf32, #tpu.memory_space<vmem>>
      %dma_wait3A_1389 = arith.constant 0 : i32
      %dma_wait3A_1390 = tpu.memref_slice %arg4[%mul3A_2, %dma_wait3A_1389] : memref<204800x64xf32, #tpu.memory_space<hbm>> -> memref<128x64xf32, #tpu.memory_space<hbm>>
      tpu.wait_dma2 semaphore(%arg14 : memref<!tpu.dma_semaphore, #tpu.memory_space<semaphore_mem>>) src(%dma_wait3A_1390 : memref<128x64xf32, #tpu.memory_space<hbm>>) dst(%dma_wait3A_1388 : memref<128x64xf32, #tpu.memory_space<vmem>>)
      %mul3A_1391 = arith.constant 128 : i32
      %mul3A_1392 = arith.muli %add3A_1377, %mul3A_1391 : i32
      %add3A_1393 = arith.addi %mul3A_2, %mul3A_1392 : i32
      %dma_start3A_1394 = arith.constant 7 : i32
      %dma_start3A_1395 = arith.constant 0 : i32
      %dma_start3A_1396 = arith.constant 0 : i32
      %dma_start3A_1397 = tpu.memref_slice %arg6[%dma_start3A_1394, %dma_start3A_1395, %dma_start3A_1396] : memref<8x128x64xf32, #tpu.memory_space<vmem>> -> memref<1x128x64xf32, #tpu.memory_space<vmem>>
      %dma_start3A_1398 = tpu.memref_squeeze %dma_start3A_1397 : memref<1x128x64xf32, #tpu.memory_space<vmem>> -> memref<128x64xf32, #tpu.memory_space<vmem>>
      %dma_start3A_1399 = arith.constant 0 : i32
      %dma_start3A_1400 = tpu.memref_slice %arg4[%add3A_1393, %dma_start3A_1399] : memref<204800x64xf32, #tpu.memory_space<hbm>> -> memref<128x64xf32, #tpu.memory_space<hbm>>
      %dma_start3A_1401 = arith.constant 0 : i32
      %dma_start3A_1402 = tpu.memref_slice %arg4[%add3A_1393, %dma_start3A_1401] : memref<204800x64xf32, #tpu.memory_space<hbm>> -> memref<128x64xf32, #tpu.memory_space<hbm>>
      %dma_start3A_1403 = arith.constant 0 : i32
      %dma_start3A_1404 = arith.constant 0 : i32
      %dma_start3A_1405 = tpu.memref_slice %arg6[%dma_start3A_1394, %dma_start3A_1403, %dma_start3A_1404] : memref<8x128x64xf32, #tpu.memory_space<vmem>> -> memref<1x128x64xf32, #tpu.memory_space<vmem>>
      %dma_start3A_1406 = tpu.memref_squeeze %dma_start3A_1405 : memref<1x128x64xf32, #tpu.memory_space<vmem>> -> memref<128x64xf32, #tpu.memory_space<vmem>>
      tpu.enqueue_dma source(%dma_start3A_1406 : memref<128x64xf32, #tpu.memory_space<vmem>>) target(%dma_start3A_1402 : memref<128x64xf32, #tpu.memory_space<hbm>>) target_semaphore(%arg22 : memref<!tpu.dma_semaphore, #tpu.memory_space<semaphore_mem>>)
      %dma_wait3A_1407 = arith.constant 3 : i32
      %dma_wait3A_1408 = arith.constant 0 : i32
      %dma_wait3A_1409 = arith.constant 0 : i32
      %dma_wait3A_1410 = tpu.memref_slice %arg6[%dma_wait3A_1407, %dma_wait3A_1408, %dma_wait3A_1409] : memref<8x128x64xf32, #tpu.memory_space<vmem>> -> memref<1x128x64xf32, #tpu.memory_space<vmem>>
      %dma_wait3A_1411 = tpu.memref_squeeze %dma_wait3A_1410 : memref<1x128x64xf32, #tpu.memory_space<vmem>> -> memref<128x64xf32, #tpu.memory_space<vmem>>
      %dma_wait3A_1412 = arith.constant 0 : i32
      %dma_wait3A_1413 = tpu.memref_slice %arg4[%mul3A_2, %dma_wait3A_1412] : memref<204800x64xf32, #tpu.memory_space<hbm>> -> memref<128x64xf32, #tpu.memory_space<hbm>>
      %dma_wait3A_1414 = arith.constant 0 : i32
      %dma_wait3A_1415 = tpu.memref_slice %arg4[%mul3A_2, %dma_wait3A_1414] : memref<204800x64xf32, #tpu.memory_space<hbm>> -> memref<128x64xf32, #tpu.memory_space<hbm>>
      %dma_wait3A_1416 = arith.constant 0 : i32
      %dma_wait3A_1417 = arith.constant 0 : i32
      %dma_wait3A_1418 = tpu.memref_slice %arg6[%dma_wait3A_1407, %dma_wait3A_1416, %dma_wait3A_1417] : memref<8x128x64xf32, #tpu.memory_space<vmem>> -> memref<1x128x64xf32, #tpu.memory_space<vmem>>
      %dma_wait3A_1419 = tpu.memref_squeeze %dma_wait3A_1418 : memref<1x128x64xf32, #tpu.memory_space<vmem>> -> memref<128x64xf32, #tpu.memory_space<vmem>>
      tpu.wait_dma2 semaphore(%arg18 : memref<!tpu.dma_semaphore, #tpu.memory_space<semaphore_mem>>) src(%dma_wait3A_1419 : memref<128x64xf32, #tpu.memory_space<vmem>>) dst(%dma_wait3A_1415 : memref<128x64xf32, #tpu.memory_space<hbm>>)
      %add3A_1420 = arith.constant 4 : i32
      %add3A_1421 = arith.addi %add3A_1377, %add3A_1420 : i32
      %dma_start3A_1422 = arith.constant 3 : i32
      %dma_start3A_1423 = arith.constant 0 : i32
      %dma_start3A_1424 = arith.constant 0 : i32
      %dma_start3A_1425 = tpu.memref_slice %arg6[%dma_start3A_1422, %dma_start3A_1423, %dma_start3A_1424] : memref<8x128x64xf32, #tpu.memory_space<vmem>> -> memref<1x128x64xf32, #tpu.memory_space<vmem>>
      %dma_start3A_1426 = tpu.memref_squeeze %dma_start3A_1425 : memref<1x128x64xf32, #tpu.memory_space<vmem>> -> memref<128x64xf32, #tpu.memory_space<vmem>>
      %dma_start3A_1427 = arith.constant 0 : i32
      %dma_start3A_1428 = tpu.memref_slice %arg5[%add3A_1421, %dma_start3A_1427] : memref<50x128xi32, #tpu.memory_space<vmem>> -> memref<1x128xi32, #tpu.memory_space<vmem>>
      %dma_start3A_1429 = tpu.memref_squeeze %dma_start3A_1428 : memref<1x128xi32, #tpu.memory_space<vmem>> -> memref<128xi32, #tpu.memory_space<vmem>>
      %dma_start3A_1430 = arith.constant 0 : i32
      %dma_start3A_1431 = arith.constant 0 : i32
      %dma_start3A_1432 = tpu.memref_slice %arg3[%dma_start3A_1430, %dma_start3A_1431] : memref<100000x64xf32, #tpu.memory_space<hbm>> -> memref<100000x64xf32, #tpu.memory_space<hbm>>
      tpu.enqueue_indirect_dma source(%dma_start3A_1432 : memref<100000x64xf32, #tpu.memory_space<hbm>>) target(%dma_start3A_1426 : memref<128x64xf32, #tpu.memory_space<vmem>>) offsets(%dma_start3A_1429 : memref<128xi32, #tpu.memory_space<vmem>>) semaphore(%arg10 : memref<!tpu.dma_semaphore, #tpu.memory_space<semaphore_mem>>)
    }
    %scan3A_425 = arith.constant 4 : i32
    %dma_wait3A_426 = arith.constant 0 : i32
    %dma_wait3A_427 = arith.constant 0 : i32
    %dma_wait3A_428 = arith.constant 0 : i32
    %dma_wait3A_429 = tpu.memref_slice %arg6[%dma_wait3A_426, %dma_wait3A_427, %dma_wait3A_428] : memref<8x128x64xf32, #tpu.memory_space<vmem>> -> memref<1x128x64xf32, #tpu.memory_space<vmem>>
    %dma_wait3A_430 = tpu.memref_squeeze %dma_wait3A_429 : memref<1x128x64xf32, #tpu.memory_space<vmem>> -> memref<128x64xf32, #tpu.memory_space<vmem>>
    %dma_wait3A_431 = arith.constant 0 : i32
    %dma_wait3A_432 = tpu.memref_slice %arg4[%mul3A_2, %dma_wait3A_431] : memref<204800x64xf32, #tpu.memory_space<hbm>> -> memref<128x64xf32, #tpu.memory_space<hbm>>
    %dma_wait3A_433 = arith.constant 0 : i32
    %dma_wait3A_434 = arith.constant 0 : i32
    %dma_wait3A_435 = tpu.memref_slice %arg6[%dma_wait3A_426, %dma_wait3A_433, %dma_wait3A_434] : memref<8x128x64xf32, #tpu.memory_space<vmem>> -> memref<1x128x64xf32, #tpu.memory_space<vmem>>
    %dma_wait3A_436 = tpu.memref_squeeze %dma_wait3A_435 : memref<1x128x64xf32, #tpu.memory_space<vmem>> -> memref<128x64xf32, #tpu.memory_space<vmem>>
    %dma_wait3A_437 = arith.constant 0 : i32
    %dma_wait3A_438 = tpu.memref_slice %arg4[%mul3A_2, %dma_wait3A_437] : memref<204800x64xf32, #tpu.memory_space<hbm>> -> memref<128x64xf32, #tpu.memory_space<hbm>>
    tpu.wait_dma2 semaphore(%arg7 : memref<!tpu.dma_semaphore, #tpu.memory_space<semaphore_mem>>) src(%dma_wait3A_438 : memref<128x64xf32, #tpu.memory_space<hbm>>) dst(%dma_wait3A_436 : memref<128x64xf32, #tpu.memory_space<vmem>>)
    %add3A_439 = arith.constant 5120 : i32
    %add3A_440 = arith.addi %mul3A_2, %add3A_439 : i32
    %dma_start3A_441 = arith.constant 0 : i32
    %dma_start3A_442 = arith.constant 0 : i32
    %dma_start3A_443 = arith.constant 0 : i32
    %dma_start3A_444 = tpu.memref_slice %arg6[%dma_start3A_441, %dma_start3A_442, %dma_start3A_443] : memref<8x128x64xf32, #tpu.memory_space<vmem>> -> memref<1x128x64xf32, #tpu.memory_space<vmem>>
    %dma_start3A_445 = tpu.memref_squeeze %dma_start3A_444 : memref<1x128x64xf32, #tpu.memory_space<vmem>> -> memref<128x64xf32, #tpu.memory_space<vmem>>
    %dma_start3A_446 = arith.constant 0 : i32
    %dma_start3A_447 = tpu.memref_slice %arg4[%add3A_440, %dma_start3A_446] : memref<204800x64xf32, #tpu.memory_space<hbm>> -> memref<128x64xf32, #tpu.memory_space<hbm>>
    %dma_start3A_448 = arith.constant 0 : i32
    %dma_start3A_449 = tpu.memref_slice %arg4[%add3A_440, %dma_start3A_448] : memref<204800x64xf32, #tpu.memory_space<hbm>> -> memref<128x64xf32, #tpu.memory_space<hbm>>
    %dma_start3A_450 = arith.constant 0 : i32
    %dma_start3A_451 = arith.constant 0 : i32
    %dma_start3A_452 = tpu.memref_slice %arg6[%dma_start3A_441, %dma_start3A_450, %dma_start3A_451] : memref<8x128x64xf32, #tpu.memory_space<vmem>> -> memref<1x128x64xf32, #tpu.memory_space<vmem>>
    %dma_start3A_453 = tpu.memref_squeeze %dma_start3A_452 : memref<1x128x64xf32, #tpu.memory_space<vmem>> -> memref<128x64xf32, #tpu.memory_space<vmem>>
    tpu.enqueue_dma source(%dma_start3A_453 : memref<128x64xf32, #tpu.memory_space<vmem>>) target(%dma_start3A_449 : memref<128x64xf32, #tpu.memory_space<hbm>>) target_semaphore(%arg15 : memref<!tpu.dma_semaphore, #tpu.memory_space<semaphore_mem>>)
    %dma_wait3A_454 = arith.constant 4 : i32
    %dma_wait3A_455 = arith.constant 0 : i32
    %dma_wait3A_456 = arith.constant 0 : i32
    %dma_wait3A_457 = tpu.memref_slice %arg6[%dma_wait3A_454, %dma_wait3A_455, %dma_wait3A_456] : memref<8x128x64xf32, #tpu.memory_space<vmem>> -> memref<1x128x64xf32, #tpu.memory_space<vmem>>
    %dma_wait3A_458 = tpu.memref_squeeze %dma_wait3A_457 : memref<1x128x64xf32, #tpu.memory_space<vmem>> -> memref<128x64xf32, #tpu.memory_space<vmem>>
    %dma_wait3A_459 = arith.constant 0 : i32
    %dma_wait3A_460 = tpu.memref_slice %arg4[%mul3A_2, %dma_wait3A_459] : memref<204800x64xf32, #tpu.memory_space<hbm>> -> memref<128x64xf32, #tpu.memory_space<hbm>>
    %dma_wait3A_461 = arith.constant 0 : i32
    %dma_wait3A_462 = tpu.memref_slice %arg4[%mul3A_2, %dma_wait3A_461] : memref<204800x64xf32, #tpu.memory_space<hbm>> -> memref<128x64xf32, #tpu.memory_space<hbm>>
    %dma_wait3A_463 = arith.constant 0 : i32
    %dma_wait3A_464 = arith.constant 0 : i32
    %dma_wait3A_465 = tpu.memref_slice %arg6[%dma_wait3A_454, %dma_wait3A_463, %dma_wait3A_464] : memref<8x128x64xf32, #tpu.memory_space<vmem>> -> memref<1x128x64xf32, #tpu.memory_space<vmem>>
    %dma_wait3A_466 = tpu.memref_squeeze %dma_wait3A_465 : memref<1x128x64xf32, #tpu.memory_space<vmem>> -> memref<128x64xf32, #tpu.memory_space<vmem>>
    tpu.wait_dma2 semaphore(%arg19 : memref<!tpu.dma_semaphore, #tpu.memory_space<semaphore_mem>>) src(%dma_wait3A_466 : memref<128x64xf32, #tpu.memory_space<vmem>>) dst(%dma_wait3A_462 : memref<128x64xf32, #tpu.memory_space<hbm>>)
    %dma_start3A_467 = arith.constant 44 : i32
    %dma_start3A_468 = arith.constant 4 : i32
    %dma_start3A_469 = arith.constant 0 : i32
    %dma_start3A_470 = arith.constant 0 : i32
    %dma_start3A_471 = tpu.memref_slice %arg6[%dma_start3A_468, %dma_start3A_469, %dma_start3A_470] : memref<8x128x64xf32, #tpu.memory_space<vmem>> -> memref<1x128x64xf32, #tpu.memory_space<vmem>>
    %dma_start3A_472 = tpu.memref_squeeze %dma_start3A_471 : memref<1x128x64xf32, #tpu.memory_space<vmem>> -> memref<128x64xf32, #tpu.memory_space<vmem>>
    %dma_start3A_473 = arith.constant 0 : i32
    %dma_start3A_474 = tpu.memref_slice %arg5[%dma_start3A_467, %dma_start3A_473] : memref<50x128xi32, #tpu.memory_space<vmem>> -> memref<1x128xi32, #tpu.memory_space<vmem>>
    %dma_start3A_475 = tpu.memref_squeeze %dma_start3A_474 : memref<1x128xi32, #tpu.memory_space<vmem>> -> memref<128xi32, #tpu.memory_space<vmem>>
    %dma_start3A_476 = arith.constant 0 : i32
    %dma_start3A_477 = arith.constant 0 : i32
    %dma_start3A_478 = tpu.memref_slice %arg3[%dma_start3A_476, %dma_start3A_477] : memref<100000x64xf32, #tpu.memory_space<hbm>> -> memref<100000x64xf32, #tpu.memory_space<hbm>>
    tpu.enqueue_indirect_dma source(%dma_start3A_478 : memref<100000x64xf32, #tpu.memory_space<hbm>>) target(%dma_start3A_472 : memref<128x64xf32, #tpu.memory_space<vmem>>) offsets(%dma_start3A_475 : memref<128xi32, #tpu.memory_space<vmem>>) semaphore(%arg11 : memref<!tpu.dma_semaphore, #tpu.memory_space<semaphore_mem>>)
    %dma_wait3A_479 = arith.constant 1 : i32
    %dma_wait3A_480 = arith.constant 0 : i32
    %dma_wait3A_481 = arith.constant 0 : i32
    %dma_wait3A_482 = tpu.memref_slice %arg6[%dma_wait3A_479, %dma_wait3A_480, %dma_wait3A_481] : memref<8x128x64xf32, #tpu.memory_space<vmem>> -> memref<1x128x64xf32, #tpu.memory_space<vmem>>
    %dma_wait3A_483 = tpu.memref_squeeze %dma_wait3A_482 : memref<1x128x64xf32, #tpu.memory_space<vmem>> -> memref<128x64xf32, #tpu.memory_space<vmem>>
    %dma_wait3A_484 = arith.constant 0 : i32
    %dma_wait3A_485 = tpu.memref_slice %arg4[%mul3A_2, %dma_wait3A_484] : memref<204800x64xf32, #tpu.memory_space<hbm>> -> memref<128x64xf32, #tpu.memory_space<hbm>>
    %dma_wait3A_486 = arith.constant 0 : i32
    %dma_wait3A_487 = arith.constant 0 : i32
    %dma_wait3A_488 = tpu.memref_slice %arg6[%dma_wait3A_479, %dma_wait3A_486, %dma_wait3A_487] : memref<8x128x64xf32, #tpu.memory_space<vmem>> -> memref<1x128x64xf32, #tpu.memory_space<vmem>>
    %dma_wait3A_489 = tpu.memref_squeeze %dma_wait3A_488 : memref<1x128x64xf32, #tpu.memory_space<vmem>> -> memref<128x64xf32, #tpu.memory_space<vmem>>
    %dma_wait3A_490 = arith.constant 0 : i32
    %dma_wait3A_491 = tpu.memref_slice %arg4[%mul3A_2, %dma_wait3A_490] : memref<204800x64xf32, #tpu.memory_space<hbm>> -> memref<128x64xf32, #tpu.memory_space<hbm>>
    tpu.wait_dma2 semaphore(%arg8 : memref<!tpu.dma_semaphore, #tpu.memory_space<semaphore_mem>>) src(%dma_wait3A_491 : memref<128x64xf32, #tpu.memory_space<hbm>>) dst(%dma_wait3A_489 : memref<128x64xf32, #tpu.memory_space<vmem>>)
    %add3A_492 = arith.constant 5248 : i32
    %add3A_493 = arith.addi %mul3A_2, %add3A_492 : i32
    %dma_start3A_494 = arith.constant 1 : i32
    %dma_start3A_495 = arith.constant 0 : i32
    %dma_start3A_496 = arith.constant 0 : i32
    %dma_start3A_497 = tpu.memref_slice %arg6[%dma_start3A_494, %dma_start3A_495, %dma_start3A_496] : memref<8x128x64xf32, #tpu.memory_space<vmem>> -> memref<1x128x64xf32, #tpu.memory_space<vmem>>
    %dma_start3A_498 = tpu.memref_squeeze %dma_start3A_497 : memref<1x128x64xf32, #tpu.memory_space<vmem>> -> memref<128x64xf32, #tpu.memory_space<vmem>>
    %dma_start3A_499 = arith.constant 0 : i32
    %dma_start3A_500 = tpu.memref_slice %arg4[%add3A_493, %dma_start3A_499] : memref<204800x64xf32, #tpu.memory_space<hbm>> -> memref<128x64xf32, #tpu.memory_space<hbm>>
    %dma_start3A_501 = arith.constant 0 : i32
    %dma_start3A_502 = tpu.memref_slice %arg4[%add3A_493, %dma_start3A_501] : memref<204800x64xf32, #tpu.memory_space<hbm>> -> memref<128x64xf32, #tpu.memory_space<hbm>>
    %dma_start3A_503 = arith.constant 0 : i32
    %dma_start3A_504 = arith.constant 0 : i32
    %dma_start3A_505 = tpu.memref_slice %arg6[%dma_start3A_494, %dma_start3A_503, %dma_start3A_504] : memref<8x128x64xf32, #tpu.memory_space<vmem>> -> memref<1x128x64xf32, #tpu.memory_space<vmem>>
    %dma_start3A_506 = tpu.memref_squeeze %dma_start3A_505 : memref<1x128x64xf32, #tpu.memory_space<vmem>> -> memref<128x64xf32, #tpu.memory_space<vmem>>
    tpu.enqueue_dma source(%dma_start3A_506 : memref<128x64xf32, #tpu.memory_space<vmem>>) target(%dma_start3A_502 : memref<128x64xf32, #tpu.memory_space<hbm>>) target_semaphore(%arg16 : memref<!tpu.dma_semaphore, #tpu.memory_space<semaphore_mem>>)
    %dma_wait3A_507 = arith.constant 5 : i32
    %dma_wait3A_508 = arith.constant 0 : i32
    %dma_wait3A_509 = arith.constant 0 : i32
    %dma_wait3A_510 = tpu.memref_slice %arg6[%dma_wait3A_507, %dma_wait3A_508, %dma_wait3A_509] : memref<8x128x64xf32, #tpu.memory_space<vmem>> -> memref<1x128x64xf32, #tpu.memory_space<vmem>>
    %dma_wait3A_511 = tpu.memref_squeeze %dma_wait3A_510 : memref<1x128x64xf32, #tpu.memory_space<vmem>> -> memref<128x64xf32, #tpu.memory_space<vmem>>
    %dma_wait3A_512 = arith.constant 0 : i32
    %dma_wait3A_513 = tpu.memref_slice %arg4[%mul3A_2, %dma_wait3A_512] : memref<204800x64xf32, #tpu.memory_space<hbm>> -> memref<128x64xf32, #tpu.memory_space<hbm>>
    %dma_wait3A_514 = arith.constant 0 : i32
    %dma_wait3A_515 = tpu.memref_slice %arg4[%mul3A_2, %dma_wait3A_514] : memref<204800x64xf32, #tpu.memory_space<hbm>> -> memref<128x64xf32, #tpu.memory_space<hbm>>
    %dma_wait3A_516 = arith.constant 0 : i32
    %dma_wait3A_517 = arith.constant 0 : i32
    %dma_wait3A_518 = tpu.memref_slice %arg6[%dma_wait3A_507, %dma_wait3A_516, %dma_wait3A_517] : memref<8x128x64xf32, #tpu.memory_space<vmem>> -> memref<1x128x64xf32, #tpu.memory_space<vmem>>
    %dma_wait3A_519 = tpu.memref_squeeze %dma_wait3A_518 : memref<1x128x64xf32, #tpu.memory_space<vmem>> -> memref<128x64xf32, #tpu.memory_space<vmem>>
    tpu.wait_dma2 semaphore(%arg20 : memref<!tpu.dma_semaphore, #tpu.memory_space<semaphore_mem>>) src(%dma_wait3A_519 : memref<128x64xf32, #tpu.memory_space<vmem>>) dst(%dma_wait3A_515 : memref<128x64xf32, #tpu.memory_space<hbm>>)
    %dma_start3A_520 = arith.constant 45 : i32
    %dma_start3A_521 = arith.constant 5 : i32
    %dma_start3A_522 = arith.constant 0 : i32
    %dma_start3A_523 = arith.constant 0 : i32
    %dma_start3A_524 = tpu.memref_slice %arg6[%dma_start3A_521, %dma_start3A_522, %dma_start3A_523] : memref<8x128x64xf32, #tpu.memory_space<vmem>> -> memref<1x128x64xf32, #tpu.memory_space<vmem>>
    %dma_start3A_525 = tpu.memref_squeeze %dma_start3A_524 : memref<1x128x64xf32, #tpu.memory_space<vmem>> -> memref<128x64xf32, #tpu.memory_space<vmem>>
    %dma_start3A_526 = arith.constant 0 : i32
    %dma_start3A_527 = tpu.memref_slice %arg5[%dma_start3A_520, %dma_start3A_526] : memref<50x128xi32, #tpu.memory_space<vmem>> -> memref<1x128xi32, #tpu.memory_space<vmem>>
    %dma_start3A_528 = tpu.memref_squeeze %dma_start3A_527 : memref<1x128xi32, #tpu.memory_space<vmem>> -> memref<128xi32, #tpu.memory_space<vmem>>
    %dma_start3A_529 = arith.constant 0 : i32
    %dma_start3A_530 = arith.constant 0 : i32
    %dma_start3A_531 = tpu.memref_slice %arg3[%dma_start3A_529, %dma_start3A_530] : memref<100000x64xf32, #tpu.memory_space<hbm>> -> memref<100000x64xf32, #tpu.memory_space<hbm>>
    tpu.enqueue_indirect_dma source(%dma_start3A_531 : memref<100000x64xf32, #tpu.memory_space<hbm>>) target(%dma_start3A_525 : memref<128x64xf32, #tpu.memory_space<vmem>>) offsets(%dma_start3A_528 : memref<128xi32, #tpu.memory_space<vmem>>) semaphore(%arg12 : memref<!tpu.dma_semaphore, #tpu.memory_space<semaphore_mem>>)
    %dma_wait3A_532 = arith.constant 2 : i32
    %dma_wait3A_533 = arith.constant 0 : i32
    %dma_wait3A_534 = arith.constant 0 : i32
    %dma_wait3A_535 = tpu.memref_slice %arg6[%dma_wait3A_532, %dma_wait3A_533, %dma_wait3A_534] : memref<8x128x64xf32, #tpu.memory_space<vmem>> -> memref<1x128x64xf32, #tpu.memory_space<vmem>>
    %dma_wait3A_536 = tpu.memref_squeeze %dma_wait3A_535 : memref<1x128x64xf32, #tpu.memory_space<vmem>> -> memref<128x64xf32, #tpu.memory_space<vmem>>
    %dma_wait3A_537 = arith.constant 0 : i32
    %dma_wait3A_538 = tpu.memref_slice %arg4[%mul3A_2, %dma_wait3A_537] : memref<204800x64xf32, #tpu.memory_space<hbm>> -> memref<128x64xf32, #tpu.memory_space<hbm>>
    %dma_wait3A_539 = arith.constant 0 : i32
    %dma_wait3A_540 = arith.constant 0 : i32
    %dma_wait3A_541 = tpu.memref_slice %arg6[%dma_wait3A_532, %dma_wait3A_539, %dma_wait3A_540] : memref<8x128x64xf32, #tpu.memory_space<vmem>> -> memref<1x128x64xf32, #tpu.memory_space<vmem>>
    %dma_wait3A_542 = tpu.memref_squeeze %dma_wait3A_541 : memref<1x128x64xf32, #tpu.memory_space<vmem>> -> memref<128x64xf32, #tpu.memory_space<vmem>>
    %dma_wait3A_543 = arith.constant 0 : i32
    %dma_wait3A_544 = tpu.memref_slice %arg4[%mul3A_2, %dma_wait3A_543] : memref<204800x64xf32, #tpu.memory_space<hbm>> -> memref<128x64xf32, #tpu.memory_space<hbm>>
    tpu.wait_dma2 semaphore(%arg9 : memref<!tpu.dma_semaphore, #tpu.memory_space<semaphore_mem>>) src(%dma_wait3A_544 : memref<128x64xf32, #tpu.memory_space<hbm>>) dst(%dma_wait3A_542 : memref<128x64xf32, #tpu.memory_space<vmem>>)
    %add3A_545 = arith.constant 5376 : i32
    %add3A_546 = arith.addi %mul3A_2, %add3A_545 : i32
    %dma_start3A_547 = arith.constant 2 : i32
    %dma_start3A_548 = arith.constant 0 : i32
    %dma_start3A_549 = arith.constant 0 : i32
    %dma_start3A_550 = tpu.memref_slice %arg6[%dma_start3A_547, %dma_start3A_548, %dma_start3A_549] : memref<8x128x64xf32, #tpu.memory_space<vmem>> -> memref<1x128x64xf32, #tpu.memory_space<vmem>>
    %dma_start3A_551 = tpu.memref_squeeze %dma_start3A_550 : memref<1x128x64xf32, #tpu.memory_space<vmem>> -> memref<128x64xf32, #tpu.memory_space<vmem>>
    %dma_start3A_552 = arith.constant 0 : i32
    %dma_start3A_553 = tpu.memref_slice %arg4[%add3A_546, %dma_start3A_552] : memref<204800x64xf32, #tpu.memory_space<hbm>> -> memref<128x64xf32, #tpu.memory_space<hbm>>
    %dma_start3A_554 = arith.constant 0 : i32
    %dma_start3A_555 = tpu.memref_slice %arg4[%add3A_546, %dma_start3A_554] : memref<204800x64xf32, #tpu.memory_space<hbm>> -> memref<128x64xf32, #tpu.memory_space<hbm>>
    %dma_start3A_556 = arith.constant 0 : i32
    %dma_start3A_557 = arith.constant 0 : i32
    %dma_start3A_558 = tpu.memref_slice %arg6[%dma_start3A_547, %dma_start3A_556, %dma_start3A_557] : memref<8x128x64xf32, #tpu.memory_space<vmem>> -> memref<1x128x64xf32, #tpu.memory_space<vmem>>
    %dma_start3A_559 = tpu.memref_squeeze %dma_start3A_558 : memref<1x128x64xf32, #tpu.memory_space<vmem>> -> memref<128x64xf32, #tpu.memory_space<vmem>>
    tpu.enqueue_dma source(%dma_start3A_559 : memref<128x64xf32, #tpu.memory_space<vmem>>) target(%dma_start3A_555 : memref<128x64xf32, #tpu.memory_space<hbm>>) target_semaphore(%arg17 : memref<!tpu.dma_semaphore, #tpu.memory_space<semaphore_mem>>)
    %dma_wait3A_560 = arith.constant 6 : i32
    %dma_wait3A_561 = arith.constant 0 : i32
    %dma_wait3A_562 = arith.constant 0 : i32
    %dma_wait3A_563 = tpu.memref_slice %arg6[%dma_wait3A_560, %dma_wait3A_561, %dma_wait3A_562] : memref<8x128x64xf32, #tpu.memory_space<vmem>> -> memref<1x128x64xf32, #tpu.memory_space<vmem>>
    %dma_wait3A_564 = tpu.memref_squeeze %dma_wait3A_563 : memref<1x128x64xf32, #tpu.memory_space<vmem>> -> memref<128x64xf32, #tpu.memory_space<vmem>>
    %dma_wait3A_565 = arith.constant 0 : i32
    %dma_wait3A_566 = tpu.memref_slice %arg4[%mul3A_2, %dma_wait3A_565] : memref<204800x64xf32, #tpu.memory_space<hbm>> -> memref<128x64xf32, #tpu.memory_space<hbm>>
    %dma_wait3A_567 = arith.constant 0 : i32
    %dma_wait3A_568 = tpu.memref_slice %arg4[%mul3A_2, %dma_wait3A_567] : memref<204800x64xf32, #tpu.memory_space<hbm>> -> memref<128x64xf32, #tpu.memory_space<hbm>>
    %dma_wait3A_569 = arith.constant 0 : i32
    %dma_wait3A_570 = arith.constant 0 : i32
    %dma_wait3A_571 = tpu.memref_slice %arg6[%dma_wait3A_560, %dma_wait3A_569, %dma_wait3A_570] : memref<8x128x64xf32, #tpu.memory_space<vmem>> -> memref<1x128x64xf32, #tpu.memory_space<vmem>>
    %dma_wait3A_572 = tpu.memref_squeeze %dma_wait3A_571 : memref<1x128x64xf32, #tpu.memory_space<vmem>> -> memref<128x64xf32, #tpu.memory_space<vmem>>
    tpu.wait_dma2 semaphore(%arg21 : memref<!tpu.dma_semaphore, #tpu.memory_space<semaphore_mem>>) src(%dma_wait3A_572 : memref<128x64xf32, #tpu.memory_space<vmem>>) dst(%dma_wait3A_568 : memref<128x64xf32, #tpu.memory_space<hbm>>)
    %dma_start3A_573 = arith.constant 46 : i32
    %dma_start3A_574 = arith.constant 6 : i32
    %dma_start3A_575 = arith.constant 0 : i32
    %dma_start3A_576 = arith.constant 0 : i32
    %dma_start3A_577 = tpu.memref_slice %arg6[%dma_start3A_574, %dma_start3A_575, %dma_start3A_576] : memref<8x128x64xf32, #tpu.memory_space<vmem>> -> memref<1x128x64xf32, #tpu.memory_space<vmem>>
    %dma_start3A_578 = tpu.memref_squeeze %dma_start3A_577 : memref<1x128x64xf32, #tpu.memory_space<vmem>> -> memref<128x64xf32, #tpu.memory_space<vmem>>
    %dma_start3A_579 = arith.constant 0 : i32
    %dma_start3A_580 = tpu.memref_slice %arg5[%dma_start3A_573, %dma_start3A_579] : memref<50x128xi32, #tpu.memory_space<vmem>> -> memref<1x128xi32, #tpu.memory_space<vmem>>
    %dma_start3A_581 = tpu.memref_squeeze %dma_start3A_580 : memref<1x128xi32, #tpu.memory_space<vmem>> -> memref<128xi32, #tpu.memory_space<vmem>>
    %dma_start3A_582 = arith.constant 0 : i32
    %dma_start3A_583 = arith.constant 0 : i32
    %dma_start3A_584 = tpu.memref_slice %arg3[%dma_start3A_582, %dma_start3A_583] : memref<100000x64xf32, #tpu.memory_space<hbm>> -> memref<100000x64xf32, #tpu.memory_space<hbm>>
    tpu.enqueue_indirect_dma source(%dma_start3A_584 : memref<100000x64xf32, #tpu.memory_space<hbm>>) target(%dma_start3A_578 : memref<128x64xf32, #tpu.memory_space<vmem>>) offsets(%dma_start3A_581 : memref<128xi32, #tpu.memory_space<vmem>>) semaphore(%arg13 : memref<!tpu.dma_semaphore, #tpu.memory_space<semaphore_mem>>)
    %dma_wait3A_585 = arith.constant 3 : i32
    %dma_wait3A_586 = arith.constant 0 : i32
    %dma_wait3A_587 = arith.constant 0 : i32
    %dma_wait3A_588 = tpu.memref_slice %arg6[%dma_wait3A_585, %dma_wait3A_586, %dma_wait3A_587] : memref<8x128x64xf32, #tpu.memory_space<vmem>> -> memref<1x128x64xf32, #tpu.memory_space<vmem>>
    %dma_wait3A_589 = tpu.memref_squeeze %dma_wait3A_588 : memref<1x128x64xf32, #tpu.memory_space<vmem>> -> memref<128x64xf32, #tpu.memory_space<vmem>>
    %dma_wait3A_590 = arith.constant 0 : i32
    %dma_wait3A_591 = tpu.memref_slice %arg4[%mul3A_2, %dma_wait3A_590] : memref<204800x64xf32, #tpu.memory_space<hbm>> -> memref<128x64xf32, #tpu.memory_space<hbm>>
    %dma_wait3A_592 = arith.constant 0 : i32
    %dma_wait3A_593 = arith.constant 0 : i32
    %dma_wait3A_594 = tpu.memref_slice %arg6[%dma_wait3A_585, %dma_wait3A_592, %dma_wait3A_593] : memref<8x128x64xf32, #tpu.memory_space<vmem>> -> memref<1x128x64xf32, #tpu.memory_space<vmem>>
    %dma_wait3A_595 = tpu.memref_squeeze %dma_wait3A_594 : memref<1x128x64xf32, #tpu.memory_space<vmem>> -> memref<128x64xf32, #tpu.memory_space<vmem>>
    %dma_wait3A_596 = arith.constant 0 : i32
    %dma_wait3A_597 = tpu.memref_slice %arg4[%mul3A_2, %dma_wait3A_596] : memref<204800x64xf32, #tpu.memory_space<hbm>> -> memref<128x64xf32, #tpu.memory_space<hbm>>
    tpu.wait_dma2 semaphore(%arg10 : memref<!tpu.dma_semaphore, #tpu.memory_space<semaphore_mem>>) src(%dma_wait3A_597 : memref<128x64xf32, #tpu.memory_space<hbm>>) dst(%dma_wait3A_595 : memref<128x64xf32, #tpu.memory_space<vmem>>)
    %add3A_598 = arith.constant 5504 : i32
    %add3A_599 = arith.addi %mul3A_2, %add3A_598 : i32
    %dma_start3A_600 = arith.constant 3 : i32
    %dma_start3A_601 = arith.constant 0 : i32
    %dma_start3A_602 = arith.constant 0 : i32
    %dma_start3A_603 = tpu.memref_slice %arg6[%dma_start3A_600, %dma_start3A_601, %dma_start3A_602] : memref<8x128x64xf32, #tpu.memory_space<vmem>> -> memref<1x128x64xf32, #tpu.memory_space<vmem>>
    %dma_start3A_604 = tpu.memref_squeeze %dma_start3A_603 : memref<1x128x64xf32, #tpu.memory_space<vmem>> -> memref<128x64xf32, #tpu.memory_space<vmem>>
    %dma_start3A_605 = arith.constant 0 : i32
    %dma_start3A_606 = tpu.memref_slice %arg4[%add3A_599, %dma_start3A_605] : memref<204800x64xf32, #tpu.memory_space<hbm>> -> memref<128x64xf32, #tpu.memory_space<hbm>>
    %dma_start3A_607 = arith.constant 0 : i32
    %dma_start3A_608 = tpu.memref_slice %arg4[%add3A_599, %dma_start3A_607] : memref<204800x64xf32, #tpu.memory_space<hbm>> -> memref<128x64xf32, #tpu.memory_space<hbm>>
    %dma_start3A_609 = arith.constant 0 : i32
    %dma_start3A_610 = arith.constant 0 : i32
    %dma_start3A_611 = tpu.memref_slice %arg6[%dma_start3A_600, %dma_start3A_609, %dma_start3A_610] : memref<8x128x64xf32, #tpu.memory_space<vmem>> -> memref<1x128x64xf32, #tpu.memory_space<vmem>>
    %dma_start3A_612 = tpu.memref_squeeze %dma_start3A_611 : memref<1x128x64xf32, #tpu.memory_space<vmem>> -> memref<128x64xf32, #tpu.memory_space<vmem>>
    tpu.enqueue_dma source(%dma_start3A_612 : memref<128x64xf32, #tpu.memory_space<vmem>>) target(%dma_start3A_608 : memref<128x64xf32, #tpu.memory_space<hbm>>) target_semaphore(%arg18 : memref<!tpu.dma_semaphore, #tpu.memory_space<semaphore_mem>>)
    %dma_wait3A_613 = arith.constant 7 : i32
    %dma_wait3A_614 = arith.constant 0 : i32
    %dma_wait3A_615 = arith.constant 0 : i32
    %dma_wait3A_616 = tpu.memref_slice %arg6[%dma_wait3A_613, %dma_wait3A_614, %dma_wait3A_615] : memref<8x128x64xf32, #tpu.memory_space<vmem>> -> memref<1x128x64xf32, #tpu.memory_space<vmem>>
    %dma_wait3A_617 = tpu.memref_squeeze %dma_wait3A_616 : memref<1x128x64xf32, #tpu.memory_space<vmem>> -> memref<128x64xf32, #tpu.memory_space<vmem>>
    %dma_wait3A_618 = arith.constant 0 : i32
    %dma_wait3A_619 = tpu.memref_slice %arg4[%mul3A_2, %dma_wait3A_618] : memref<204800x64xf32, #tpu.memory_space<hbm>> -> memref<128x64xf32, #tpu.memory_space<hbm>>
    %dma_wait3A_620 = arith.constant 0 : i32
    %dma_wait3A_621 = tpu.memref_slice %arg4[%mul3A_2, %dma_wait3A_620] : memref<204800x64xf32, #tpu.memory_space<hbm>> -> memref<128x64xf32, #tpu.memory_space<hbm>>
    %dma_wait3A_622 = arith.constant 0 : i32
    %dma_wait3A_623 = arith.constant 0 : i32
    %dma_wait3A_624 = tpu.memref_slice %arg6[%dma_wait3A_613, %dma_wait3A_622, %dma_wait3A_623] : memref<8x128x64xf32, #tpu.memory_space<vmem>> -> memref<1x128x64xf32, #tpu.memory_space<vmem>>
    %dma_wait3A_625 = tpu.memref_squeeze %dma_wait3A_624 : memref<1x128x64xf32, #tpu.memory_space<vmem>> -> memref<128x64xf32, #tpu.memory_space<vmem>>
    tpu.wait_dma2 semaphore(%arg22 : memref<!tpu.dma_semaphore, #tpu.memory_space<semaphore_mem>>) src(%dma_wait3A_625 : memref<128x64xf32, #tpu.memory_space<vmem>>) dst(%dma_wait3A_621 : memref<128x64xf32, #tpu.memory_space<hbm>>)
    %dma_start3A_626 = arith.constant 47 : i32
    %dma_start3A_627 = arith.constant 7 : i32
    %dma_start3A_628 = arith.constant 0 : i32
    %dma_start3A_629 = arith.constant 0 : i32
    %dma_start3A_630 = tpu.memref_slice %arg6[%dma_start3A_627, %dma_start3A_628, %dma_start3A_629] : memref<8x128x64xf32, #tpu.memory_space<vmem>> -> memref<1x128x64xf32, #tpu.memory_space<vmem>>
    %dma_start3A_631 = tpu.memref_squeeze %dma_start3A_630 : memref<1x128x64xf32, #tpu.memory_space<vmem>> -> memref<128x64xf32, #tpu.memory_space<vmem>>
    %dma_start3A_632 = arith.constant 0 : i32
    %dma_start3A_633 = tpu.memref_slice %arg5[%dma_start3A_626, %dma_start3A_632] : memref<50x128xi32, #tpu.memory_space<vmem>> -> memref<1x128xi32, #tpu.memory_space<vmem>>
    %dma_start3A_634 = tpu.memref_squeeze %dma_start3A_633 : memref<1x128xi32, #tpu.memory_space<vmem>> -> memref<128xi32, #tpu.memory_space<vmem>>
    %dma_start3A_635 = arith.constant 0 : i32
    %dma_start3A_636 = arith.constant 0 : i32
    %dma_start3A_637 = tpu.memref_slice %arg3[%dma_start3A_635, %dma_start3A_636] : memref<100000x64xf32, #tpu.memory_space<hbm>> -> memref<100000x64xf32, #tpu.memory_space<hbm>>
    tpu.enqueue_indirect_dma source(%dma_start3A_637 : memref<100000x64xf32, #tpu.memory_space<hbm>>) target(%dma_start3A_631 : memref<128x64xf32, #tpu.memory_space<vmem>>) offsets(%dma_start3A_634 : memref<128xi32, #tpu.memory_space<vmem>>) semaphore(%arg14 : memref<!tpu.dma_semaphore, #tpu.memory_space<semaphore_mem>>)
    %dma_wait3A_638 = arith.constant 4 : i32
    %dma_wait3A_639 = arith.constant 0 : i32
    %dma_wait3A_640 = arith.constant 0 : i32
    %dma_wait3A_641 = tpu.memref_slice %arg6[%dma_wait3A_638, %dma_wait3A_639, %dma_wait3A_640] : memref<8x128x64xf32, #tpu.memory_space<vmem>> -> memref<1x128x64xf32, #tpu.memory_space<vmem>>
    %dma_wait3A_642 = tpu.memref_squeeze %dma_wait3A_641 : memref<1x128x64xf32, #tpu.memory_space<vmem>> -> memref<128x64xf32, #tpu.memory_space<vmem>>
    %dma_wait3A_643 = arith.constant 0 : i32
    %dma_wait3A_644 = tpu.memref_slice %arg4[%mul3A_2, %dma_wait3A_643] : memref<204800x64xf32, #tpu.memory_space<hbm>> -> memref<128x64xf32, #tpu.memory_space<hbm>>
    %dma_wait3A_645 = arith.constant 0 : i32
    %dma_wait3A_646 = arith.constant 0 : i32
    %dma_wait3A_647 = tpu.memref_slice %arg6[%dma_wait3A_638, %dma_wait3A_645, %dma_wait3A_646] : memref<8x128x64xf32, #tpu.memory_space<vmem>> -> memref<1x128x64xf32, #tpu.memory_space<vmem>>
    %dma_wait3A_648 = tpu.memref_squeeze %dma_wait3A_647 : memref<1x128x64xf32, #tpu.memory_space<vmem>> -> memref<128x64xf32, #tpu.memory_space<vmem>>
    %dma_wait3A_649 = arith.constant 0 : i32
    %dma_wait3A_650 = tpu.memref_slice %arg4[%mul3A_2, %dma_wait3A_649] : memref<204800x64xf32, #tpu.memory_space<hbm>> -> memref<128x64xf32, #tpu.memory_space<hbm>>
    tpu.wait_dma2 semaphore(%arg11 : memref<!tpu.dma_semaphore, #tpu.memory_space<semaphore_mem>>) src(%dma_wait3A_650 : memref<128x64xf32, #tpu.memory_space<hbm>>) dst(%dma_wait3A_648 : memref<128x64xf32, #tpu.memory_space<vmem>>)
    %add3A_651 = arith.constant 5632 : i32
    %add3A_652 = arith.addi %mul3A_2, %add3A_651 : i32
    %dma_start3A_653 = arith.constant 4 : i32
    %dma_start3A_654 = arith.constant 0 : i32
    %dma_start3A_655 = arith.constant 0 : i32
    %dma_start3A_656 = tpu.memref_slice %arg6[%dma_start3A_653, %dma_start3A_654, %dma_start3A_655] : memref<8x128x64xf32, #tpu.memory_space<vmem>> -> memref<1x128x64xf32, #tpu.memory_space<vmem>>
    %dma_start3A_657 = tpu.memref_squeeze %dma_start3A_656 : memref<1x128x64xf32, #tpu.memory_space<vmem>> -> memref<128x64xf32, #tpu.memory_space<vmem>>
    %dma_start3A_658 = arith.constant 0 : i32
    %dma_start3A_659 = tpu.memref_slice %arg4[%add3A_652, %dma_start3A_658] : memref<204800x64xf32, #tpu.memory_space<hbm>> -> memref<128x64xf32, #tpu.memory_space<hbm>>
    %dma_start3A_660 = arith.constant 0 : i32
    %dma_start3A_661 = tpu.memref_slice %arg4[%add3A_652, %dma_start3A_660] : memref<204800x64xf32, #tpu.memory_space<hbm>> -> memref<128x64xf32, #tpu.memory_space<hbm>>
    %dma_start3A_662 = arith.constant 0 : i32
    %dma_start3A_663 = arith.constant 0 : i32
    %dma_start3A_664 = tpu.memref_slice %arg6[%dma_start3A_653, %dma_start3A_662, %dma_start3A_663] : memref<8x128x64xf32, #tpu.memory_space<vmem>> -> memref<1x128x64xf32, #tpu.memory_space<vmem>>
    %dma_start3A_665 = tpu.memref_squeeze %dma_start3A_664 : memref<1x128x64xf32, #tpu.memory_space<vmem>> -> memref<128x64xf32, #tpu.memory_space<vmem>>
    tpu.enqueue_dma source(%dma_start3A_665 : memref<128x64xf32, #tpu.memory_space<vmem>>) target(%dma_start3A_661 : memref<128x64xf32, #tpu.memory_space<hbm>>) target_semaphore(%arg19 : memref<!tpu.dma_semaphore, #tpu.memory_space<semaphore_mem>>)
    %dma_wait3A_666 = arith.constant 0 : i32
    %dma_wait3A_667 = arith.constant 0 : i32
    %dma_wait3A_668 = arith.constant 0 : i32
    %dma_wait3A_669 = tpu.memref_slice %arg6[%dma_wait3A_666, %dma_wait3A_667, %dma_wait3A_668] : memref<8x128x64xf32, #tpu.memory_space<vmem>> -> memref<1x128x64xf32, #tpu.memory_space<vmem>>
    %dma_wait3A_670 = tpu.memref_squeeze %dma_wait3A_669 : memref<1x128x64xf32, #tpu.memory_space<vmem>> -> memref<128x64xf32, #tpu.memory_space<vmem>>
    %dma_wait3A_671 = arith.constant 0 : i32
    %dma_wait3A_672 = tpu.memref_slice %arg4[%mul3A_2, %dma_wait3A_671] : memref<204800x64xf32, #tpu.memory_space<hbm>> -> memref<128x64xf32, #tpu.memory_space<hbm>>
    %dma_wait3A_673 = arith.constant 0 : i32
    %dma_wait3A_674 = tpu.memref_slice %arg4[%mul3A_2, %dma_wait3A_673] : memref<204800x64xf32, #tpu.memory_space<hbm>> -> memref<128x64xf32, #tpu.memory_space<hbm>>
    %dma_wait3A_675 = arith.constant 0 : i32
    %dma_wait3A_676 = arith.constant 0 : i32
    %dma_wait3A_677 = tpu.memref_slice %arg6[%dma_wait3A_666, %dma_wait3A_675, %dma_wait3A_676] : memref<8x128x64xf32, #tpu.memory_space<vmem>> -> memref<1x128x64xf32, #tpu.memory_space<vmem>>
    %dma_wait3A_678 = tpu.memref_squeeze %dma_wait3A_677 : memref<1x128x64xf32, #tpu.memory_space<vmem>> -> memref<128x64xf32, #tpu.memory_space<vmem>>
    tpu.wait_dma2 semaphore(%arg15 : memref<!tpu.dma_semaphore, #tpu.memory_space<semaphore_mem>>) src(%dma_wait3A_678 : memref<128x64xf32, #tpu.memory_space<vmem>>) dst(%dma_wait3A_674 : memref<128x64xf32, #tpu.memory_space<hbm>>)
    %dma_start3A_679 = arith.constant 48 : i32
    %dma_start3A_680 = arith.constant 0 : i32
    %dma_start3A_681 = arith.constant 0 : i32
    %dma_start3A_682 = arith.constant 0 : i32
    %dma_start3A_683 = tpu.memref_slice %arg6[%dma_start3A_680, %dma_start3A_681, %dma_start3A_682] : memref<8x128x64xf32, #tpu.memory_space<vmem>> -> memref<1x128x64xf32, #tpu.memory_space<vmem>>
    %dma_start3A_684 = tpu.memref_squeeze %dma_start3A_683 : memref<1x128x64xf32, #tpu.memory_space<vmem>> -> memref<128x64xf32, #tpu.memory_space<vmem>>
    %dma_start3A_685 = arith.constant 0 : i32
    %dma_start3A_686 = tpu.memref_slice %arg5[%dma_start3A_679, %dma_start3A_685] : memref<50x128xi32, #tpu.memory_space<vmem>> -> memref<1x128xi32, #tpu.memory_space<vmem>>
    %dma_start3A_687 = tpu.memref_squeeze %dma_start3A_686 : memref<1x128xi32, #tpu.memory_space<vmem>> -> memref<128xi32, #tpu.memory_space<vmem>>
    %dma_start3A_688 = arith.constant 0 : i32
    %dma_start3A_689 = arith.constant 0 : i32
    %dma_start3A_690 = tpu.memref_slice %arg3[%dma_start3A_688, %dma_start3A_689] : memref<100000x64xf32, #tpu.memory_space<hbm>> -> memref<100000x64xf32, #tpu.memory_space<hbm>>
    tpu.enqueue_indirect_dma source(%dma_start3A_690 : memref<100000x64xf32, #tpu.memory_space<hbm>>) target(%dma_start3A_684 : memref<128x64xf32, #tpu.memory_space<vmem>>) offsets(%dma_start3A_687 : memref<128xi32, #tpu.memory_space<vmem>>) semaphore(%arg7 : memref<!tpu.dma_semaphore, #tpu.memory_space<semaphore_mem>>)
    %dma_wait3A_691 = arith.constant 5 : i32
    %dma_wait3A_692 = arith.constant 0 : i32
    %dma_wait3A_693 = arith.constant 0 : i32
    %dma_wait3A_694 = tpu.memref_slice %arg6[%dma_wait3A_691, %dma_wait3A_692, %dma_wait3A_693] : memref<8x128x64xf32, #tpu.memory_space<vmem>> -> memref<1x128x64xf32, #tpu.memory_space<vmem>>
    %dma_wait3A_695 = tpu.memref_squeeze %dma_wait3A_694 : memref<1x128x64xf32, #tpu.memory_space<vmem>> -> memref<128x64xf32, #tpu.memory_space<vmem>>
    %dma_wait3A_696 = arith.constant 0 : i32
    %dma_wait3A_697 = tpu.memref_slice %arg4[%mul3A_2, %dma_wait3A_696] : memref<204800x64xf32, #tpu.memory_space<hbm>> -> memref<128x64xf32, #tpu.memory_space<hbm>>
    %dma_wait3A_698 = arith.constant 0 : i32
    %dma_wait3A_699 = arith.constant 0 : i32
    %dma_wait3A_700 = tpu.memref_slice %arg6[%dma_wait3A_691, %dma_wait3A_698, %dma_wait3A_699] : memref<8x128x64xf32, #tpu.memory_space<vmem>> -> memref<1x128x64xf32, #tpu.memory_space<vmem>>
    %dma_wait3A_701 = tpu.memref_squeeze %dma_wait3A_700 : memref<1x128x64xf32, #tpu.memory_space<vmem>> -> memref<128x64xf32, #tpu.memory_space<vmem>>
    %dma_wait3A_702 = arith.constant 0 : i32
    %dma_wait3A_703 = tpu.memref_slice %arg4[%mul3A_2, %dma_wait3A_702] : memref<204800x64xf32, #tpu.memory_space<hbm>> -> memref<128x64xf32, #tpu.memory_space<hbm>>
    tpu.wait_dma2 semaphore(%arg12 : memref<!tpu.dma_semaphore, #tpu.memory_space<semaphore_mem>>) src(%dma_wait3A_703 : memref<128x64xf32, #tpu.memory_space<hbm>>) dst(%dma_wait3A_701 : memref<128x64xf32, #tpu.memory_space<vmem>>)
    %add3A_704 = arith.constant 5760 : i32
    %add3A_705 = arith.addi %mul3A_2, %add3A_704 : i32
    %dma_start3A_706 = arith.constant 5 : i32
    %dma_start3A_707 = arith.constant 0 : i32
    %dma_start3A_708 = arith.constant 0 : i32
    %dma_start3A_709 = tpu.memref_slice %arg6[%dma_start3A_706, %dma_start3A_707, %dma_start3A_708] : memref<8x128x64xf32, #tpu.memory_space<vmem>> -> memref<1x128x64xf32, #tpu.memory_space<vmem>>
    %dma_start3A_710 = tpu.memref_squeeze %dma_start3A_709 : memref<1x128x64xf32, #tpu.memory_space<vmem>> -> memref<128x64xf32, #tpu.memory_space<vmem>>
    %dma_start3A_711 = arith.constant 0 : i32
    %dma_start3A_712 = tpu.memref_slice %arg4[%add3A_705, %dma_start3A_711] : memref<204800x64xf32, #tpu.memory_space<hbm>> -> memref<128x64xf32, #tpu.memory_space<hbm>>
    %dma_start3A_713 = arith.constant 0 : i32
    %dma_start3A_714 = tpu.memref_slice %arg4[%add3A_705, %dma_start3A_713] : memref<204800x64xf32, #tpu.memory_space<hbm>> -> memref<128x64xf32, #tpu.memory_space<hbm>>
    %dma_start3A_715 = arith.constant 0 : i32
    %dma_start3A_716 = arith.constant 0 : i32
    %dma_start3A_717 = tpu.memref_slice %arg6[%dma_start3A_706, %dma_start3A_715, %dma_start3A_716] : memref<8x128x64xf32, #tpu.memory_space<vmem>> -> memref<1x128x64xf32, #tpu.memory_space<vmem>>
    %dma_start3A_718 = tpu.memref_squeeze %dma_start3A_717 : memref<1x128x64xf32, #tpu.memory_space<vmem>> -> memref<128x64xf32, #tpu.memory_space<vmem>>
    tpu.enqueue_dma source(%dma_start3A_718 : memref<128x64xf32, #tpu.memory_space<vmem>>) target(%dma_start3A_714 : memref<128x64xf32, #tpu.memory_space<hbm>>) target_semaphore(%arg20 : memref<!tpu.dma_semaphore, #tpu.memory_space<semaphore_mem>>)
    %dma_wait3A_719 = arith.constant 1 : i32
    %dma_wait3A_720 = arith.constant 0 : i32
    %dma_wait3A_721 = arith.constant 0 : i32
    %dma_wait3A_722 = tpu.memref_slice %arg6[%dma_wait3A_719, %dma_wait3A_720, %dma_wait3A_721] : memref<8x128x64xf32, #tpu.memory_space<vmem>> -> memref<1x128x64xf32, #tpu.memory_space<vmem>>
    %dma_wait3A_723 = tpu.memref_squeeze %dma_wait3A_722 : memref<1x128x64xf32, #tpu.memory_space<vmem>> -> memref<128x64xf32, #tpu.memory_space<vmem>>
    %dma_wait3A_724 = arith.constant 0 : i32
    %dma_wait3A_725 = tpu.memref_slice %arg4[%mul3A_2, %dma_wait3A_724] : memref<204800x64xf32, #tpu.memory_space<hbm>> -> memref<128x64xf32, #tpu.memory_space<hbm>>
    %dma_wait3A_726 = arith.constant 0 : i32
    %dma_wait3A_727 = tpu.memref_slice %arg4[%mul3A_2, %dma_wait3A_726] : memref<204800x64xf32, #tpu.memory_space<hbm>> -> memref<128x64xf32, #tpu.memory_space<hbm>>
    %dma_wait3A_728 = arith.constant 0 : i32
    %dma_wait3A_729 = arith.constant 0 : i32
    %dma_wait3A_730 = tpu.memref_slice %arg6[%dma_wait3A_719, %dma_wait3A_728, %dma_wait3A_729] : memref<8x128x64xf32, #tpu.memory_space<vmem>> -> memref<1x128x64xf32, #tpu.memory_space<vmem>>
    %dma_wait3A_731 = tpu.memref_squeeze %dma_wait3A_730 : memref<1x128x64xf32, #tpu.memory_space<vmem>> -> memref<128x64xf32, #tpu.memory_space<vmem>>
    tpu.wait_dma2 semaphore(%arg16 : memref<!tpu.dma_semaphore, #tpu.memory_space<semaphore_mem>>) src(%dma_wait3A_731 : memref<128x64xf32, #tpu.memory_space<vmem>>) dst(%dma_wait3A_727 : memref<128x64xf32, #tpu.memory_space<hbm>>)
    %dma_start3A_732 = arith.constant 49 : i32
    %dma_start3A_733 = arith.constant 1 : i32
    %dma_start3A_734 = arith.constant 0 : i32
    %dma_start3A_735 = arith.constant 0 : i32
    %dma_start3A_736 = tpu.memref_slice %arg6[%dma_start3A_733, %dma_start3A_734, %dma_start3A_735] : memref<8x128x64xf32, #tpu.memory_space<vmem>> -> memref<1x128x64xf32, #tpu.memory_space<vmem>>
    %dma_start3A_737 = tpu.memref_squeeze %dma_start3A_736 : memref<1x128x64xf32, #tpu.memory_space<vmem>> -> memref<128x64xf32, #tpu.memory_space<vmem>>
    %dma_start3A_738 = arith.constant 0 : i32
    %dma_start3A_739 = tpu.memref_slice %arg5[%dma_start3A_732, %dma_start3A_738] : memref<50x128xi32, #tpu.memory_space<vmem>> -> memref<1x128xi32, #tpu.memory_space<vmem>>
    %dma_start3A_740 = tpu.memref_squeeze %dma_start3A_739 : memref<1x128xi32, #tpu.memory_space<vmem>> -> memref<128xi32, #tpu.memory_space<vmem>>
    %dma_start3A_741 = arith.constant 0 : i32
    %dma_start3A_742 = arith.constant 0 : i32
    %dma_start3A_743 = tpu.memref_slice %arg3[%dma_start3A_741, %dma_start3A_742] : memref<100000x64xf32, #tpu.memory_space<hbm>> -> memref<100000x64xf32, #tpu.memory_space<hbm>>
    tpu.enqueue_indirect_dma source(%dma_start3A_743 : memref<100000x64xf32, #tpu.memory_space<hbm>>) target(%dma_start3A_737 : memref<128x64xf32, #tpu.memory_space<vmem>>) offsets(%dma_start3A_740 : memref<128xi32, #tpu.memory_space<vmem>>) semaphore(%arg8 : memref<!tpu.dma_semaphore, #tpu.memory_space<semaphore_mem>>)
    %dma_wait3A_744 = arith.constant 6 : i32
    %dma_wait3A_745 = arith.constant 0 : i32
    %dma_wait3A_746 = arith.constant 0 : i32
    %dma_wait3A_747 = tpu.memref_slice %arg6[%dma_wait3A_744, %dma_wait3A_745, %dma_wait3A_746] : memref<8x128x64xf32, #tpu.memory_space<vmem>> -> memref<1x128x64xf32, #tpu.memory_space<vmem>>
    %dma_wait3A_748 = tpu.memref_squeeze %dma_wait3A_747 : memref<1x128x64xf32, #tpu.memory_space<vmem>> -> memref<128x64xf32, #tpu.memory_space<vmem>>
    %dma_wait3A_749 = arith.constant 0 : i32
    %dma_wait3A_750 = tpu.memref_slice %arg4[%mul3A_2, %dma_wait3A_749] : memref<204800x64xf32, #tpu.memory_space<hbm>> -> memref<128x64xf32, #tpu.memory_space<hbm>>
    %dma_wait3A_751 = arith.constant 0 : i32
    %dma_wait3A_752 = arith.constant 0 : i32
    %dma_wait3A_753 = tpu.memref_slice %arg6[%dma_wait3A_744, %dma_wait3A_751, %dma_wait3A_752] : memref<8x128x64xf32, #tpu.memory_space<vmem>> -> memref<1x128x64xf32, #tpu.memory_space<vmem>>
    %dma_wait3A_754 = tpu.memref_squeeze %dma_wait3A_753 : memref<1x128x64xf32, #tpu.memory_space<vmem>> -> memref<128x64xf32, #tpu.memory_space<vmem>>
    %dma_wait3A_755 = arith.constant 0 : i32
    %dma_wait3A_756 = tpu.memref_slice %arg4[%mul3A_2, %dma_wait3A_755] : memref<204800x64xf32, #tpu.memory_space<hbm>> -> memref<128x64xf32, #tpu.memory_space<hbm>>
    tpu.wait_dma2 semaphore(%arg13 : memref<!tpu.dma_semaphore, #tpu.memory_space<semaphore_mem>>) src(%dma_wait3A_756 : memref<128x64xf32, #tpu.memory_space<hbm>>) dst(%dma_wait3A_754 : memref<128x64xf32, #tpu.memory_space<vmem>>)
    %add3A_757 = arith.constant 5888 : i32
    %add3A_758 = arith.addi %mul3A_2, %add3A_757 : i32
    %dma_start3A_759 = arith.constant 6 : i32
    %dma_start3A_760 = arith.constant 0 : i32
    %dma_start3A_761 = arith.constant 0 : i32
    %dma_start3A_762 = tpu.memref_slice %arg6[%dma_start3A_759, %dma_start3A_760, %dma_start3A_761] : memref<8x128x64xf32, #tpu.memory_space<vmem>> -> memref<1x128x64xf32, #tpu.memory_space<vmem>>
    %dma_start3A_763 = tpu.memref_squeeze %dma_start3A_762 : memref<1x128x64xf32, #tpu.memory_space<vmem>> -> memref<128x64xf32, #tpu.memory_space<vmem>>
    %dma_start3A_764 = arith.constant 0 : i32
    %dma_start3A_765 = tpu.memref_slice %arg4[%add3A_758, %dma_start3A_764] : memref<204800x64xf32, #tpu.memory_space<hbm>> -> memref<128x64xf32, #tpu.memory_space<hbm>>
    %dma_start3A_766 = arith.constant 0 : i32
    %dma_start3A_767 = tpu.memref_slice %arg4[%add3A_758, %dma_start3A_766] : memref<204800x64xf32, #tpu.memory_space<hbm>> -> memref<128x64xf32, #tpu.memory_space<hbm>>
    %dma_start3A_768 = arith.constant 0 : i32
    %dma_start3A_769 = arith.constant 0 : i32
    %dma_start3A_770 = tpu.memref_slice %arg6[%dma_start3A_759, %dma_start3A_768, %dma_start3A_769] : memref<8x128x64xf32, #tpu.memory_space<vmem>> -> memref<1x128x64xf32, #tpu.memory_space<vmem>>
    %dma_start3A_771 = tpu.memref_squeeze %dma_start3A_770 : memref<1x128x64xf32, #tpu.memory_space<vmem>> -> memref<128x64xf32, #tpu.memory_space<vmem>>
    tpu.enqueue_dma source(%dma_start3A_771 : memref<128x64xf32, #tpu.memory_space<vmem>>) target(%dma_start3A_767 : memref<128x64xf32, #tpu.memory_space<hbm>>) target_semaphore(%arg21 : memref<!tpu.dma_semaphore, #tpu.memory_space<semaphore_mem>>)
    %dma_wait3A_772 = arith.constant 7 : i32
    %dma_wait3A_773 = arith.constant 0 : i32
    %dma_wait3A_774 = arith.constant 0 : i32
    %dma_wait3A_775 = tpu.memref_slice %arg6[%dma_wait3A_772, %dma_wait3A_773, %dma_wait3A_774] : memref<8x128x64xf32, #tpu.memory_space<vmem>> -> memref<1x128x64xf32, #tpu.memory_space<vmem>>
    %dma_wait3A_776 = tpu.memref_squeeze %dma_wait3A_775 : memref<1x128x64xf32, #tpu.memory_space<vmem>> -> memref<128x64xf32, #tpu.memory_space<vmem>>
    %dma_wait3A_777 = arith.constant 0 : i32
    %dma_wait3A_778 = tpu.memref_slice %arg4[%mul3A_2, %dma_wait3A_777] : memref<204800x64xf32, #tpu.memory_space<hbm>> -> memref<128x64xf32, #tpu.memory_space<hbm>>
    %dma_wait3A_779 = arith.constant 0 : i32
    %dma_wait3A_780 = arith.constant 0 : i32
    %dma_wait3A_781 = tpu.memref_slice %arg6[%dma_wait3A_772, %dma_wait3A_779, %dma_wait3A_780] : memref<8x128x64xf32, #tpu.memory_space<vmem>> -> memref<1x128x64xf32, #tpu.memory_space<vmem>>
    %dma_wait3A_782 = tpu.memref_squeeze %dma_wait3A_781 : memref<1x128x64xf32, #tpu.memory_space<vmem>> -> memref<128x64xf32, #tpu.memory_space<vmem>>
    %dma_wait3A_783 = arith.constant 0 : i32
    %dma_wait3A_784 = tpu.memref_slice %arg4[%mul3A_2, %dma_wait3A_783] : memref<204800x64xf32, #tpu.memory_space<hbm>> -> memref<128x64xf32, #tpu.memory_space<hbm>>
    tpu.wait_dma2 semaphore(%arg14 : memref<!tpu.dma_semaphore, #tpu.memory_space<semaphore_mem>>) src(%dma_wait3A_784 : memref<128x64xf32, #tpu.memory_space<hbm>>) dst(%dma_wait3A_782 : memref<128x64xf32, #tpu.memory_space<vmem>>)
    %add3A_785 = arith.constant 6016 : i32
    %add3A_786 = arith.addi %mul3A_2, %add3A_785 : i32
    %dma_start3A_787 = arith.constant 7 : i32
    %dma_start3A_788 = arith.constant 0 : i32
    %dma_start3A_789 = arith.constant 0 : i32
    %dma_start3A_790 = tpu.memref_slice %arg6[%dma_start3A_787, %dma_start3A_788, %dma_start3A_789] : memref<8x128x64xf32, #tpu.memory_space<vmem>> -> memref<1x128x64xf32, #tpu.memory_space<vmem>>
    %dma_start3A_791 = tpu.memref_squeeze %dma_start3A_790 : memref<1x128x64xf32, #tpu.memory_space<vmem>> -> memref<128x64xf32, #tpu.memory_space<vmem>>
    %dma_start3A_792 = arith.constant 0 : i32
    %dma_start3A_793 = tpu.memref_slice %arg4[%add3A_786, %dma_start3A_792] : memref<204800x64xf32, #tpu.memory_space<hbm>> -> memref<128x64xf32, #tpu.memory_space<hbm>>
    %dma_start3A_794 = arith.constant 0 : i32
    %dma_start3A_795 = tpu.memref_slice %arg4[%add3A_786, %dma_start3A_794] : memref<204800x64xf32, #tpu.memory_space<hbm>> -> memref<128x64xf32, #tpu.memory_space<hbm>>
    %dma_start3A_796 = arith.constant 0 : i32
    %dma_start3A_797 = arith.constant 0 : i32
    %dma_start3A_798 = tpu.memref_slice %arg6[%dma_start3A_787, %dma_start3A_796, %dma_start3A_797] : memref<8x128x64xf32, #tpu.memory_space<vmem>> -> memref<1x128x64xf32, #tpu.memory_space<vmem>>
    %dma_start3A_799 = tpu.memref_squeeze %dma_start3A_798 : memref<1x128x64xf32, #tpu.memory_space<vmem>> -> memref<128x64xf32, #tpu.memory_space<vmem>>
    tpu.enqueue_dma source(%dma_start3A_799 : memref<128x64xf32, #tpu.memory_space<vmem>>) target(%dma_start3A_795 : memref<128x64xf32, #tpu.memory_space<hbm>>) target_semaphore(%arg22 : memref<!tpu.dma_semaphore, #tpu.memory_space<semaphore_mem>>)
    %dma_wait3A_800 = arith.constant 0 : i32
    %dma_wait3A_801 = arith.constant 0 : i32
    %dma_wait3A_802 = arith.constant 0 : i32
    %dma_wait3A_803 = tpu.memref_slice %arg6[%dma_wait3A_800, %dma_wait3A_801, %dma_wait3A_802] : memref<8x128x64xf32, #tpu.memory_space<vmem>> -> memref<1x128x64xf32, #tpu.memory_space<vmem>>
    %dma_wait3A_804 = tpu.memref_squeeze %dma_wait3A_803 : memref<1x128x64xf32, #tpu.memory_space<vmem>> -> memref<128x64xf32, #tpu.memory_space<vmem>>
    %dma_wait3A_805 = arith.constant 0 : i32
    %dma_wait3A_806 = tpu.memref_slice %arg4[%mul3A_2, %dma_wait3A_805] : memref<204800x64xf32, #tpu.memory_space<hbm>> -> memref<128x64xf32, #tpu.memory_space<hbm>>
    %dma_wait3A_807 = arith.constant 0 : i32
    %dma_wait3A_808 = arith.constant 0 : i32
    %dma_wait3A_809 = tpu.memref_slice %arg6[%dma_wait3A_800, %dma_wait3A_807, %dma_wait3A_808] : memref<8x128x64xf32, #tpu.memory_space<vmem>> -> memref<1x128x64xf32, #tpu.memory_space<vmem>>
    %dma_wait3A_810 = tpu.memref_squeeze %dma_wait3A_809 : memref<1x128x64xf32, #tpu.memory_space<vmem>> -> memref<128x64xf32, #tpu.memory_space<vmem>>
    %dma_wait3A_811 = arith.constant 0 : i32
    %dma_wait3A_812 = tpu.memref_slice %arg4[%mul3A_2, %dma_wait3A_811] : memref<204800x64xf32, #tpu.memory_space<hbm>> -> memref<128x64xf32, #tpu.memory_space<hbm>>
    tpu.wait_dma2 semaphore(%arg7 : memref<!tpu.dma_semaphore, #tpu.memory_space<semaphore_mem>>) src(%dma_wait3A_812 : memref<128x64xf32, #tpu.memory_space<hbm>>) dst(%dma_wait3A_810 : memref<128x64xf32, #tpu.memory_space<vmem>>)
    %add3A_813 = arith.constant 6144 : i32
    %add3A_814 = arith.addi %mul3A_2, %add3A_813 : i32
    %dma_start3A_815 = arith.constant 0 : i32
    %dma_start3A_816 = arith.constant 0 : i32
    %dma_start3A_817 = arith.constant 0 : i32
    %dma_start3A_818 = tpu.memref_slice %arg6[%dma_start3A_815, %dma_start3A_816, %dma_start3A_817] : memref<8x128x64xf32, #tpu.memory_space<vmem>> -> memref<1x128x64xf32, #tpu.memory_space<vmem>>
    %dma_start3A_819 = tpu.memref_squeeze %dma_start3A_818 : memref<1x128x64xf32, #tpu.memory_space<vmem>> -> memref<128x64xf32, #tpu.memory_space<vmem>>
    %dma_start3A_820 = arith.constant 0 : i32
    %dma_start3A_821 = tpu.memref_slice %arg4[%add3A_814, %dma_start3A_820] : memref<204800x64xf32, #tpu.memory_space<hbm>> -> memref<128x64xf32, #tpu.memory_space<hbm>>
    %dma_start3A_822 = arith.constant 0 : i32
    %dma_start3A_823 = tpu.memref_slice %arg4[%add3A_814, %dma_start3A_822] : memref<204800x64xf32, #tpu.memory_space<hbm>> -> memref<128x64xf32, #tpu.memory_space<hbm>>
    %dma_start3A_824 = arith.constant 0 : i32
    %dma_start3A_825 = arith.constant 0 : i32
    %dma_start3A_826 = tpu.memref_slice %arg6[%dma_start3A_815, %dma_start3A_824, %dma_start3A_825] : memref<8x128x64xf32, #tpu.memory_space<vmem>> -> memref<1x128x64xf32, #tpu.memory_space<vmem>>
    %dma_start3A_827 = tpu.memref_squeeze %dma_start3A_826 : memref<1x128x64xf32, #tpu.memory_space<vmem>> -> memref<128x64xf32, #tpu.memory_space<vmem>>
    tpu.enqueue_dma source(%dma_start3A_827 : memref<128x64xf32, #tpu.memory_space<vmem>>) target(%dma_start3A_823 : memref<128x64xf32, #tpu.memory_space<hbm>>) target_semaphore(%arg15 : memref<!tpu.dma_semaphore, #tpu.memory_space<semaphore_mem>>)
    %dma_wait3A_828 = arith.constant 1 : i32
    %dma_wait3A_829 = arith.constant 0 : i32
    %dma_wait3A_830 = arith.constant 0 : i32
    %dma_wait3A_831 = tpu.memref_slice %arg6[%dma_wait3A_828, %dma_wait3A_829, %dma_wait3A_830] : memref<8x128x64xf32, #tpu.memory_space<vmem>> -> memref<1x128x64xf32, #tpu.memory_space<vmem>>
    %dma_wait3A_832 = tpu.memref_squeeze %dma_wait3A_831 : memref<1x128x64xf32, #tpu.memory_space<vmem>> -> memref<128x64xf32, #tpu.memory_space<vmem>>
    %dma_wait3A_833 = arith.constant 0 : i32
    %dma_wait3A_834 = tpu.memref_slice %arg4[%mul3A_2, %dma_wait3A_833] : memref<204800x64xf32, #tpu.memory_space<hbm>> -> memref<128x64xf32, #tpu.memory_space<hbm>>
    %dma_wait3A_835 = arith.constant 0 : i32
    %dma_wait3A_836 = arith.constant 0 : i32
    %dma_wait3A_837 = tpu.memref_slice %arg6[%dma_wait3A_828, %dma_wait3A_835, %dma_wait3A_836] : memref<8x128x64xf32, #tpu.memory_space<vmem>> -> memref<1x128x64xf32, #tpu.memory_space<vmem>>
    %dma_wait3A_838 = tpu.memref_squeeze %dma_wait3A_837 : memref<1x128x64xf32, #tpu.memory_space<vmem>> -> memref<128x64xf32, #tpu.memory_space<vmem>>
    %dma_wait3A_839 = arith.constant 0 : i32
    %dma_wait3A_840 = tpu.memref_slice %arg4[%mul3A_2, %dma_wait3A_839] : memref<204800x64xf32, #tpu.memory_space<hbm>> -> memref<128x64xf32, #tpu.memory_space<hbm>>
    tpu.wait_dma2 semaphore(%arg8 : memref<!tpu.dma_semaphore, #tpu.memory_space<semaphore_mem>>) src(%dma_wait3A_840 : memref<128x64xf32, #tpu.memory_space<hbm>>) dst(%dma_wait3A_838 : memref<128x64xf32, #tpu.memory_space<vmem>>)
    %add3A_841 = arith.constant 6272 : i32
    %add3A_842 = arith.addi %mul3A_2, %add3A_841 : i32
    %dma_start3A_843 = arith.constant 1 : i32
    %dma_start3A_844 = arith.constant 0 : i32
    %dma_start3A_845 = arith.constant 0 : i32
    %dma_start3A_846 = tpu.memref_slice %arg6[%dma_start3A_843, %dma_start3A_844, %dma_start3A_845] : memref<8x128x64xf32, #tpu.memory_space<vmem>> -> memref<1x128x64xf32, #tpu.memory_space<vmem>>
    %dma_start3A_847 = tpu.memref_squeeze %dma_start3A_846 : memref<1x128x64xf32, #tpu.memory_space<vmem>> -> memref<128x64xf32, #tpu.memory_space<vmem>>
    %dma_start3A_848 = arith.constant 0 : i32
    %dma_start3A_849 = tpu.memref_slice %arg4[%add3A_842, %dma_start3A_848] : memref<204800x64xf32, #tpu.memory_space<hbm>> -> memref<128x64xf32, #tpu.memory_space<hbm>>
    %dma_start3A_850 = arith.constant 0 : i32
    %dma_start3A_851 = tpu.memref_slice %arg4[%add3A_842, %dma_start3A_850] : memref<204800x64xf32, #tpu.memory_space<hbm>> -> memref<128x64xf32, #tpu.memory_space<hbm>>
    %dma_start3A_852 = arith.constant 0 : i32
    %dma_start3A_853 = arith.constant 0 : i32
    %dma_start3A_854 = tpu.memref_slice %arg6[%dma_start3A_843, %dma_start3A_852, %dma_start3A_853] : memref<8x128x64xf32, #tpu.memory_space<vmem>> -> memref<1x128x64xf32, #tpu.memory_space<vmem>>
    %dma_start3A_855 = tpu.memref_squeeze %dma_start3A_854 : memref<1x128x64xf32, #tpu.memory_space<vmem>> -> memref<128x64xf32, #tpu.memory_space<vmem>>
    tpu.enqueue_dma source(%dma_start3A_855 : memref<128x64xf32, #tpu.memory_space<vmem>>) target(%dma_start3A_851 : memref<128x64xf32, #tpu.memory_space<hbm>>) target_semaphore(%arg16 : memref<!tpu.dma_semaphore, #tpu.memory_space<semaphore_mem>>)
    %dma_wait3A_856 = arith.constant 2 : i32
    %dma_wait3A_857 = arith.constant 0 : i32
    %dma_wait3A_858 = arith.constant 0 : i32
    %dma_wait3A_859 = tpu.memref_slice %arg6[%dma_wait3A_856, %dma_wait3A_857, %dma_wait3A_858] : memref<8x128x64xf32, #tpu.memory_space<vmem>> -> memref<1x128x64xf32, #tpu.memory_space<vmem>>
    %dma_wait3A_860 = tpu.memref_squeeze %dma_wait3A_859 : memref<1x128x64xf32, #tpu.memory_space<vmem>> -> memref<128x64xf32, #tpu.memory_space<vmem>>
    %dma_wait3A_861 = arith.constant 0 : i32
    %dma_wait3A_862 = tpu.memref_slice %arg4[%mul3A_2, %dma_wait3A_861] : memref<204800x64xf32, #tpu.memory_space<hbm>> -> memref<128x64xf32, #tpu.memory_space<hbm>>
    %dma_wait3A_863 = arith.constant 0 : i32
    %dma_wait3A_864 = tpu.memref_slice %arg4[%mul3A_2, %dma_wait3A_863] : memref<204800x64xf32, #tpu.memory_space<hbm>> -> memref<128x64xf32, #tpu.memory_space<hbm>>
    %dma_wait3A_865 = arith.constant 0 : i32
    %dma_wait3A_866 = arith.constant 0 : i32
    %dma_wait3A_867 = tpu.memref_slice %arg6[%dma_wait3A_856, %dma_wait3A_865, %dma_wait3A_866] : memref<8x128x64xf32, #tpu.memory_space<vmem>> -> memref<1x128x64xf32, #tpu.memory_space<vmem>>
    %dma_wait3A_868 = tpu.memref_squeeze %dma_wait3A_867 : memref<1x128x64xf32, #tpu.memory_space<vmem>> -> memref<128x64xf32, #tpu.memory_space<vmem>>
    tpu.wait_dma2 semaphore(%arg17 : memref<!tpu.dma_semaphore, #tpu.memory_space<semaphore_mem>>) src(%dma_wait3A_868 : memref<128x64xf32, #tpu.memory_space<vmem>>) dst(%dma_wait3A_864 : memref<128x64xf32, #tpu.memory_space<hbm>>)
    %dma_wait3A_869 = arith.constant 3 : i32
    %dma_wait3A_870 = arith.constant 0 : i32
    %dma_wait3A_871 = arith.constant 0 : i32
    %dma_wait3A_872 = tpu.memref_slice %arg6[%dma_wait3A_869, %dma_wait3A_870, %dma_wait3A_871] : memref<8x128x64xf32, #tpu.memory_space<vmem>> -> memref<1x128x64xf32, #tpu.memory_space<vmem>>
    %dma_wait3A_873 = tpu.memref_squeeze %dma_wait3A_872 : memref<1x128x64xf32, #tpu.memory_space<vmem>> -> memref<128x64xf32, #tpu.memory_space<vmem>>
    %dma_wait3A_874 = arith.constant 0 : i32
    %dma_wait3A_875 = tpu.memref_slice %arg4[%mul3A_2, %dma_wait3A_874] : memref<204800x64xf32, #tpu.memory_space<hbm>> -> memref<128x64xf32, #tpu.memory_space<hbm>>
    %dma_wait3A_876 = arith.constant 0 : i32
    %dma_wait3A_877 = tpu.memref_slice %arg4[%mul3A_2, %dma_wait3A_876] : memref<204800x64xf32, #tpu.memory_space<hbm>> -> memref<128x64xf32, #tpu.memory_space<hbm>>
    %dma_wait3A_878 = arith.constant 0 : i32
    %dma_wait3A_879 = arith.constant 0 : i32
    %dma_wait3A_880 = tpu.memref_slice %arg6[%dma_wait3A_869, %dma_wait3A_878, %dma_wait3A_879] : memref<8x128x64xf32, #tpu.memory_space<vmem>> -> memref<1x128x64xf32, #tpu.memory_space<vmem>>
    %dma_wait3A_881 = tpu.memref_squeeze %dma_wait3A_880 : memref<1x128x64xf32, #tpu.memory_space<vmem>> -> memref<128x64xf32, #tpu.memory_space<vmem>>
    tpu.wait_dma2 semaphore(%arg18 : memref<!tpu.dma_semaphore, #tpu.memory_space<semaphore_mem>>) src(%dma_wait3A_881 : memref<128x64xf32, #tpu.memory_space<vmem>>) dst(%dma_wait3A_877 : memref<128x64xf32, #tpu.memory_space<hbm>>)
    %dma_wait3A_882 = arith.constant 4 : i32
    %dma_wait3A_883 = arith.constant 0 : i32
    %dma_wait3A_884 = arith.constant 0 : i32
    %dma_wait3A_885 = tpu.memref_slice %arg6[%dma_wait3A_882, %dma_wait3A_883, %dma_wait3A_884] : memref<8x128x64xf32, #tpu.memory_space<vmem>> -> memref<1x128x64xf32, #tpu.memory_space<vmem>>
    %dma_wait3A_886 = tpu.memref_squeeze %dma_wait3A_885 : memref<1x128x64xf32, #tpu.memory_space<vmem>> -> memref<128x64xf32, #tpu.memory_space<vmem>>
    %dma_wait3A_887 = arith.constant 0 : i32
    %dma_wait3A_888 = tpu.memref_slice %arg4[%mul3A_2, %dma_wait3A_887] : memref<204800x64xf32, #tpu.memory_space<hbm>> -> memref<128x64xf32, #tpu.memory_space<hbm>>
    %dma_wait3A_889 = arith.constant 0 : i32
    %dma_wait3A_890 = tpu.memref_slice %arg4[%mul3A_2, %dma_wait3A_889] : memref<204800x64xf32, #tpu.memory_space<hbm>> -> memref<128x64xf32, #tpu.memory_space<hbm>>
    %dma_wait3A_891 = arith.constant 0 : i32
    %dma_wait3A_892 = arith.constant 0 : i32
    %dma_wait3A_893 = tpu.memref_slice %arg6[%dma_wait3A_882, %dma_wait3A_891, %dma_wait3A_892] : memref<8x128x64xf32, #tpu.memory_space<vmem>> -> memref<1x128x64xf32, #tpu.memory_space<vmem>>
    %dma_wait3A_894 = tpu.memref_squeeze %dma_wait3A_893 : memref<1x128x64xf32, #tpu.memory_space<vmem>> -> memref<128x64xf32, #tpu.memory_space<vmem>>
    tpu.wait_dma2 semaphore(%arg19 : memref<!tpu.dma_semaphore, #tpu.memory_space<semaphore_mem>>) src(%dma_wait3A_894 : memref<128x64xf32, #tpu.memory_space<vmem>>) dst(%dma_wait3A_890 : memref<128x64xf32, #tpu.memory_space<hbm>>)
    %dma_wait3A_895 = arith.constant 5 : i32
    %dma_wait3A_896 = arith.constant 0 : i32
    %dma_wait3A_897 = arith.constant 0 : i32
    %dma_wait3A_898 = tpu.memref_slice %arg6[%dma_wait3A_895, %dma_wait3A_896, %dma_wait3A_897] : memref<8x128x64xf32, #tpu.memory_space<vmem>> -> memref<1x128x64xf32, #tpu.memory_space<vmem>>
    %dma_wait3A_899 = tpu.memref_squeeze %dma_wait3A_898 : memref<1x128x64xf32, #tpu.memory_space<vmem>> -> memref<128x64xf32, #tpu.memory_space<vmem>>
    %dma_wait3A_900 = arith.constant 0 : i32
    %dma_wait3A_901 = tpu.memref_slice %arg4[%mul3A_2, %dma_wait3A_900] : memref<204800x64xf32, #tpu.memory_space<hbm>> -> memref<128x64xf32, #tpu.memory_space<hbm>>
    %dma_wait3A_902 = arith.constant 0 : i32
    %dma_wait3A_903 = tpu.memref_slice %arg4[%mul3A_2, %dma_wait3A_902] : memref<204800x64xf32, #tpu.memory_space<hbm>> -> memref<128x64xf32, #tpu.memory_space<hbm>>
    %dma_wait3A_904 = arith.constant 0 : i32
    %dma_wait3A_905 = arith.constant 0 : i32
    %dma_wait3A_906 = tpu.memref_slice %arg6[%dma_wait3A_895, %dma_wait3A_904, %dma_wait3A_905] : memref<8x128x64xf32, #tpu.memory_space<vmem>> -> memref<1x128x64xf32, #tpu.memory_space<vmem>>
    %dma_wait3A_907 = tpu.memref_squeeze %dma_wait3A_906 : memref<1x128x64xf32, #tpu.memory_space<vmem>> -> memref<128x64xf32, #tpu.memory_space<vmem>>
    tpu.wait_dma2 semaphore(%arg20 : memref<!tpu.dma_semaphore, #tpu.memory_space<semaphore_mem>>) src(%dma_wait3A_907 : memref<128x64xf32, #tpu.memory_space<vmem>>) dst(%dma_wait3A_903 : memref<128x64xf32, #tpu.memory_space<hbm>>)
    %dma_wait3A_908 = arith.constant 6 : i32
    %dma_wait3A_909 = arith.constant 0 : i32
    %dma_wait3A_910 = arith.constant 0 : i32
    %dma_wait3A_911 = tpu.memref_slice %arg6[%dma_wait3A_908, %dma_wait3A_909, %dma_wait3A_910] : memref<8x128x64xf32, #tpu.memory_space<vmem>> -> memref<1x128x64xf32, #tpu.memory_space<vmem>>
    %dma_wait3A_912 = tpu.memref_squeeze %dma_wait3A_911 : memref<1x128x64xf32, #tpu.memory_space<vmem>> -> memref<128x64xf32, #tpu.memory_space<vmem>>
    %dma_wait3A_913 = arith.constant 0 : i32
    %dma_wait3A_914 = tpu.memref_slice %arg4[%mul3A_2, %dma_wait3A_913] : memref<204800x64xf32, #tpu.memory_space<hbm>> -> memref<128x64xf32, #tpu.memory_space<hbm>>
    %dma_wait3A_915 = arith.constant 0 : i32
    %dma_wait3A_916 = tpu.memref_slice %arg4[%mul3A_2, %dma_wait3A_915] : memref<204800x64xf32, #tpu.memory_space<hbm>> -> memref<128x64xf32, #tpu.memory_space<hbm>>
    %dma_wait3A_917 = arith.constant 0 : i32
    %dma_wait3A_918 = arith.constant 0 : i32
    %dma_wait3A_919 = tpu.memref_slice %arg6[%dma_wait3A_908, %dma_wait3A_917, %dma_wait3A_918] : memref<8x128x64xf32, #tpu.memory_space<vmem>> -> memref<1x128x64xf32, #tpu.memory_space<vmem>>
    %dma_wait3A_920 = tpu.memref_squeeze %dma_wait3A_919 : memref<1x128x64xf32, #tpu.memory_space<vmem>> -> memref<128x64xf32, #tpu.memory_space<vmem>>
    tpu.wait_dma2 semaphore(%arg21 : memref<!tpu.dma_semaphore, #tpu.memory_space<semaphore_mem>>) src(%dma_wait3A_920 : memref<128x64xf32, #tpu.memory_space<vmem>>) dst(%dma_wait3A_916 : memref<128x64xf32, #tpu.memory_space<hbm>>)
    %dma_wait3A_921 = arith.constant 7 : i32
    %dma_wait3A_922 = arith.constant 0 : i32
    %dma_wait3A_923 = arith.constant 0 : i32
    %dma_wait3A_924 = tpu.memref_slice %arg6[%dma_wait3A_921, %dma_wait3A_922, %dma_wait3A_923] : memref<8x128x64xf32, #tpu.memory_space<vmem>> -> memref<1x128x64xf32, #tpu.memory_space<vmem>>
    %dma_wait3A_925 = tpu.memref_squeeze %dma_wait3A_924 : memref<1x128x64xf32, #tpu.memory_space<vmem>> -> memref<128x64xf32, #tpu.memory_space<vmem>>
    %dma_wait3A_926 = arith.constant 0 : i32
    %dma_wait3A_927 = tpu.memref_slice %arg4[%mul3A_2, %dma_wait3A_926] : memref<204800x64xf32, #tpu.memory_space<hbm>> -> memref<128x64xf32, #tpu.memory_space<hbm>>
    %dma_wait3A_928 = arith.constant 0 : i32
    %dma_wait3A_929 = tpu.memref_slice %arg4[%mul3A_2, %dma_wait3A_928] : memref<204800x64xf32, #tpu.memory_space<hbm>> -> memref<128x64xf32, #tpu.memory_space<hbm>>
    %dma_wait3A_930 = arith.constant 0 : i32
    %dma_wait3A_931 = arith.constant 0 : i32
    %dma_wait3A_932 = tpu.memref_slice %arg6[%dma_wait3A_921, %dma_wait3A_930, %dma_wait3A_931] : memref<8x128x64xf32, #tpu.memory_space<vmem>> -> memref<1x128x64xf32, #tpu.memory_space<vmem>>
    %dma_wait3A_933 = tpu.memref_squeeze %dma_wait3A_932 : memref<1x128x64xf32, #tpu.memory_space<vmem>> -> memref<128x64xf32, #tpu.memory_space<vmem>>
    tpu.wait_dma2 semaphore(%arg22 : memref<!tpu.dma_semaphore, #tpu.memory_space<semaphore_mem>>) src(%dma_wait3A_933 : memref<128x64xf32, #tpu.memory_space<vmem>>) dst(%dma_wait3A_929 : memref<128x64xf32, #tpu.memory_space<hbm>>)
    %dma_wait3A_934 = arith.constant 0 : i32
    %dma_wait3A_935 = arith.constant 0 : i32
    %dma_wait3A_936 = arith.constant 0 : i32
    %dma_wait3A_937 = tpu.memref_slice %arg6[%dma_wait3A_934, %dma_wait3A_935, %dma_wait3A_936] : memref<8x128x64xf32, #tpu.memory_space<vmem>> -> memref<1x128x64xf32, #tpu.memory_space<vmem>>
    %dma_wait3A_938 = tpu.memref_squeeze %dma_wait3A_937 : memref<1x128x64xf32, #tpu.memory_space<vmem>> -> memref<128x64xf32, #tpu.memory_space<vmem>>
    %dma_wait3A_939 = arith.constant 0 : i32
    %dma_wait3A_940 = tpu.memref_slice %arg4[%mul3A_2, %dma_wait3A_939] : memref<204800x64xf32, #tpu.memory_space<hbm>> -> memref<128x64xf32, #tpu.memory_space<hbm>>
    %dma_wait3A_941 = arith.constant 0 : i32
    %dma_wait3A_942 = tpu.memref_slice %arg4[%mul3A_2, %dma_wait3A_941] : memref<204800x64xf32, #tpu.memory_space<hbm>> -> memref<128x64xf32, #tpu.memory_space<hbm>>
    %dma_wait3A_943 = arith.constant 0 : i32
    %dma_wait3A_944 = arith.constant 0 : i32
    %dma_wait3A_945 = tpu.memref_slice %arg6[%dma_wait3A_934, %dma_wait3A_943, %dma_wait3A_944] : memref<8x128x64xf32, #tpu.memory_space<vmem>> -> memref<1x128x64xf32, #tpu.memory_space<vmem>>
    %dma_wait3A_946 = tpu.memref_squeeze %dma_wait3A_945 : memref<1x128x64xf32, #tpu.memory_space<vmem>> -> memref<128x64xf32, #tpu.memory_space<vmem>>
    tpu.wait_dma2 semaphore(%arg15 : memref<!tpu.dma_semaphore, #tpu.memory_space<semaphore_mem>>) src(%dma_wait3A_946 : memref<128x64xf32, #tpu.memory_space<vmem>>) dst(%dma_wait3A_942 : memref<128x64xf32, #tpu.memory_space<hbm>>)
    %dma_wait3A_947 = arith.constant 1 : i32
    %dma_wait3A_948 = arith.constant 0 : i32
    %dma_wait3A_949 = arith.constant 0 : i32
    %dma_wait3A_950 = tpu.memref_slice %arg6[%dma_wait3A_947, %dma_wait3A_948, %dma_wait3A_949] : memref<8x128x64xf32, #tpu.memory_space<vmem>> -> memref<1x128x64xf32, #tpu.memory_space<vmem>>
    %dma_wait3A_951 = tpu.memref_squeeze %dma_wait3A_950 : memref<1x128x64xf32, #tpu.memory_space<vmem>> -> memref<128x64xf32, #tpu.memory_space<vmem>>
    %dma_wait3A_952 = arith.constant 0 : i32
    %dma_wait3A_953 = tpu.memref_slice %arg4[%mul3A_2, %dma_wait3A_952] : memref<204800x64xf32, #tpu.memory_space<hbm>> -> memref<128x64xf32, #tpu.memory_space<hbm>>
    %dma_wait3A_954 = arith.constant 0 : i32
    %dma_wait3A_955 = tpu.memref_slice %arg4[%mul3A_2, %dma_wait3A_954] : memref<204800x64xf32, #tpu.memory_space<hbm>> -> memref<128x64xf32, #tpu.memory_space<hbm>>
    %dma_wait3A_956 = arith.constant 0 : i32
    %dma_wait3A_957 = arith.constant 0 : i32
    %dma_wait3A_958 = tpu.memref_slice %arg6[%dma_wait3A_947, %dma_wait3A_956, %dma_wait3A_957] : memref<8x128x64xf32, #tpu.memory_space<vmem>> -> memref<1x128x64xf32, #tpu.memory_space<vmem>>
    %dma_wait3A_959 = tpu.memref_squeeze %dma_wait3A_958 : memref<1x128x64xf32, #tpu.memory_space<vmem>> -> memref<128x64xf32, #tpu.memory_space<vmem>>
    tpu.wait_dma2 semaphore(%arg16 : memref<!tpu.dma_semaphore, #tpu.memory_space<semaphore_mem>>) src(%dma_wait3A_959 : memref<128x64xf32, #tpu.memory_space<vmem>>) dst(%dma_wait3A_955 : memref<128x64xf32, #tpu.memory_space<hbm>>)
    return
  }
}

</mosaic_0001>

<sc_bundles>
// kernel: kernel.3.cloned.1.call-start
scs
__scs_entry_jumppad:
0x0: {  	(pc) =	sbr.rel $0x88, $3  }
0x1: {  	(tag) =	ssettag $0x0;
	lr =	simm.s32 $0x1  }
0x2: {  	[smem:$0x3F9F] =	sst lr;
	_ =	strace $0xD0000000  }
0x3: {  	_ = 	snop  }
0x4: {  	_ = 	snop  }
0x5: {  	_ = 	snop  }
0x6: {  	_ = 	snop  }
0x7: {  	_ = 	snop  }
__scs_overlays_trampoline_lowered:
0x8: {  	[smem:$0x3FAE] =	sst s0  }
0x9: {  	[smem:$0x3FAF] =	sst s1  }
0xa: {  	[smem:$0x3FB0] =	sst s2  }
0xb: {  	[smem:$0x3FB1] =	sst s3  }
0xc: {  	[smem:$0x3FB2] =	sst s4  }
0xd: {  	[smem:$0x3FB3] =	sst s5  }
0xe: {  	[smem:$0x3FB4] =	sst s6  }
0xf: {  	[smem:$0x3FB5] =	sst s7  }
0x10: {  	[smem:$0x3FB6] =	sst s8  }
0x11: {  	[smem:$0x3FB7] =	sst s9;
	s0 =	simm.s32 @!p0 $0x0  }
0x12: {  	s1 =	sld [smem:$0x3F9D];
	s0 =	simm.s32 @p0 $0x1  }
0x13: {  	[smem:$0x3FB8] =	sst s0;
	s0 =	simm.s32 @!p1 $0x0  }
0x14: {  	s2 =	sld [smem:$0x3F9C];
	s0 =	simm.s32 @p1 $0x1  }
0x15: {  	[smem:$0x3FB9] =	sst s0;
	s0 =	simm.s32 @!p2 $0x0  }
0x16: {  	s3 =	sld [smem:$0x3FDB];
	s0 =	simm.s32 @p2 $0x1  }
0x17: {  	s4 =	simm.s32 $0x1BF5;
	[smem:$0x3FBB] =	sst s0  }
0x18: {  	s0 =	sld [smem:$0x3F9E];
	_ =	swait.ge [sflag:s4], $0x0  }
0x19: {  	s7 =	sld [smem:$0x3F9F]  }
0x1a: {  	s8 =	sadd.s32 $0xFFFFE003, lr  }
0x1b: {  	s9 =	sadd.s32 $0xFFFFFEF7, lr;
	s5 =	simm.s32 $0xFFFFFFFF;
	p2 =	slt.u32 s8, $0xFFFFF086  }
0x1c: {  	p1 =	slt.u32 s9, $0xF7A;
	s5 =	simm.s32 @!p2 $0x0  }
0x1d: {  	s5 =	simm.s32 @p1 $0x1;
	p0 =	seq.s32 s7, s2  }
0x1e: {  	s7 =	smul.u32 @!p0 $0xF7A, s2;
	p2 =	seq.s32 @!p0 s5, $0x0  }
0x1f: {  	s9 =	smul.u32 $0xF7A, s1;
	s8 =	simm.s32 @!p0 $0x1BF5;
	p2 =	por !p2, p0  }
0x20: {  	[sflag:s8] =	ssyncset.s32 @!p0 $0xFFFFF086;
	s6 =	sadd.s32 @!p0 s3, s7;
	s7 =	simm.s32 @!p0 $0x108  }
0x21: {  	s3 =	sadd.s32 s3, s9;
	s6 =	sadd.s32 @!p0 $0x88, s6;
	s7 =	simm.s32 @p2 $0x1082  }
0x22: {  	[simem:s7], [sflag:s8] =	dma.local @!p0 [hbm:s6], $0xF7A  }
0x23: {  	s9 =	sor.u32 $0xD0000000, s2;
	s6 =	simm.s32 $0x108;
	_ =	swait.ge @!p0 [sflag:s8], $0x0  }
0x24: {  	s3 =	sadd.s32 $0x88, s3;
	s6 =	simm.s32 @!p1 $0x1082;
	[sflag:s4] =	ssyncset.s32 $0xFFFFF086  }
0x25: {  	[simem:s6], [sflag:s4] =	dma.local [hbm:s3], $0xF7A  }
0x26: {  	[smem:$0x3F9F] =	sst s1;
	(tag) =	ssettag s2;
	_ =	strace s9  }
0x27: {  	s1 =	sld [smem:$0x3FAF]  }
0x28: {  	s2 =	sld [smem:$0x3FB0]  }
0x29: {  	s4 =	sld [smem:$0x3FB2]  }
0x2a: {  	p0 =	seq.s32 s5, $0x0;
	s5 =	sld [smem:$0x3FB3]  }
0x2b: {  	s6 =	sld [smem:$0x3FB4]  }
0x2c: {  	s7 =	sld [smem:$0x3FB5]  }
0x2d: {  	s3 =	simm.s32 $0x108;
	s8 =	sld [smem:$0x3FB6]  }
0x2e: {  	s3 =	simm.s32 @!p0 $0x1082;
	s9 =	sld [smem:$0x3FB7]  }
0x2f: {  	lr =	sadd.s32 s0, s3;
	s0 =	sld [smem:$0x3FAE]  }
0x30: {  	s3 =	sld [smem:$0x3FB1]  }
0x31: {  	[smem:$0x3FBA] =	sst s10  }
0x32: {  	s10 =	sld [smem:$0x3FB8];
	_ =	sdelay $0x3  }
0x33: {  	p0 =	seq.s32 s10, $0x1;
	s10 =	sld [smem:$0x3FBA];
	_ =	sdelay $0x3  }
0x34: {  	[smem:$0x3FBA] =	sst s10  }
0x35: {  	s10 =	sld [smem:$0x3FB9];
	_ =	sdelay $0x3  }
0x36: {  	p1 =	seq.s32 s10, $0x1;
	s10 =	sld [smem:$0x3FBA];
	_ =	sdelay $0x3  }
0x37: {  	[smem:$0x3FBA] =	sst s10  }
0x38: {  	s10 =	sld [smem:$0x3FBB]  }
0x39: {  	_ = 	snop;
	(pc) =	sbr.ind lr, $3  }
0x3a: {  	_ = 	snop  }
0x3b: {  	_ = 	snop  }
0x3c: {  	p2 =	seq.s32 s10, $0x1;
	s10 =	sld [smem:$0x3FBA]  }
0x3d: {  	_ =	shalt  }
0x3e: {  	_ =	shalt  }
0x3f: {  	_ =	shalt  }
0x40: {  	_ =	shalt  }
0x41: {  	_ =	shalt  }
0x42: {  	_ =	shalt  }
0x43: {  	_ =	shalt  }
0x44: {  	_ =	shalt  }
0x45: {  	_ =	shalt  }
0x46: {  	_ =	shalt  }
0x47: {  	_ =	shalt  }
0x48: {  	_ =	shalt  }
0x49: {  	_ =	shalt  }
0x4a: {  	_ =	shalt  }
0x4b: {  	_ =	shalt  }
0x4c: {  	_ =	shalt  }
0x4d: {  	_ =	shalt  }
0x4e: {  	_ =	shalt  }
0x4f: {  	_ =	shalt  }
0x50: {  	_ =	shalt  }
0x51: {  	_ =	shalt  }
0x52: {  	_ =	shalt  }
0x53: {  	_ =	shalt  }
0x54: {  	_ =	shalt  }
0x55: {  	_ =	shalt  }
0x56: {  	_ =	shalt  }
0x57: {  	_ =	shalt  }
0x58: {  	_ =	shalt  }
0x59: {  	_ =	shalt  }
0x5a: {  	_ =	shalt  }
0x5b: {  	_ =	shalt  }
0x5c: {  	_ =	shalt  }
0x5d: {  	_ =	shalt  }
0x5e: {  	_ =	shalt  }
0x5f: {  	_ =	shalt  }
0x60: {  	_ =	shalt  }
0x61: {  	_ =	shalt  }
0x62: {  	_ =	shalt  }
0x63: {  	_ =	shalt  }
0x64: {  	_ =	shalt  }
0x65: {  	_ =	shalt  }
0x66: {  	_ =	shalt  }
0x67: {  	_ =	shalt  }
0x68: {  	_ =	shalt  }
0x69: {  	_ =	shalt  }
0x6a: {  	_ =	shalt  }
0x6b: {  	_ =	shalt  }
0x6c: {  	_ =	shalt  }
0x6d: {  	_ =	shalt  }
0x6e: {  	_ =	shalt  }
0x6f: {  	_ =	shalt  }
0x70: {  	_ =	shalt  }
0x71: {  	_ =	shalt  }
0x72: {  	_ =	shalt  }
0x73: {  	_ =	shalt  }
0x74: {  	_ =	shalt  }
0x75: {  	_ =	shalt  }
0x76: {  	_ =	shalt  }
0x77: {  	_ =	shalt  }
0x78: {  	_ =	shalt  }
0x79: {  	_ =	shalt  }
0x7a: {  	_ =	shalt  }
0x7b: {  	_ =	shalt  }
0x7c: {  	_ =	shalt  }
0x7d: {  	_ =	shalt  }
0x7e: {  	_ =	shalt  }
0x7f: {  	_ =	shalt  }
0x80: {  	_ =	shalt  }
0x81: {  	_ =	shalt  }
0x82: {  	_ =	shalt  }
0x83: {  	_ =	shalt  }
0x84: {  	_ =	shalt  }
0x85: {  	_ =	shalt  }
0x86: {  	_ =	shalt  }
0x87: {  	_ =	shalt  }
.Lfunc_end0:
.L_simem_size_0:
called_computation.1_lowered:
.L_overlay_start_0:
0x88: {  	s2 =	sld [smem:$0x3FD9]  }
0x89: {  	s3 =	sld [smem:$0x3FFE];
	_ =	sdelay $0x1  }
0x8a: {  	s1 =	srdreg.scid  }
0x8b: {  	s0 =	sand.u32 $0x1, s1  }
0x8c: {  	s17 =	sshll.u32 s0, $0xA;
	s2 =	sadd.s32 s3, s2  }
0x8d: {  	s2 =	sadd.s32 s2, s17  }
0x8e: {  	[smem:$0x3FC6] =	sst s2  }
0x8f: {  	_ = 	snop  }
0x90: {  	s2 =	sld [smem:$0x3FD0];
	(tm) =	ssettm $0x1  }
0x91: {  	s18 =	sld [smem:$0x3FFB];
	_ =	sdelay $0x3  }
0x92: {  	_ =	strace s18  }
0x93: {  	s3 =	sld [smem:$0x3FFC];
	_ =	sdelay $0x3  }
0x94: {  	_ =	strace s3  }
0x95: {  	s3 =	sld [smem:$0x3FFD];
	_ =	sdelay $0x3  }
0x96: {  	_ =	strace s3  }
0x97: {  	_ =	strace $0x8FFFFFFF  }
0x98: {  	s19 =	sld [smem:$0x3FDB];
	_ =	sdelay $0x1  }
0x99: {  	s4 =	simm.s32 $_scs_section_size  }
0x9a: {  	s5 =	simm.s32 $_size__tile_overlayer_lowered;
	s6 =	simm.s32 $_tile_overlayer_lowered  }
0x9b: {  	s22 =	simm.s32 $0x1BFF;
	s21 =	sshll.u32 s6, $0x1;
	s3 =	sadd.s32 s4, s19  }
0x9c: {  	s7 =	simm.s32 $0x0;
	s20 =	sshll.u32 s5, $0x1;
	s5 =	sadd.s32 s21, s3  }
0x9d: {  	[timem:s7], [sflag:s22] =	dma.local [hbm:s5], s20  }
0x9e: {  	_ =	swait.ge [sflag:s22], s20  }
0x9f: {  	s4 =	ssub.s32 $0x0, s20;
	[sflag:s22] =	ssyncset.done $0x0  }
0xa0: {  	[sflag:s22] =	ssyncadd.s32 s4;
	_ =	sdelay $0x1  }
0xa1: {  	s23 =	simm.s32 $0x1B8B  }
0xa2: {  	_ =	swait.ge [sflag:s23], $0x1  }
0xa3: {  	[sflag:s23] =	ssyncset.done $0x0  }
0xa4: {  	s25 =	simm.s32 $0x1B8E;
	s24 =	sld [smem:$0x3FFE];
	[sflag:s23] =	ssyncadd.s32 $0xFFFFFFFF  }
0xa5: {  	s26 =	simm.s32 $execute0_lowered;
	[smem:$0x3FD2] =	sst s25  }
0xa6: {  	s5 =	sshll.u32 s26, $0x1;
	_ =	strace $0x80000046;
	[dreg:$0x1] =	wrdreg $0xFFFFFFFF  }
0xa7: {  	s28 =	simm.s32 $_size_execute0_lowered;
	s3 =	sadd.s32 s3, s5;
	[dreg:$0x0] =	wrdreg $0x0  }
0xa8: {  	s5 =	sshll.u32 s28, $0x1;
	[dreg:$0x2] =	wrdreg s3  }
0xa9: {  	[dreg:$0x3] =	wrdreg s5  }
0xaa: {  	[dreg:$0x4] =	wrdreg $0xC0  }
0xab: {  	_ =	task [dreg:s7], $0x5FFFF  }
0xac: {  	[dreg:$0x1] =	wrdreg $0xFFFFFFFF  }
0xad: {  	[dreg:$0x0] =	wrdreg $0x60  }
0xae: {  	[dreg:$0x2] =	wrdreg s24  }
0xaf: {  	[dreg:$0x3] =	wrdreg s2  }
0xb0: {  	[dreg:$0x4] =	wrdreg $0x9  }
0xb1: {  	_ =	task.clear_ibuf [dreg:s7], $0x5FFFF;
	_ =	strace $0x90000046  }
0xb2: {  	s29 =	simm.s32 $0x9;
	_ =	strace $0x80000048  }
0xb3: {  	_ =	swait.ge [sflag:s29], $0x1  }
0xb4: {  	[sflag:s29] =	ssyncadd.s32 $0xFFFFFFFF  }
0xb5: {  	_ =	strace $0x90000048  }
0xb6: {  	_ =	sfence  }
0xb7: {  	s30 =	sld [smem:$0x0];
	_ =	sdelay $0x2  }
0xb8: {  	s31 =	sshll.u32 s1, $0xD;
	s1 =	sshrl.u32 s1, $0x2  }
0xb9: {  	s3 =	sand.u32 $0x4000, s31;
	s1 =	sadd.s32 s1, s30  }
0xba: {  	s0 =	sor.u32 s3, s0;
	s1 =	sshll.u32 s1, $0x11  }
0xbb: {  	s0 =	sor.u32 s1, s0  }
0xbc: {  	s0 =	sadd.s32 $0x8F2B, s0  }
0xbd: {  	[sflag:s0] =	ssyncadd.remote.s32 $0x1  }
0xbe: {  	_ =	sfence.sel $0xFFFF  }
0xbf: {  	[dreg:$0x0] =	wrdreg $0xFFFFFFFF;
	(pc) =	sbr.abs _section_cstart, $3  }
0xc0: {  	[dreg:$0x1] =	wrdreg $0xFFFFFFFF  }
0xc1: {  	_ =	task.clear_ibuf [dreg:s7], $0x2FFFF;
	_ =	strace $0x9FFFFFFF  }
0xc2: {  	(tm) =	ssettm $0x7FFFFFFF  }
0xc3: {  	_ =	shalt  }
tec
execute0_lowered:
.L_overlay_start_1:
0x0: {  	(tag) =	ssettag $0x1  }
0x1: {  	s1 =	srdreg.scid;
	s9 =	stileid.u32  }
0x2: {  	s1 =	sand.u32 $0x1, s1;
	s2 =	sshll.u32 s9, $0x1  }
0x3: {  	s0 =	rddreg [dreg:$0x0];
	s2 =	sor.u32 s1, s2  }
0x4: {  	s30 =	rddreg [dreg:$0x1];
	s3 =	simm.s32 $0x0;
	s4 =	smul.u32 $0x1900, s2  }
0x5: {  	[smem:$0x7FF] =	sst s3;
	s6 =	smul.u32 $0xC800, s2  }
0x6: {  	_ =	strace $0x80000047;
	s5 =	ssub.s32 $0x2, s1;
	s2 =	smul.u32 $0x64000, s2  }
0x7: {  	s7 =	sshrl.u32 s5, $0x1;
	s4 =	sshrl.u32 s4, $0x3;
	s23 =	sadd.s32 s30, s6  }
0x8: {  	s2 =	sshrl.u32 s2, $0x3;
	s8 =	sadd.s32 s4, s0;
	s4 =	sadd.s32 $0x6C00, s0  }
0x9: {  	s0 =	ssub.s32 s5, s7;
	[dreg:$0xb] =	wrdreg s23;
	s5 =	sadd.s32 $0x400, s23  }
0xa: {  	s2 =	sadd.s32 s30, s2;
	s22 =	sadd.s32 $0x800, s8;
	[dreg:$0xc] =	wrdreg s5  }
0xb: {  	s25 =	sadd.s32 $0x800, s2;
	[dreg:$0xa] =	wrdreg s22  }
0xc: {  	s26 =	sadd.s32 $0xC00, s2;
	[dreg:$0xd] =	wrdreg s25  }
0xd: {  	s31 =	sadd.s32 $0x1000, s2;
	[dreg:$0xe] =	wrdreg s26  }
0xe: {  	s8 =	sadd.s32 $0x1400, s2;
	[dreg:$0xf] =	wrdreg s31  }
0xf: {  	s10 =	sadd.s32 $0x1800, s2;
	[dreg:$0x10] =	wrdreg s8  }
0x10: {  	s11 =	sadd.s32 $0x1C00, s2;
	[dreg:$0x11] =	wrdreg s10  }
0x11: {  	s28 =	simm.s32 $0x80;
	s12 =	sadd.s32 $0xA000, s2;
	[dreg:$0x12] =	wrdreg s11  }
0x12: {  	s24 =	smul.u32 $0x3200, s9;
	s13 =	sadd.s32 $0xA400, s2;
	[dreg:$0x13] =	wrdreg s12  }
0x13: {  	s18 =	smul.u32 $0xC8000, s9;
	s14 =	sadd.s32 $0xA800, s2;
	[dreg:$0x14] =	wrdreg s13  }
0x14: {  	s9 =	simm.s32 $0x3;
	s15 =	sadd.s32 $0xAC00, s2;
	[dreg:$0x15] =	wrdreg s14  }
0x15: {  	s29 =	smul.u32 $0x1900, s1;
	s16 =	sadd.s32 $0xB000, s2;
	[dreg:$0x16] =	wrdreg s15  }
0x16: {  	s1 =	smul.u32 $0x64000, s1;
	s21 =	sadd.s32 $0xB400, s2;
	[dreg:$0x17] =	wrdreg s16  }
0x17: {  	s5 =	sadd.s32 s29, s24;
	s24 =	sadd.s32 $0xB800, s2;
	[dreg:$0x18] =	wrdreg s21  }
0x18: {  	s1 =	sadd.s32 s1, s18;
	s29 =	sadd.s32 $0xC000, s2;
	[dreg:$0x19] =	wrdreg s24  }
0x19: {  	s18 =	simm.s32 $0x8;
	s0 =	smax.u32 s0, $0x1;
	[dreg:$0x1b] =	wrdreg s29  }
0x1a: {  	s6 =	simm.s32 $0x7;
	s26 =	sadd.s32 $0xBC00, s2;
	[dreg:$0x1d] =	wrdreg s0  }
0x1b: {  	s7 =	simm.s32 $0x2;
	s2 =	sadd.s32 $0xC400, s2;
	[dreg:$0x1a] =	wrdreg s26  }
0x1c: {  	s5 =	sshll.u32 s5, $0x3;
	s31 =	sadd.s32 $0x10000, s1;
	[dreg:$0x1c] =	wrdreg s2  }
0x1d: {  	s11 =	simm.s32 $0x4;
	s17 =	sadd.s32 $0x2C00, s5;
	[dreg:$0x1e] =	wrdreg s31  }
0x1e: {  	s13 =	simm.s32 $0x5;
	s19 =	sadd.s32 $0x2800, s5;
	[dreg:$0x3] =	wrdreg s17  }
0x1f: {  	s14 =	simm.s32 $0x9;
	s20 =	sadd.s32 $0x2400, s5;
	[dreg:$0x4] =	wrdreg s19  }
0x20: {  	s15 =	simm.s32 $0x6;
	s22 =	sadd.s32 $0x3C00, s5;
	[dreg:$0x5] =	wrdreg s20  }
0x21: {  	s16 =	simm.s32 $0xA;
	s23 =	sadd.s32 $0x3800, s5;
	[dreg:$0x6] =	wrdreg s22  }
0x22: {  	s21 =	simm.s32 $0xE;
	s25 =	sadd.s32 $0x3400, s5;
	[dreg:$0x7] =	wrdreg s23  }
0x23: {  	s0 =	simm.s32 $0x0;
	s5 =	sadd.s32 $0x3000, s5;
	[dreg:$0x8] =	wrdreg s25  }
0x24: {  	[dreg:$0x9] =	wrdreg s5;
	s17 =	simm.s32 $0xB;
	s19 =	simm.s32 $0xC  }
0x25: {  	s20 =	simm.s32 $0xD;
	s22 =	simm.s32 $0xF;
	s23 =	simm.s32 $0x10  }
.LBB2_1:
0x26: {  	[dreg:$0x1f] =	wrdreg s0  }
0x27: {  	s2 =	rddreg [dreg:$0xa];
	s10 =	simm.s32 $0x11  }
0x28: {  	[tilespmem:s3], [sflag:$0x11] =	stream.linear.gather [hbm4b:s2+s3], $0x1900, $0x38;
	[tilespmem:$0x11900] =	vst v63  }
0x29: {  	_ =	swait.ge [sflag:s10], $0x1900  }
0x2a: {  	[sflag:s10] =	ssyncset.done $0x0  }
0x2b: {  	s25 =	simm.s32 $0x1900;
	[sflag:s10] =	ssyncadd.s32 $0xFFFFE700  }
0x2c: {  	[tilespmem:s25], [sflag:$0x1] =	stream.indirect.gather [hbm4b:s4+s28], $0x40, s3, s28, $0xb8;
	[tilespmem:$0x11900] =	vst v63  }
0x2d: {  	s1 =	simm.s32 $0x3900  }
0x2e: {  	[tilespmem:s1], [sflag:$0x2] =	stream.indirect.gather [hbm4b:s4+s28], $0x40, s28, s28, $0xb8;
	[tilespmem:$0x11900] =	vst v63  }
0x2f: {  	s12 =	simm.s32 $0x100;
	s26 =	simm.s32 $0x5900  }
0x30: {  	[tilespmem:s26], [sflag:$0x3] =	stream.indirect.gather [hbm4b:s4+s28], $0x40, s12, s28, $0xb8;
	[tilespmem:$0x11900] =	vst v63  }
0x31: {  	s24 =	simm.s32 $0x180;
	s5 =	simm.s32 $0x7900;
	s0 =	simm.s32 $0x1  }
0x32: {  	[tilespmem:s5], [sflag:$0x4] =	stream.indirect.gather [hbm4b:s4+s28], $0x40, s24, s28, $0xb8;
	[tilespmem:$0x11900] =	vst v63  }
0x33: {  	_ =	swait.ge [sflag:s0], $0x2000  }
0x34: {  	[sflag:s0] =	ssyncset.done $0x0  }
0x35: {  	s29 =	rddreg [dreg:$0xb];
	[sflag:s0] =	ssyncadd.s32 $0xFFFFE000  }
0x36: {  	[hbm4b:s29+s3] =	stream.linear.scatter [tilespmem:s25], [sflag:$0x9], $0x2000, $0x38;
	[tilespmem:$0x11900] =	vst v63  }
0x37: {  	s31 =	simm.s32 $0x200;
	s8 =	simm.s32 $0x9900  }
0x38: {  	[tilespmem:s8], [sflag:$0x5] =	stream.indirect.gather [hbm4b:s4+s28], $0x40, s31, s28, $0xb8;
	[tilespmem:$0x11900] =	vst v63  }
0x39: {  	_ =	swait.ge [sflag:s7], $0x2000  }
0x3a: {  	[sflag:s7] =	ssyncset.done $0x0  }
0x3b: {  	s10 =	rddreg [dreg:$0xc];
	[sflag:s7] =	ssyncadd.s32 $0xFFFFE000  }
0x3c: {  	[hbm4b:s10+s3] =	stream.linear.scatter [tilespmem:s1], [sflag:$0xA], $0x2000, $0x38;
	[tilespmem:$0x11900] =	vst v63  }
0x3d: {  	s12 =	simm.s32 $0x280;
	s10 =	simm.s32 $0xB900  }
0x3e: {  	[tilespmem:s10], [sflag:$0x6] =	stream.indirect.gather [hbm4b:s4+s28], $0x40, s12, s28, $0xb8;
	[tilespmem:$0x11900] =	vst v63  }
0x3f: {  	_ =	swait.ge [sflag:s9], $0x2000  }
0x40: {  	[sflag:s9] =	ssyncset.done $0x0  }
0x41: {  	s24 =	rddreg [dreg:$0xd];
	[sflag:s9] =	ssyncadd.s32 $0xFFFFE000  }
0x42: {  	[hbm4b:s24+s3] =	stream.linear.scatter [tilespmem:s26], [sflag:$0xB], $0x2000, $0x38;
	[tilespmem:$0x11900] =	vst v63  }
0x43: {  	s29 =	simm.s32 $0x300;
	s12 =	simm.s32 $0xD900  }
0x44: {  	[tilespmem:s12], [sflag:$0x7] =	stream.indirect.gather [hbm4b:s4+s28], $0x40, s29, s28, $0xb8;
	[tilespmem:$0x11900] =	vst v63  }
0x45: {  	_ =	swait.ge [sflag:s11], $0x2000  }
0x46: {  	[sflag:s11] =	ssyncset.done $0x0  }
0x47: {  	s31 =	rddreg [dreg:$0xe];
	[sflag:s11] =	ssyncadd.s32 $0xFFFFE000  }
0x48: {  	[hbm4b:s31+s3] =	stream.linear.scatter [tilespmem:s5], [sflag:$0xC], $0x2000, $0x38;
	[tilespmem:$0x11900] =	vst v63  }
0x49: {  	s24 =	simm.s32 $0x380;
	s29 =	simm.s32 $0xF900  }
0x4a: {  	[tilespmem:s29], [sflag:$0x8] =	stream.indirect.gather [hbm4b:s4+s28], $0x40, s24, s28, $0xb8;
	[tilespmem:$0x11900] =	vst v63  }
0x4b: {  	_ =	swait.ge [sflag:s13], $0x2000  }
0x4c: {  	[sflag:s13] =	ssyncset.done $0x0  }
0x4d: {  	s31 =	rddreg [dreg:$0xf];
	[sflag:s13] =	ssyncadd.s32 $0xFFFFE000  }
0x4e: {  	[hbm4b:s31+s3] =	stream.linear.scatter [tilespmem:s8], [sflag:$0xD], $0x2000, $0x38;
	[tilespmem:$0x11900] =	vst v63  }
0x4f: {  	_ =	swait.ge [sflag:s14], $0x2000  }
0x50: {  	[sflag:s14] =	ssyncset.done $0x0  }
0x51: {  	s24 =	simm.s32 $0x400;
	[sflag:s14] =	ssyncadd.s32 $0xFFFFE000  }
0x52: {  	[tilespmem:s25], [sflag:$0x1] =	stream.indirect.gather [hbm4b:s4+s28], $0x40, s24, s28, $0xb8;
	[tilespmem:$0x11900] =	vst v63  }
0x53: {  	_ =	swait.ge [sflag:s15], $0x2000  }
0x54: {  	[sflag:s15] =	ssyncset.done $0x0  }
0x55: {  	s31 =	rddreg [dreg:$0x10];
	[sflag:s15] =	ssyncadd.s32 $0xFFFFE000  }
0x56: {  	[hbm4b:s31+s3] =	stream.linear.scatter [tilespmem:s10], [sflag:$0xE], $0x2000, $0x38;
	[tilespmem:$0x11900] =	vst v63  }
0x57: {  	_ =	swait.ge [sflag:s16], $0x2000  }
0x58: {  	[sflag:s16] =	ssyncset.done $0x0  }
0x59: {  	s24 =	simm.s32 $0x480;
	[sflag:s16] =	ssyncadd.s32 $0xFFFFE000  }
0x5a: {  	[tilespmem:s1], [sflag:$0x2] =	stream.indirect.gather [hbm4b:s4+s28], $0x40, s24, s28, $0xb8;
	[tilespmem:$0x11900] =	vst v63  }
0x5b: {  	_ =	swait.ge [sflag:s6], $0x2000  }
0x5c: {  	[sflag:s6] =	ssyncset.done $0x0  }
0x5d: {  	s31 =	rddreg [dreg:$0x11];
	[sflag:s6] =	ssyncadd.s32 $0xFFFFE000  }
0x5e: {  	[hbm4b:s31+s3] =	stream.linear.scatter [tilespmem:s12], [sflag:$0xF], $0x2000, $0x38;
	[tilespmem:$0x11900] =	vst v63  }
0x5f: {  	_ =	swait.ge [sflag:s17], $0x2000  }
0x60: {  	[sflag:s17] =	ssyncset.done $0x0  }
0x61: {  	s24 =	simm.s32 $0x500;
	[sflag:s17] =	ssyncadd.s32 $0xFFFFE000  }
0x62: {  	[tilespmem:s26], [sflag:$0x3] =	stream.indirect.gather [hbm4b:s4+s28], $0x40, s24, s28, $0xb8;
	[tilespmem:$0x11900] =	vst v63  }
0x63: {  	_ =	swait.ge [sflag:s18], $0x2000  }
0x64: {  	[sflag:s18] =	ssyncset.done $0x0  }
0x65: {  	s31 =	rddreg [dreg:$0x12];
	[sflag:s18] =	ssyncadd.s32 $0xFFFFE000  }
0x66: {  	[hbm4b:s31+s3] =	stream.linear.scatter [tilespmem:s29], [sflag:$0x10], $0x2000, $0x38;
	[tilespmem:$0x11900] =	vst v63  }
0x67: {  	_ =	swait.ge [sflag:s19], $0x2000  }
0x68: {  	[sflag:s19] =	ssyncset.done $0x0  }
0x69: {  	s24 =	simm.s32 $0x580;
	[sflag:s19] =	ssyncadd.s32 $0xFFFFE000  }
0x6a: {  	[tilespmem:s5], [sflag:$0x4] =	stream.indirect.gather [hbm4b:s4+s28], $0x40, s24, s28, $0xb8;
	[tilespmem:$0x11900] =	vst v63  }
0x6b: {  	_ =	swait.ge [sflag:s0], $0x2000  }
0x6c: {  	s24 =	rddreg [dreg:$0x1e]  }
0x6d: {  	[sflag:s0] =	ssyncset.done $0x0;
	s31 =	sshrl.u32 s24, $0x3  }
0x6e: {  	[sflag:s0] =	ssyncadd.s32 $0xFFFFE000;
	s2 =	sadd.s32 s30, s31  }
0x6f: {  	[hbm4b:s2+s3] =	stream.linear.scatter [tilespmem:s25], [sflag:$0x9], $0x2000, $0x38;
	[tilespmem:$0x11900] =	vst v63  }
0x70: {  	_ =	swait.ge [sflag:s20], $0x2000  }
0x71: {  	[sflag:s20] =	ssyncset.done $0x0  }
0x72: {  	s31 =	simm.s32 $0x600;
	[sflag:s20] =	ssyncadd.s32 $0xFFFFE000  }
0x73: {  	[tilespmem:s8], [sflag:$0x5] =	stream.indirect.gather [hbm4b:s4+s28], $0x40, s31, s28, $0xb8;
	[tilespmem:$0x11900] =	vst v63  }
0x74: {  	_ =	swait.ge [sflag:s7], $0x2000  }
0x75: {  	s0 =	rddreg [dreg:$0x5];
	[sflag:s7] =	ssyncset.done $0x0  }
0x76: {  	[sflag:s7] =	ssyncadd.s32 $0xFFFFE000;
	s2 =	sadd.s32 s30, s0  }
0x77: {  	[hbm4b:s2+s3] =	stream.linear.scatter [tilespmem:s1], [sflag:$0xA], $0x2000, $0x38;
	[tilespmem:$0x11900] =	vst v63  }
0x78: {  	_ =	swait.ge [sflag:s21], $0x2000  }
0x79: {  	[sflag:s21] =	ssyncset.done $0x0  }
0x7a: {  	s31 =	simm.s32 $0x680;
	[sflag:s21] =	ssyncadd.s32 $0xFFFFE000  }
0x7b: {  	[tilespmem:s10], [sflag:$0x6] =	stream.indirect.gather [hbm4b:s4+s28], $0x40, s31, s28, $0xb8;
	[tilespmem:$0x11900] =	vst v63  }
0x7c: {  	_ =	swait.ge [sflag:s9], $0x2000  }
0x7d: {  	s0 =	rddreg [dreg:$0x4];
	[sflag:s9] =	ssyncset.done $0x0  }
0x7e: {  	[sflag:s9] =	ssyncadd.s32 $0xFFFFE000;
	s2 =	sadd.s32 s30, s0  }
0x7f: {  	[hbm4b:s2+s3] =	stream.linear.scatter [tilespmem:s26], [sflag:$0xB], $0x2000, $0x38;
	[tilespmem:$0x11900] =	vst v63  }
0x80: {  	_ =	swait.ge [sflag:s22], $0x2000  }
0x81: {  	[sflag:s22] =	ssyncset.done $0x0  }
0x82: {  	s31 =	simm.s32 $0x700;
	[sflag:s22] =	ssyncadd.s32 $0xFFFFE000  }
0x83: {  	[tilespmem:s12], [sflag:$0x7] =	stream.indirect.gather [hbm4b:s4+s28], $0x40, s31, s28, $0xb8;
	[tilespmem:$0x11900] =	vst v63  }
0x84: {  	_ =	swait.ge [sflag:s11], $0x2000  }
0x85: {  	s0 =	rddreg [dreg:$0x3];
	[sflag:s11] =	ssyncset.done $0x0  }
0x86: {  	[sflag:s11] =	ssyncadd.s32 $0xFFFFE000;
	s2 =	sadd.s32 s30, s0  }
0x87: {  	[hbm4b:s2+s3] =	stream.linear.scatter [tilespmem:s5], [sflag:$0xC], $0x2000, $0x38;
	[tilespmem:$0x11900] =	vst v63  }
0x88: {  	_ =	swait.ge [sflag:s23], $0x2000  }
0x89: {  	[sflag:s23] =	ssyncset.done $0x0  }
0x8a: {  	s5 =	simm.s32 $0x780;
	[sflag:s23] =	ssyncadd.s32 $0xFFFFE000  }
0x8b: {  	[tilespmem:s29], [sflag:$0x8] =	stream.indirect.gather [hbm4b:s4+s28], $0x40, s5, s28, $0xb8;
	[tilespmem:$0x11900] =	vst v63  }
0x8c: {  	_ =	swait.ge [sflag:s13], $0x2000  }
0x8d: {  	s31 =	rddreg [dreg:$0x9];
	[sflag:s13] =	ssyncset.done $0x0  }
0x8e: {  	[sflag:s13] =	ssyncadd.s32 $0xFFFFE000;
	s2 =	sadd.s32 s30, s31  }
0x8f: {  	[hbm4b:s2+s3] =	stream.linear.scatter [tilespmem:s8], [sflag:$0xD], $0x2000, $0x38;
	[tilespmem:$0x11900] =	vst v63  }
0x90: {  	_ =	swait.ge [sflag:s14], $0x2000  }
0x91: {  	[sflag:s14] =	ssyncset.done $0x0  }
0x92: {  	s0 =	simm.s32 $0x800;
	[sflag:s14] =	ssyncadd.s32 $0xFFFFE000  }
0x93: {  	[tilespmem:s25], [sflag:$0x1] =	stream.indirect.gather [hbm4b:s4+s28], $0x40, s0, s28, $0xb8;
	[tilespmem:$0x11900] =	vst v63  }
0x94: {  	_ =	swait.ge [sflag:s15], $0x2000  }
0x95: {  	s5 =	rddreg [dreg:$0x8];
	[sflag:s15] =	ssyncset.done $0x0  }
0x96: {  	[sflag:s15] =	ssyncadd.s32 $0xFFFFE000;
	s2 =	sadd.s32 s30, s5  }
0x97: {  	[hbm4b:s2+s3] =	stream.linear.scatter [tilespmem:s10], [sflag:$0xE], $0x2000, $0x38;
	[tilespmem:$0x11900] =	vst v63  }
0x98: {  	_ =	swait.ge [sflag:s16], $0x2000  }
0x99: {  	[sflag:s16] =	ssyncset.done $0x0  }
0x9a: {  	s8 =	simm.s32 $0x880;
	[sflag:s16] =	ssyncadd.s32 $0xFFFFE000  }
0x9b: {  	[tilespmem:s1], [sflag:$0x2] =	stream.indirect.gather [hbm4b:s4+s28], $0x40, s8, s28, $0xb8;
	[tilespmem:$0x11900] =	vst v63  }
0x9c: {  	_ =	swait.ge [sflag:s6], $0x2000  }
0x9d: {  	s10 =	rddreg [dreg:$0x7];
	[sflag:s6] =	ssyncset.done $0x0  }
0x9e: {  	[sflag:s6] =	ssyncadd.s32 $0xFFFFE000;
	s2 =	sadd.s32 s30, s10  }
0x9f: {  	[hbm4b:s2+s3] =	stream.linear.scatter [tilespmem:s12], [sflag:$0xF], $0x2000, $0x38;
	[tilespmem:$0x11900] =	vst v63  }
0xa0: {  	_ =	swait.ge [sflag:s17], $0x2000  }
0xa1: {  	[sflag:s17] =	ssyncset.done $0x0  }
0xa2: {  	s25 =	simm.s32 $0x900;
	[sflag:s17] =	ssyncadd.s32 $0xFFFFE000  }
0xa3: {  	[tilespmem:s26], [sflag:$0x3] =	stream.indirect.gather [hbm4b:s4+s28], $0x40, s25, s28, $0xb8;
	[tilespmem:$0x11900] =	vst v63  }
0xa4: {  	_ =	swait.ge [sflag:s18], $0x2000  }
0xa5: {  	s31 =	rddreg [dreg:$0x6];
	[sflag:s18] =	ssyncset.done $0x0  }
0xa6: {  	[sflag:s18] =	ssyncadd.s32 $0xFFFFE000;
	s2 =	sadd.s32 s30, s31  }
0xa7: {  	[hbm4b:s2+s3] =	stream.linear.scatter [tilespmem:s29], [sflag:$0x10], $0x2000, $0x38;
	[tilespmem:$0x11900] =	vst v63  }
0xa8: {  	_ =	swait.ge [sflag:s19], $0x2000  }
0xa9: {  	s24 =	sadd.s32 $0x10000, s24;
	s26 =	simm.s32 $0x1000;
	[sflag:s19] =	ssyncset.done $0x0  }
0xaa: {  	s25 =	sadd.s32 $0x2000, s30;
	s2 =	simm.s32 $0x980;
	[sflag:s19] =	ssyncadd.s32 $0xFFFFE000  }
.LBB2_2:
0xab: {  	s8 =	simm.s32 $0x7900;
	s0 =	simm.s32 $0x1  }
0xac: {  	[tilespmem:s8], [sflag:$0x4] =	stream.indirect.gather [hbm4b:s4+s28], $0x40, s2, s28, $0xb8;
	[tilespmem:$0x11900] =	vst v63  }
0xad: {  	_ =	swait.ge [sflag:s0], $0x2000  }
0xae: {  	s29 =	sshrl.u32 s24, $0x3;
	[sflag:s0] =	ssyncset.done $0x0  }
0xaf: {  	s1 =	simm.s32 $0x1900;
	s29 =	sadd.s32 s30, s29;
	[sflag:s0] =	ssyncadd.s32 $0xFFFFE000  }
0xb0: {  	[hbm4b:s29+s3] =	stream.linear.scatter [tilespmem:s1], [sflag:$0x9], $0x2000, $0x38;
	[tilespmem:$0x11900] =	vst v63  }
0xb1: {  	s12 =	smov.u32 s26;
	_ =	swait.ge [sflag:s20], $0x2000  }
0xb2: {  	s2 =	sshra.s32 s12, $0x2;
	[sflag:s20] =	ssyncset.done $0x0  }
0xb3: {  	s10 =	simm.s32 $0x9900;
	s5 =	sadd.s32 $0x600, s2;
	[sflag:s20] =	ssyncadd.s32 $0xFFFFE000  }
0xb4: {  	[tilespmem:s10], [sflag:$0x5] =	stream.indirect.gather [hbm4b:s4+s28], $0x40, s5, s28, $0xb8;
	[tilespmem:$0x11900] =	vst v63  }
0xb5: {  	_ =	swait.ge [sflag:s7], $0x2000  }
0xb6: {  	s12 =	rddreg [dreg:$0x5];
	[sflag:s7] =	ssyncset.done $0x0  }
0xb7: {  	s31 =	simm.s32 $0x3900;
	[sflag:s7] =	ssyncadd.s32 $0xFFFFE000;
	s29 =	sadd.s32 s25, s12  }
0xb8: {  	[hbm4b:s29+s3] =	stream.linear.scatter [tilespmem:s31], [sflag:$0xA], $0x2000, $0x38;
	[tilespmem:$0x11900] =	vst v63  }
0xb9: {  	_ =	swait.ge [sflag:s21], $0x2000  }
0xba: {  	[sflag:s21] =	ssyncset.done $0x0  }
0xbb: {  	s0 =	sadd.s32 $0x680, s2;
	s12 =	simm.s32 $0xB900;
	[sflag:s21] =	ssyncadd.s32 $0xFFFFE000  }
0xbc: {  	[tilespmem:s12], [sflag:$0x6] =	stream.indirect.gather [hbm4b:s4+s28], $0x40, s0, s28, $0xb8;
	[tilespmem:$0x11900] =	vst v63  }
0xbd: {  	_ =	swait.ge [sflag:s9], $0x2000  }
0xbe: {  	s5 =	rddreg [dreg:$0x4];
	[sflag:s9] =	ssyncset.done $0x0  }
0xbf: {  	[sflag:s9] =	ssyncadd.s32 $0xFFFFE000;
	s29 =	sadd.s32 s25, s5;
	s5 =	simm.s32 $0x5900  }
0xc0: {  	[hbm4b:s29+s3] =	stream.linear.scatter [tilespmem:s5], [sflag:$0xB], $0x2000, $0x38;
	[tilespmem:$0x11900] =	vst v63  }
0xc1: {  	_ =	swait.ge [sflag:s22], $0x2000  }
0xc2: {  	[sflag:s22] =	ssyncset.done $0x0  }
0xc3: {  	s0 =	simm.s32 $0xD900;
	s29 =	sadd.s32 $0x700, s2;
	[sflag:s22] =	ssyncadd.s32 $0xFFFFE000  }
0xc4: {  	[tilespmem:s0], [sflag:$0x7] =	stream.indirect.gather [hbm4b:s4+s28], $0x40, s29, s28, $0xb8;
	[tilespmem:$0x11900] =	vst v63  }
0xc5: {  	_ =	swait.ge [sflag:s11], $0x2000  }
0xc6: {  	s29 =	rddreg [dreg:$0x3];
	[sflag:s11] =	ssyncset.done $0x0  }
0xc7: {  	[sflag:s11] =	ssyncadd.s32 $0xFFFFE000;
	s29 =	sadd.s32 s25, s29  }
0xc8: {  	[hbm4b:s29+s3] =	stream.linear.scatter [tilespmem:s8], [sflag:$0xC], $0x2000, $0x38;
	[tilespmem:$0x11900] =	vst v63  }
0xc9: {  	_ =	swait.ge [sflag:s23], $0x2000  }
0xca: {  	[sflag:s23] =	ssyncset.done $0x0  }
0xcb: {  	s29 =	sadd.s32 $0x780, s2;
	s8 =	simm.s32 $0xF900;
	[sflag:s23] =	ssyncadd.s32 $0xFFFFE000  }
0xcc: {  	[tilespmem:s8], [sflag:$0x8] =	stream.indirect.gather [hbm4b:s4+s28], $0x40, s29, s28, $0xb8;
	[tilespmem:$0x11900] =	vst v63  }
0xcd: {  	_ =	swait.ge [sflag:s13], $0x2000  }
0xce: {  	s29 =	rddreg [dreg:$0x9];
	[sflag:s13] =	ssyncset.done $0x0  }
0xcf: {  	[sflag:s13] =	ssyncadd.s32 $0xFFFFE000;
	s29 =	sadd.s32 s25, s29  }
0xd0: {  	[hbm4b:s29+s3] =	stream.linear.scatter [tilespmem:s10], [sflag:$0xD], $0x2000, $0x38;
	[tilespmem:$0x11900] =	vst v63  }
0xd1: {  	_ =	swait.ge [sflag:s14], $0x2000  }
0xd2: {  	[sflag:s14] =	ssyncset.done $0x0  }
0xd3: {  	s10 =	sadd.s32 $0x800, s2;
	[sflag:s14] =	ssyncadd.s32 $0xFFFFE000  }
0xd4: {  	[tilespmem:s1], [sflag:$0x1] =	stream.indirect.gather [hbm4b:s4+s28], $0x40, s10, s28, $0xb8;
	[tilespmem:$0x11900] =	vst v63  }
0xd5: {  	_ =	swait.ge [sflag:s15], $0x2000  }
0xd6: {  	s10 =	rddreg [dreg:$0x8];
	[sflag:s15] =	ssyncset.done $0x0  }
0xd7: {  	[sflag:s15] =	ssyncadd.s32 $0xFFFFE000;
	s29 =	sadd.s32 s25, s10  }
0xd8: {  	[hbm4b:s29+s3] =	stream.linear.scatter [tilespmem:s12], [sflag:$0xE], $0x2000, $0x38;
	[tilespmem:$0x11900] =	vst v63  }
0xd9: {  	_ =	swait.ge [sflag:s16], $0x2000  }
0xda: {  	[sflag:s16] =	ssyncset.done $0x0  }
0xdb: {  	s12 =	sadd.s32 $0x880, s2;
	[sflag:s16] =	ssyncadd.s32 $0xFFFFE000  }
0xdc: {  	[tilespmem:s31], [sflag:$0x2] =	stream.indirect.gather [hbm4b:s4+s28], $0x40, s12, s28, $0xb8;
	[tilespmem:$0x11900] =	vst v63  }
0xdd: {  	_ =	swait.ge [sflag:s6], $0x2000  }
0xde: {  	s1 =	rddreg [dreg:$0x7];
	[sflag:s6] =	ssyncset.done $0x0  }
0xdf: {  	[sflag:s6] =	ssyncadd.s32 $0xFFFFE000;
	s29 =	sadd.s32 s25, s1  }
0xe0: {  	[hbm4b:s29+s3] =	stream.linear.scatter [tilespmem:s0], [sflag:$0xF], $0x2000, $0x38;
	[tilespmem:$0x11900] =	vst v63  }
0xe1: {  	_ =	swait.ge [sflag:s17], $0x2000  }
0xe2: {  	[sflag:s17] =	ssyncset.done $0x0  }
0xe3: {  	s10 =	sadd.s32 $0x900, s2;
	[sflag:s17] =	ssyncadd.s32 $0xFFFFE000  }
0xe4: {  	[tilespmem:s5], [sflag:$0x3] =	stream.indirect.gather [hbm4b:s4+s28], $0x40, s10, s28, $0xb8;
	[tilespmem:$0x11900] =	vst v63  }
0xe5: {  	_ =	swait.ge [sflag:s18], $0x2000  }
0xe6: {  	p0 =	sne.s32 s26, $0x3000;
	s12 =	rddreg [dreg:$0x6];
	[sflag:s18] =	ssyncset.done $0x0  }
.Ltmp0:
0xe7: {  	[sflag:s18] =	ssyncadd.s32 $0xFFFFE000;
	s29 =	sadd.s32 s25, s12;
	(pc) =	sbr.rel @p0 .LBB2_2-.Ltmp0, $4  }
0xe8: {  	[hbm4b:s29+s3] =	stream.linear.scatter [tilespmem:s8], [sflag:$0x10], $0x2000, $0x38;
	[tilespmem:$0x11900] =	vst v63  }
0xe9: {  	s26 =	sadd.s32 $0x1000, s26;
	_ =	swait.ge [sflag:s19], $0x2000  }
0xea: {  	s24 =	sadd.s32 $0x10000, s24;
	s2 =	sadd.s32 $0x980, s2;
	[sflag:s19] =	ssyncset.done $0x0  }
0xeb: {  	s31 =	simm.s32 $0x5900;
	s25 =	sadd.s32 $0x2000, s25;
	[sflag:s19] =	ssyncadd.s32 $0xFFFFE000  }
0xec: {  	s5 =	simm.s32 $0x7900;
	s12 =	simm.s32 $0x1  }
0xed: {  	[tilespmem:s5], [sflag:$0x4] =	stream.indirect.gather [hbm4b:s4+s28], $0x40, s2, s28, $0xb8;
	[tilespmem:$0x11900] =	vst v63  }
0xee: {  	_ =	swait.ge [sflag:s12], $0x2000  }
0xef: {  	[sflag:s12] =	ssyncset.done $0x0  }
0xf0: {  	s1 =	simm.s32 $0x1900;
	s29 =	rddreg [dreg:$0x13];
	[sflag:s12] =	ssyncadd.s32 $0xFFFFE000  }
0xf1: {  	[hbm4b:s29+s3] =	stream.linear.scatter [tilespmem:s1], [sflag:$0x9], $0x2000, $0x38;
	[tilespmem:$0x11900] =	vst v63  }
0xf2: {  	_ =	swait.ge [sflag:s20], $0x2000  }
0xf3: {  	[sflag:s20] =	ssyncset.done $0x0  }
0xf4: {  	s8 =	simm.s32 $0x9900;
	s0 =	simm.s32 $0x1600;
	[sflag:s20] =	ssyncadd.s32 $0xFFFFE000  }
0xf5: {  	[tilespmem:s8], [sflag:$0x5] =	stream.indirect.gather [hbm4b:s4+s28], $0x40, s0, s28, $0xb8;
	[tilespmem:$0x11900] =	vst v63  }
0xf6: {  	_ =	swait.ge [sflag:s7], $0x2000  }
0xf7: {  	[sflag:s7] =	ssyncset.done $0x0  }
0xf8: {  	s24 =	simm.s32 $0x3900;
	s0 =	rddreg [dreg:$0x14];
	[sflag:s7] =	ssyncadd.s32 $0xFFFFE000  }
0xf9: {  	[hbm4b:s0+s3] =	stream.linear.scatter [tilespmem:s24], [sflag:$0xA], $0x2000, $0x38;
	[tilespmem:$0x11900] =	vst v63  }
0xfa: {  	_ =	swait.ge [sflag:s21], $0x2000  }
0xfb: {  	[sflag:s21] =	ssyncset.done $0x0  }
0xfc: {  	s10 =	simm.s32 $0xB900;
	s2 =	simm.s32 $0x1680;
	[sflag:s21] =	ssyncadd.s32 $0xFFFFE000  }
0xfd: {  	[tilespmem:s10], [sflag:$0x6] =	stream.indirect.gather [hbm4b:s4+s28], $0x40, s2, s28, $0xb8;
	[tilespmem:$0x11900] =	vst v63  }
0xfe: {  	_ =	swait.ge [sflag:s9], $0x2000  }
0xff: {  	[sflag:s9] =	ssyncset.done $0x0  }
0x100: {  	s25 =	rddreg [dreg:$0x15];
	[sflag:s9] =	ssyncadd.s32 $0xFFFFE000  }
0x101: {  	[hbm4b:s25+s3] =	stream.linear.scatter [tilespmem:s31], [sflag:$0xB], $0x2000, $0x38;
	[tilespmem:$0x11900] =	vst v63  }
0x102: {  	_ =	swait.ge [sflag:s22], $0x2000  }
0x103: {  	[sflag:s22] =	ssyncset.done $0x0  }
0x104: {  	s26 =	simm.s32 $0x1700;
	s0 =	simm.s32 $0xD900;
	[sflag:s22] =	ssyncadd.s32 $0xFFFFE000  }
0x105: {  	[tilespmem:s0], [sflag:$0x7] =	stream.indirect.gather [hbm4b:s4+s28], $0x40, s26, s28, $0xb8;
	[tilespmem:$0x11900] =	vst v63  }
0x106: {  	_ =	swait.ge [sflag:s11], $0x2000  }
0x107: {  	[sflag:s11] =	ssyncset.done $0x0  }
0x108: {  	s29 =	rddreg [dreg:$0x16];
	[sflag:s11] =	ssyncadd.s32 $0xFFFFE000  }
0x109: {  	[hbm4b:s29+s3] =	stream.linear.scatter [tilespmem:s5], [sflag:$0xC], $0x2000, $0x38;
	[tilespmem:$0x11900] =	vst v63  }
0x10a: {  	_ =	swait.ge [sflag:s23], $0x2000  }
0x10b: {  	[sflag:s23] =	ssyncset.done $0x0  }
0x10c: {  	s31 =	simm.s32 $0x1780;
	s5 =	simm.s32 $0xF900;
	[sflag:s23] =	ssyncadd.s32 $0xFFFFE000  }
0x10d: {  	[tilespmem:s5], [sflag:$0x8] =	stream.indirect.gather [hbm4b:s4+s28], $0x40, s31, s28, $0xb8;
	[tilespmem:$0x11900] =	vst v63  }
0x10e: {  	_ =	swait.ge [sflag:s13], $0x2000  }
0x10f: {  	[sflag:s13] =	ssyncset.done $0x0  }
0x110: {  	s25 =	rddreg [dreg:$0x17];
	[sflag:s13] =	ssyncadd.s32 $0xFFFFE000  }
0x111: {  	[hbm4b:s25+s3] =	stream.linear.scatter [tilespmem:s8], [sflag:$0xD], $0x2000, $0x38;
	[tilespmem:$0x11900] =	vst v63  }
0x112: {  	_ =	swait.ge [sflag:s14], $0x2000  }
0x113: {  	[sflag:s14] =	ssyncset.done $0x0  }
0x114: {  	s26 =	simm.s32 $0x1800;
	[sflag:s14] =	ssyncadd.s32 $0xFFFFE000  }
0x115: {  	[tilespmem:s1], [sflag:$0x1] =	stream.indirect.gather [hbm4b:s4+s28], $0x40, s26, s28, $0xb8;
	[tilespmem:$0x11900] =	vst v63  }
0x116: {  	_ =	swait.ge [sflag:s15], $0x2000  }
0x117: {  	[sflag:s15] =	ssyncset.done $0x0  }
0x118: {  	s29 =	rddreg [dreg:$0x18];
	[sflag:s15] =	ssyncadd.s32 $0xFFFFE000  }
0x119: {  	[hbm4b:s29+s3] =	stream.linear.scatter [tilespmem:s10], [sflag:$0xE], $0x2000, $0x38;
	[tilespmem:$0x11900] =	vst v63  }
0x11a: {  	_ =	swait.ge [sflag:s16], $0x2000  }
0x11b: {  	[sflag:s16] =	ssyncset.done $0x0  }
0x11c: {  	s31 =	simm.s32 $0x1880;
	[sflag:s16] =	ssyncadd.s32 $0xFFFFE000  }
0x11d: {  	[tilespmem:s24], [sflag:$0x2] =	stream.indirect.gather [hbm4b:s4+s28], $0x40, s31, s28, $0xb8;
	[tilespmem:$0x11900] =	vst v63  }
0x11e: {  	_ =	swait.ge [sflag:s6], $0x2000  }
0x11f: {  	[sflag:s6] =	ssyncset.done $0x0  }
0x120: {  	s8 =	rddreg [dreg:$0x19];
	[sflag:s6] =	ssyncadd.s32 $0xFFFFE000  }
0x121: {  	[hbm4b:s8+s3] =	stream.linear.scatter [tilespmem:s0], [sflag:$0xF], $0x2000, $0x38;
	[tilespmem:$0x11900] =	vst v63  }
0x122: {  	_ =	swait.ge [sflag:s18], $0x2000  }
0x123: {  	[sflag:s18] =	ssyncset.done $0x0  }
0x124: {  	s10 =	rddreg [dreg:$0x1a];
	[sflag:s18] =	ssyncadd.s32 $0xFFFFE000  }
0x125: {  	[hbm4b:s10+s3] =	stream.linear.scatter [tilespmem:s5], [sflag:$0x10], $0x2000, $0x38;
	[tilespmem:$0x11900] =	vst v63  }
0x126: {  	_ =	swait.ge [sflag:s12], $0x2000  }
0x127: {  	[sflag:s12] =	ssyncset.done $0x0  }
0x128: {  	s25 =	rddreg [dreg:$0x1b];
	[sflag:s12] =	ssyncadd.s32 $0xFFFFE000  }
0x129: {  	[hbm4b:s25+s3] =	stream.linear.scatter [tilespmem:s1], [sflag:$0x9], $0x2000, $0x38;
	[tilespmem:$0x11900] =	vst v63  }
0x12a: {  	_ =	swait.ge [sflag:s7], $0x2000  }
0x12b: {  	[sflag:s7] =	ssyncset.done $0x0  }
0x12c: {  	s26 =	rddreg [dreg:$0x1c];
	[sflag:s7] =	ssyncadd.s32 $0xFFFFE000  }
0x12d: {  	[hbm4b:s26+s3] =	stream.linear.scatter [tilespmem:s24], [sflag:$0xA], $0x2000, $0x38;
	[tilespmem:$0x11900] =	vst v63  }
0x12e: {  	_ =	swait.ge [sflag:s17], $0x2000  }
0x12f: {  	[sflag:s17] =	ssyncset.done $0x0  }
0x130: {  	[sflag:s17] =	ssyncadd.s32 $0xFFFFE000  }
0x131: {  	_ =	swait.ge [sflag:s19], $0x2000  }
0x132: {  	[sflag:s19] =	ssyncset.done $0x0  }
0x133: {  	[sflag:s19] =	ssyncadd.s32 $0xFFFFE000  }
0x134: {  	_ =	swait.ge [sflag:s20], $0x2000  }
0x135: {  	[sflag:s20] =	ssyncset.done $0x0  }
0x136: {  	[sflag:s20] =	ssyncadd.s32 $0xFFFFE000  }
0x137: {  	_ =	swait.ge [sflag:s21], $0x2000  }
0x138: {  	[sflag:s21] =	ssyncset.done $0x0  }
0x139: {  	[sflag:s21] =	ssyncadd.s32 $0xFFFFE000  }
0x13a: {  	_ =	swait.ge [sflag:s22], $0x2000  }
0x13b: {  	[sflag:s22] =	ssyncset.done $0x0  }
0x13c: {  	[sflag:s22] =	ssyncadd.s32 $0xFFFFE000  }
0x13d: {  	_ =	swait.ge [sflag:s23], $0x2000  }
0x13e: {  	[sflag:s23] =	ssyncset.done $0x0  }
0x13f: {  	[sflag:s23] =	ssyncadd.s32 $0xFFFFE000  }
0x140: {  	_ =	swait.ge [sflag:s14], $0x2000  }
0x141: {  	[sflag:s14] =	ssyncset.done $0x0  }
0x142: {  	[sflag:s14] =	ssyncadd.s32 $0xFFFFE000  }
0x143: {  	_ =	swait.ge [sflag:s16], $0x2000  }
0x144: {  	s29 =	rddreg [dreg:$0x1f]  }
0x145: {  	s31 =	rddreg [dreg:$0x1d];
	s0 =	sadd.s32 $0x1, s29  }
0x146: {  	p0 =	sne.s32 s0, s31  }
.Ltmp1:
0x147: {  	_ = 	snop;
	(pc) =	sbr.rel @p0 .LBB2_1-.Ltmp1, $3  }
0x148: {  	_ =	sdelay $0x1  }
0x149: {  	[sflag:s16] =	ssyncset.done $0x0  }
0x14a: {  	[sflag:s16] =	ssyncadd.s32 $0xFFFFE000  }
0x14b: {  	_ =	sfence.sel $0x180000  }
0x14c: {  	[bflag:$0x0] =	sbarrier.arrive $0xFFFF  }
0x14d: {  	_ =	strace $0x90000047  }
0x14e: {  	s0 =	stileid.u32;
	[bflag:$0x2] =	sbarrier.arrive $0xFFFF  }
0x14f: {  	p0 =	sne.s32 s0, $0x0;
	s0 =	rddreg [dreg:$0x2]  }
0x150: {  	s0 =	sadd.s32 @!p0 $0x100000, s0  }
0x151: {  	[sflag:s0] =	ssyncadd.tile.s32 @!p0 $0x1;
	_ =	shalt  }
.Lfunc_end2:
_tile_overlayer_lowered:
.L_overlay_start_2:
0x152: {  	(tag) =	ssettag $0x2  }
0x153: {  	s0 =	rddreg [dreg:$0x0];
	s2 =	stileid.u32  }
0x154: {  	s1 =	rddreg [dreg:$0x1];
	p0 =	sne.s32 s2, $0x0  }
0x155: {  	s3 =	rddreg [dreg:$0x2];
	[bflag:$0x3] =	sbarrier.arrive $0xFFFF;
	s2 =	simm.s32 @!p0 $0x1C11  }
0x156: {  	[timem:s3], [sflag:s2] =	dma.local @!p0 [hbm:s0], s1  }
0x157: {  	s0 =	simm.s32 @!p0 $0x11  }
0x158: {  	_ =	swait.ge @!p0 [sflag:s0], s1  }
0x159: {  	s1 =	ssub.s32 @!p0 $0x0, s1;
	[sflag:s0] =	ssyncset.done @!p0 $0x0  }
0x15a: {  	[sflag:s0] =	ssyncadd.s32 @!p0 s1  }
0x15b: {  	[bflag:$0x3] =	sbarrier.arrive $0xFFFF  }
0x15c: {  	_ =	shalt  }

// kernel: sparse-core-data-format-call.cloned.1.call-start
scs
called_computation_lowered:
.L_overlay_start_0:
0x0: {  	s2 =	sld [smem:$0x3FD9]  }
0x1: {  	s3 =	sld [smem:$0x3FFE];
	_ =	sdelay $0x1  }
0x2: {  	s1 =	srdreg.scid  }
0x3: {  	s0 =	sand.u32 $0x1, s1  }
0x4: {  	s18 =	sshll.u32 s0, $0xA;
	s2 =	sadd.s32 s3, s2  }
0x5: {  	s2 =	sadd.s32 s2, s18  }
0x6: {  	[smem:$0x3FC6] =	sst s2  }
0x7: {  	_ = 	snop  }
0x8: {  	s2 =	sld [smem:$0x3FD0];
	(tm) =	ssettm $0x1  }
0x9: {  	s19 =	sld [smem:$0x3FFB];
	_ =	sdelay $0x3  }
0xa: {  	_ =	strace s19  }
0xb: {  	s3 =	sld [smem:$0x3FFC];
	_ =	sdelay $0x3  }
0xc: {  	_ =	strace s3  }
0xd: {  	s3 =	sld [smem:$0x3FFD];
	_ =	sdelay $0x3  }
0xe: {  	_ =	strace s3  }
0xf: {  	_ =	strace $0x8FFFFFFF  }
0x10: {  	s20 =	sld [smem:$0x3FDB];
	_ =	sdelay $0x1  }
0x11: {  	s4 =	simm.s32 $_scs_section_size  }
0x12: {  	s5 =	simm.s32 $_size__tile_overlayer_lowered;
	s6 =	simm.s32 $_tile_overlayer_lowered  }
0x13: {  	s23 =	simm.s32 $0x1BFF;
	s22 =	sshll.u32 s6, $0x1;
	s3 =	sadd.s32 s4, s20  }
0x14: {  	s7 =	simm.s32 $0x0;
	s21 =	sshll.u32 s5, $0x1;
	s5 =	sadd.s32 s22, s3  }
0x15: {  	[timem:s7], [sflag:s23] =	dma.local [hbm:s5], s21  }
0x16: {  	_ =	swait.ge [sflag:s23], s21  }
0x17: {  	s4 =	ssub.s32 $0x0, s21;
	[sflag:s23] =	ssyncset.done $0x0  }
0x18: {  	[sflag:s23] =	ssyncadd.s32 s4;
	_ =	sdelay $0x1  }
0x19: {  	s24 =	simm.s32 $0x1B8B  }
0x1a: {  	_ =	swait.ge [sflag:s24], $0x1  }
0x1b: {  	[sflag:s24] =	ssyncset.done $0x0  }
0x1c: {  	s26 =	simm.s32 $0x1B8E;
	s25 =	sld [smem:$0x3FFE];
	[sflag:s24] =	ssyncadd.s32 $0xFFFFFFFF  }
0x1d: {  	s27 =	simm.s32 $execute0_lowered;
	[smem:$0x3FD2] =	sst s26  }
0x1e: {  	s5 =	sshll.u32 s27, $0x1;
	_ =	strace $0x80000049;
	[dreg:$0x1] =	wrdreg $0xFFFFFFFF  }
0x1f: {  	s28 =	simm.s32 $_size_execute0_lowered;
	s3 =	sadd.s32 s3, s5;
	[dreg:$0x0] =	wrdreg $0x0  }
0x20: {  	s5 =	sshll.u32 s28, $0x1;
	[dreg:$0x2] =	wrdreg s3  }
0x21: {  	[dreg:$0x3] =	wrdreg s5  }
0x22: {  	[dreg:$0x4] =	wrdreg $0xC0  }
0x23: {  	_ =	task [dreg:s7], $0x5FFFF  }
0x24: {  	[dreg:$0x1] =	wrdreg $0xFFFFFFFF  }
0x25: {  	[dreg:$0x0] =	wrdreg $0x60  }
0x26: {  	[dreg:$0x2] =	wrdreg s25  }
0x27: {  	[dreg:$0x3] =	wrdreg s2  }
0x28: {  	[dreg:$0x4] =	wrdreg $0x9  }
0x29: {  	_ =	task.clear_ibuf [dreg:s7], $0x5FFFF;
	_ =	strace $0x90000049  }
0x2a: {  	s29 =	simm.s32 $0x9;
	_ =	strace $0x8000004B  }
0x2b: {  	_ =	swait.ge [sflag:s29], $0x1  }
0x2c: {  	[sflag:s29] =	ssyncadd.s32 $0xFFFFFFFF  }
0x2d: {  	_ =	strace $0x9000004B  }
0x2e: {  	_ =	sfence  }
0x2f: {  	s30 =	sld [smem:$0x0];
	_ =	sdelay $0x2  }
0x30: {  	s31 =	sshll.u32 s1, $0xD;
	s1 =	sshrl.u32 s1, $0x2  }
0x31: {  	s3 =	sand.u32 $0x4000, s31;
	s1 =	sadd.s32 s1, s30  }
0x32: {  	s0 =	sor.u32 s3, s0;
	s1 =	sshll.u32 s1, $0x11  }
0x33: {  	s0 =	sor.u32 s1, s0  }
0x34: {  	s0 =	sadd.s32 $0x8F2B, s0  }
0x35: {  	[sflag:s0] =	ssyncadd.remote.s32 $0x1  }
0x36: {  	_ =	sfence.sel $0xFFFF  }
0x37: {  	[dreg:$0x0] =	wrdreg $0xFFFFFFFF;
	(pc) =	sbr.abs _section_cstart, $3  }
0x38: {  	[dreg:$0x1] =	wrdreg $0xFFFFFFFF  }
0x39: {  	_ =	task.clear_ibuf [dreg:s7], $0x2FFFF;
	_ =	strace $0x9FFFFFFF  }
0x3a: {  	(tm) =	ssettm $0x7FFFFFFF  }
0x3b: {  	_ =	shalt  }
tec
execute0_lowered:
.L_overlay_start_1:
0x0: {  	(tag) =	ssettag $0x1  }
0x1: {  	s0 =	srdreg.scid  }
0x2: {  	s1 =	sshll.u32 s0, $0x4  }
0x3: {  	s0 =	stileid.u32;
	s1 =	sand.u32 $0x10, s1  }
0x4: {  	s1 =	sor.u32 s0, s1  }
0x5: {  	s6 =	rddreg [dreg:$0x0];
	s4 =	simm.s32 $0x1;
	s2 =	sshll.u32 s1, $0x7  }
0x6: {  	s7 =	simm.s32 $0x2;
	s12 =	simm.s32 $0x0;
	s1 =	ssub.s32 $0x1000, s2  }
0x7: {  	s8 =	simm.s32 $0x8000;
	s13 =	simm.s32 $0x0;
	s3 =	sand.u32 $0xF80, s1  }
0x8: {  	s9 =	simm.s32 $0x0;
	s5 =	sshrl.u32 s1, $0xC;
	p0 =	sne.s32 s3, $0x0  }
.Ltmp0:
0x9: {  	s1 =	rddreg [dreg:$0x2];
	s4 =	simm.s32 @!p0 $0x0;
	(pc) =	sbr.rel .LBB1_1-.Ltmp0, $4  }
0xa: {  	s11 =	simm.s32 $0x0;
	s3 =	rddreg [dreg:$0x1];
	s5 =	sadd.s32 s4, s5  }
0xb: {  	_ =	strace $0x8000004A;
	s4 =	simm.s32 $0x1;
	s5 =	smul.u32 $0x32, s5  }
0xc: {  	s6 =	sadd.s32 $0x800, s6;
	s10 =	smov.u32 s2;
	[sflag:s4] =	ssyncpa.u1 $0x0  }
0xd: {  	p0 =	por $0x0, $0x0;
	[sflag:s7] =	ssyncpa.u1 $0x0;
	s7 =	sor.u32 $0x1, s5  }
.LBB1_4:
0xe: {  	s16 =	sshll.u32 s13, $0x3;
	s17 =	sand.u32 $0x78, s13  }
0xf: {  	s30 =	sand.u32 $0x7E00, s13;
	s12 =	sshll.u32 s12, $0xF;
	s16 =	sand.u32 $0xC00, s16  }
0x10: {  	[tilespmem:s15+$0x810 ss:$0x81] =	vst.msk $0xffff, v2;
	s31 =	sand.u32 $0x7, s13;
	s16 =	sor.u32 s17, s16;
	s17 =	sadd.s32 s3, s30  }
0x11: {  	[tilespmem:s15+$0x1020 ss:$0x81] =	vst.msk $0xffff, v0;
	s13 =	sshll.u32 s31, $0x12;
	s12 =	sadd.s32 s12, s17;
	s16 =	sshrl.u32 s16, $0x3  }
0x12: {  	[tilespmem:s15+$0x0 ss:$0x81] =	vst.msk $0xffff, v1;
	s13 =	sor.u32 $0x400, s13;
	s12 =	sadd.s32 s16, s12  }
0x13: {  	[hbm4b:s12+s13] =	stream.strided.scatter [tilespmem:s14], [sflag:$0x2], $0x2000, s8, s13, $0x20;
	[tilespmem:$0x8080] =	vst v63  }
.LBB1_5:
0x14: {  	s14 =	sadd.s32 $0x1, s9  }
0x15: {  	s12 =	sadd.s32 $0x1000, s10;
	s16 =	smov.u32 s10;
	p2 =	sgt.s32 s14, $0x31  }
0x16: {  	s16 =	smov.u32 @p2 s12  }
0x17: {  	s14 =	simm.s32 @p2 $0x0;
	p2 =	sgt.s32 s16, $0xFFF  }
0x18: {  	s16 =	smov.u32 @p2 s2;
	p2 =	sne.s32 s11, s7  }
.Ltmp1:
0x19: {  	p1 =	slt.u32 s11, $0x2;
	(pc) =	sbr.rel @!p2 .LBB1_6-.Ltmp1, $4  }
0x1a: {  	s15 =	simm.s32 @!p1 $0x2  }
0x1b: {  	s13 =	smov.u32 s10;
	p0 =	por !p0, !p0;
	_ =	swait.ge @!p1 [sflag:s15], $0x2000  }
0x1c: {  	s12 =	smov.u32 s9;
	[sflag:s15] =	ssyncset.done @!p1 $0x0;
	s9 =	smov.u32 s14  }
0x1d: {  	s11 =	sadd.s32 $0x1, s11;
	[sflag:s15] =	ssyncadd.s32 @!p1 $0xFFFFE000;
	s10 =	smov.u32 s16  }
.LBB1_1:
0x1e: {  	p1 =	sge.u32 s11, s5  }
0x1f: {  	s14 =	sand.u32 @!p1 $0x1FFFFFF, s9  }
0x20: {  	s15 =	smulhi.u32 @!p1 $0x4924925, s14;
	_ =	sdelay $0x1  }
0x21: {  	s15 =	smul.u32 @!p1 $0x38, s15  }
0x22: {  	s16 =	sxor.u32 @!p1 $0xFFFFFFFF, s11;
	s17 =	smul.u32 @!p1 $0x380, s10  }
0x23: {  	s31 =	sadd.s32 $0xFFFFFFFF, s11;
	s16 =	sshll.u32 @!p1 s16, $0xD;
	s14 =	ssub.s32 @!p1 s14, s15  }
0x24: {  	s15 =	sand.u32 @!p1 $0x2000, s16;
	s16 =	sadd.s32 @!p1 s6, s17;
	s14 =	sshll.u32 @!p1 s14, $0x4  }
0x25: {  	s17 =	simm.s32 @!p1 $0x1C00;
	s14 =	sadd.s32 @!p1 s14, s16;
	s16 =	simm.s32 @!p1 $0x40  }
0x26: {  	[tilespmem:s15], [sflag:$0x1] =	stream.strided.gather @!p1 [hbm4b:s14+s16], $0x2000, s17, s16, $0x38;
	[tilespmem:$0x8080] =	vst v63  }
0x27: {  	p1 =	sge.u32 s31, s5  }
.Ltmp2:
0x28: {  	_ = 	snop;
	(pc) =	sbr.rel @p1 .LBB1_5-.Ltmp2, $1  }
0x29: {  	_ =	sdelay $0x3  }
0x2a: {  	s14 =	simm.s32 $0x1  }
0x2b: {  	_ =	swait.ge [sflag:s4], $0x2000;
	s14 =	simm.s32 @!p0 $0x0  }
0x2c: {  	[sflag:s4] =	ssyncset.done $0x0;
	s15 =	sshll.u32 s14, $0xD  }
0x2d: {  	[sflag:s4] =	ssyncadd.s32 $0xFFFFE000;
	s18 =	sor.u32 $0x20, s15  }
0x2e: {  	s14 =	smul.u32 $0x8100, s14;
	v3 =	vld [tilespmem:s18+$0x10]  }
0x2f: {  	s30 =	sand.u32 $0x1, s11;
	v2 =	vld [tilespmem:s18+$0xFFFFFFF0]  }
0x30: {  	s15 =	smul.u32 $0x8100, s30;
	s14 =	sshrl.u32 s14, $0x2;
	v0 =	vld [tilespmem:s18+$0x0]  }
0x31: {  	v1 =	vld [tilespmem:s18+$0xFFFFFFE0];
	s16 =	sor.u32 $0x4000, s14  }
0x32: {  	s31 =	sshrl.u32 s15, $0x2;
	s15 =	sadd.s32 $0x0, s16  }
0x33: {  	s17 =	simm.s32 $0x4;
	s18 =	sadd.s32 $0x40, s18;
	s14 =	sor.u32 $0x4000, s31;
	[tilespmem:s15+$0x1830 ss:$0x81] =	vst.msk $0xffff, v3  }
.LBB1_3:
0x34: {  	v3 =	vld [tilespmem:s18+$0x10];
	p1 =	sne.s32 s17, $0x1FC;
	[tilespmem:s15+$0x810 ss:$0x81] =	vst.msk $0xffff, v2;
	s19 =	smov.u32 s17;
	s17 =	sadd.s32 $0x4, s17  }
.Ltmp3:
0x35: {  	v2 =	vld [tilespmem:s18+$0xFFFFFFF0];
	[tilespmem:s15+$0x1020 ss:$0x81] =	vst.msk $0xffff, v0;
	(pc) =	sbr.rel @p1 .LBB1_3-.Ltmp3, $4  }
0x36: {  	v0 =	vld [tilespmem:s18+$0x0];
	[tilespmem:s15+$0x0 ss:$0x81] =	vst.msk $0xffff, v1  }
0x37: {  	s15 =	sshra.s32 s19, $0x2;
	v1 =	vld [tilespmem:s18+$0xFFFFFFE0]  }
0x38: {  	s15 =	sadd.s32 s15, s16  }
0x39: {  	s18 =	sadd.s32 $0x40, s18;
	[tilespmem:s15+$0x1830 ss:$0x81] =	vst.msk $0xffff, v3  }
.Ltmp4:
0x3a: {  	_ = 	snop;
	(pc) =	sbr.rel .LBB1_4-.Ltmp4, $1  }
0x3b: {  	_ =	sdelay $0x3  }
.LBB1_6:
0x3c: {  	_ =	sfence.sel $0x180000  }
0x3d: {  	s2 =	simm.s32 $0x1;
	[bflag:$0x0] =	sbarrier.arrive $0xFFFF  }
0x3e: {  	s31 =	simm.s32 $0x2;
	[sflag:s2] =	ssyncpa.u1 $0x1  }
0x3f: {  	[sflag:s31] =	ssyncpa.u1 $0x1  }
0x40: {  	p0 =	sne.s32 s0, $0x0;
	_ =	strace $0x9000004A  }
0x41: {  	s0 =	sadd.s32 @!p0 $0x100000, s1;
	[bflag:$0x2] =	sbarrier.arrive $0xFFFF  }
0x42: {  	[sflag:s0] =	ssyncadd.tile.s32 @!p0 $0x1;
	_ =	shalt  }
.Lfunc_end1:
_tile_overlayer_lowered:
.L_overlay_start_2:
0x43: {  	(tag) =	ssettag $0x2  }
0x44: {  	s0 =	rddreg [dreg:$0x0];
	s2 =	stileid.u32  }
0x45: {  	s1 =	rddreg [dreg:$0x1];
	p0 =	sne.s32 s2, $0x0  }
0x46: {  	s3 =	rddreg [dreg:$0x2];
	[bflag:$0x3] =	sbarrier.arrive $0xFFFF;
	s2 =	simm.s32 @!p0 $0x1C01  }
0x47: {  	[timem:s3], [sflag:s2] =	dma.local @!p0 [hbm:s0], s1  }
0x48: {  	s0 =	simm.s32 @!p0 $0x1  }
0x49: {  	_ =	swait.ge @!p0 [sflag:s0], s1  }
0x4a: {  	s1 =	ssub.s32 @!p0 $0x0, s1;
	[sflag:s0] =	ssyncset.done @!p0 $0x0  }
0x4b: {  	[sflag:s0] =	ssyncadd.s32 @!p0 s1  }
0x4c: {  	[bflag:$0x3] =	sbarrier.arrive $0xFFFF  }
0x4d: {  	_ =	shalt  }

</sc_bundles>
